<compile_context>
chip_gen: v7x
topology: tpu7x:2x2x1
jax: 0.10.2.dev20260603
libtpu: 0.0.44.dev20260713+nightly
codegen_flags: <defaults>
</compile_context>

<pallas_src>
import functools

import jax
import jax.numpy as jnp
from jax import lax
from jax.experimental import pallas as pl
from jax.experimental.pallas import tpu as pltpu
from jax.experimental.pallas import tpu_sc as plsc

_NUM_ACTIONS = 8
_NULL_IDX = _NUM_ACTIONS
_HIDDEN = 128
_BATCH = 16384
_TAB_ROWS = 16

_NC = 2
_NS = 16
_NW = _NC * _NS
_BPW = _BATCH // _NW
_LANES = 16
_GROUPS = _BPW // _LANES
_GF = _LANES * _HIDDEN


def _mlp_body(emb_ref, w1_ref, b1_ref, w2_ref, b2_ref, ids_ref, drop_ref,
              out_ref, tbases_ref):
    x = jnp.concatenate(
        [emb_ref[...],
         jnp.zeros((_TAB_ROWS - _NUM_ACTIONS - 1, _HIDDEN), jnp.float32)], 0)
    h = jnp.dot(x, w1_ref[...], preferred_element_type=jnp.float32)
    h = h + b1_ref[...]
    h = h * jax.nn.sigmoid(h)
    o = jnp.dot(h, w2_ref[...], preferred_element_type=jnp.float32)
    out_ref[...] = o + b2_ref[...]
    ids = ids_ref[...]
    drop = drop_ref[...]
    tbases_ref[...] = jnp.where(drop != 0, _NULL_IDX, ids) * _HIDDEN


_mlp_table = pl.pallas_call(
    _mlp_body,
    out_shape=[
        jax.ShapeDtypeStruct((_TAB_ROWS, _HIDDEN), jnp.float32),
        jax.ShapeDtypeStruct((_BATCH // _HIDDEN, _HIDDEN), jnp.int32),
    ],
)


def _gather_body(tbases_hbm, table_hbm, out_hbm, tbs_v, table_v, out_v,
                 sem_i, sem_t, sem_o):
    wid = lax.axis_index("s") * _NC + lax.axis_index("c")
    base = wid * _BPW
    cp_i = pltpu.async_copy(tbases_hbm.at[pl.ds(base, _BPW)], tbs_v, sem_i)
    cp_t = pltpu.async_copy(table_hbm, table_v, sem_t)
    cp_i.wait()
    cp_t.wait()

    obase_hbm = base * _HIDDEN

    @plsc.parallel_loop(0, _GROUPS)
    def group(g):
        sl = pl.ds(pl.multiple_of(g * _LANES, _LANES), _LANES)
        tbases = tbs_v[sl]
        obase = pl.multiple_of(g * _GF, _GF)
        for lane in range(_LANES):
            tb = pl.multiple_of(tbases[lane], _HIDDEN)
            ob = pl.multiple_of(obase + lane * _HIDDEN, _HIDDEN)
            for k in range(0, _HIDDEN, _LANES):
                out_v[pl.ds(ob + k, _LANES)] = table_v[pl.ds(tb + k, _LANES)]
        pltpu.async_copy(
            out_v.at[pl.ds(obase, _GF)],
            out_hbm.at[pl.ds(obase_hbm + obase, _GF)],
            sem_o)

    pltpu.make_async_copy(
        out_v, out_hbm.at[pl.ds(obase_hbm, _BPW * _HIDDEN)], sem_o).wait()


_gather = functools.partial(
    pl.kernel,
    out_type=jax.ShapeDtypeStruct((_BATCH * _HIDDEN,), jnp.float32),
    mesh=plsc.VectorSubcoreMesh(core_axis_name="c", subcore_axis_name="s",
                                num_cores=_NC, num_subcores=_NS),
    compiler_params=pltpu.CompilerParams(needs_layout_passes=False),
    scratch_types=[
        pltpu.VMEM((_BPW,), jnp.int32),
        pltpu.VMEM((_TAB_ROWS * _HIDDEN,), jnp.float32),
        pltpu.VMEM((_BPW * _HIDDEN,), jnp.float32),
        pltpu.SemaphoreType.DMA,
        pltpu.SemaphoreType.DMA,
        pltpu.SemaphoreType.DMA,
    ],
)(_gather_body)


@jax.jit
def kernel(action_ids, force_drop_ids, emb_table, W1, b1, W2, b2):
    table, tbases = _mlp_table(
        emb_table, W1, b1[None, :], W2, b2[None, :],
        action_ids.astype(jnp.int32).reshape(_BATCH // _HIDDEN, _HIDDEN),
        force_drop_ids.astype(jnp.int32).reshape(_BATCH // _HIDDEN, _HIDDEN))
    out = _gather(tbases.reshape(-1), table.reshape(-1))
    return out.reshape(_BATCH, 1, _HIDDEN)

# --- scband reference (transcript-rebuilt; emitter-appended) ---
"""Pipeline reference for scband-action-embedder-46823733461037 (READ-ONLY COPY).

The authoritative reference and input builder live on the scoring server;
editing this copy changes nothing except your own understanding.
"""

import jax, jax.numpy as jnp
import numpy as np

NUM_ACTIONS = 8
HIDDEN = 128
MLP_RATIO = 4
BATCH = 16384
NULL_IDX = NUM_ACTIONS


def swish(x):
    return x * jax.nn.sigmoid(x)


def setup_inputs(seed: int = 0) -> dict:
    key = jax.random.key(seed)
    k1, k2, k3, k4, k5 = jax.random.split(key, 5)
    action_ids = jax.random.randint(k1, (BATCH,), 0, NUM_ACTIONS, dtype=jnp.int64 if jax.config.jax_enable_x64 else jnp.int32)
    force_drop_ids = jax.random.randint(k2, (BATCH,), 0, 2, dtype=jnp.int64 if jax.config.jax_enable_x64 else jnp.int32)
    emb_table = jax.random.normal(k3, (NUM_ACTIONS + 1, HIDDEN), dtype=jnp.float32) * 0.02
    W1 = jax.random.normal(k4, (HIDDEN, HIDDEN * MLP_RATIO), dtype=jnp.float32) * (1.0 / np.sqrt(HIDDEN))
    b1 = jnp.zeros((HIDDEN * MLP_RATIO,), dtype=jnp.float32)
    W2 = jax.random.normal(k5, (HIDDEN * MLP_RATIO, HIDDEN), dtype=jnp.float32) * (1.0 / np.sqrt(HIDDEN * MLP_RATIO))
    b2 = jnp.zeros((HIDDEN,), dtype=jnp.float32)
    return {"action_ids": action_ids, "force_drop_ids": force_drop_ids,
            "emb_table": emb_table, "W1": W1, "b1": b1, "W2": W2, "b2": b2}


def reference(action_ids, force_drop_ids, emb_table, W1, b1, W2, b2):
    # force_drop_ids path (deterministic replacement for random dropout)
    drop_mask = force_drop_ids == 1
    ids = jnp.where(drop_mask, NULL_IDX, action_ids)
    # embedding lookup (SparseCore gather)
    embs = jnp.take(emb_table, ids, axis=0)
    # FullPrecisionMLP: Linear -> swish -> Linear, expansion ratio 4
    h = swish(embs @ W1 + b1)
    out = h @ W2 + b2
    return out[:, None, :]  # unsqueeze(1) -> [B, 1, hidden]

if __name__ == "__main__":
    import jax
    _d = setup_inputs()
    print(jax.jit(kernel)(*tuple(_d.values())))

</pallas_src>

<mosaic_0001>
#map = affine_map<(d0, d1) -> (0)>
module attributes {stable_mosaic.version = 14 : i64} {
  func.func @_gather_body(%arg0: i32, %arg1: i32, %arg2: memref<16384xi32, #tpu.memory_space<hbm>>, %arg3: memref<2048xf32, #tpu.memory_space<hbm>>, %arg4: memref<2097152xf32, #tpu.memory_space<hbm>>, %arg5: memref<512xi32, #tpu.memory_space<vmem>>, %arg6: memref<2048xf32, #tpu.memory_space<vmem>>, %arg7: memref<65536xf32, #tpu.memory_space<vmem>>, %arg8: memref<!tpu.dma_semaphore, #tpu.memory_space<semaphore_mem>>, %arg9: memref<!tpu.dma_semaphore, #tpu.memory_space<semaphore_mem>>, %arg10: memref<!tpu.dma_semaphore, #tpu.memory_space<semaphore_mem>>) attributes {dimension_semantics = [#tpu.dimension_semantics<core_parallel>, #tpu.dimension_semantics<subcore_parallel>], iteration_bounds = array<i64: 2, 16>, scalar_prefetch = 0 : i64, scratch_operands = 6 : i64, tpu.core_type = #tpu.core_type<sc_vector_subcore>, window_params = [{transform_indices = #map}, {transform_indices = #map}, {transform_indices = #map}]} {
    %mul3A = arith.constant 2 : i32
    %mul3A_0 = arith.muli %arg1, %mul3A : i32
    %add3A = arith.addi %mul3A_0, %arg0 : i32
    %mul3A_1 = arith.constant 512 : i32
    %mul3A_2 = arith.muli %add3A, %mul3A_1 : i32
    %dma_start3A = tpu.memref_slice %arg2[%mul3A_2] : memref<16384xi32, #tpu.memory_space<hbm>> -> memref<512xi32, #tpu.memory_space<hbm>>
    %dma_start3A_3 = tpu.memref_slice %arg2[%mul3A_2] : memref<16384xi32, #tpu.memory_space<hbm>> -> memref<512xi32, #tpu.memory_space<hbm>>
    tpu.enqueue_dma source(%dma_start3A_3 : memref<512xi32, #tpu.memory_space<hbm>>) target(%arg5 : memref<512xi32, #tpu.memory_space<vmem>>) target_semaphore(%arg8 : memref<!tpu.dma_semaphore, #tpu.memory_space<semaphore_mem>>)
    tpu.enqueue_dma source(%arg3 : memref<2048xf32, #tpu.memory_space<hbm>>) target(%arg6 : memref<2048xf32, #tpu.memory_space<vmem>>) target_semaphore(%arg9 : memref<!tpu.dma_semaphore, #tpu.memory_space<semaphore_mem>>)
    %dma_wait3A = tpu.memref_slice %arg2[%mul3A_2] : memref<16384xi32, #tpu.memory_space<hbm>> -> memref<512xi32, #tpu.memory_space<hbm>>
    %dma_wait3A_4 = tpu.memref_slice %arg2[%mul3A_2] : memref<16384xi32, #tpu.memory_space<hbm>> -> memref<512xi32, #tpu.memory_space<hbm>>
    tpu.wait_dma2 semaphore(%arg8 : memref<!tpu.dma_semaphore, #tpu.memory_space<semaphore_mem>>) src(%dma_wait3A_4 : memref<512xi32, #tpu.memory_space<hbm>>) dst(%arg5 : memref<512xi32, #tpu.memory_space<vmem>>)
    tpu.wait_dma2 semaphore(%arg9 : memref<!tpu.dma_semaphore, #tpu.memory_space<semaphore_mem>>) src(%arg3 : memref<2048xf32, #tpu.memory_space<hbm>>) dst(%arg6 : memref<2048xf32, #tpu.memory_space<vmem>>)
    %mul3A_5 = arith.constant 128 : i32
    %mul3A_6 = arith.muli %mul3A_2, %mul3A_5 : i32
    %parallel_loop3A = arith.constant 0 : i32
    %parallel_loop3A_7 = arith.constant 32 : i32
    %parallel_loop3A_8 = arith.constant 1 : i32
    scf.for %parallel_loop3A_11 = %parallel_loop3A to %parallel_loop3A_7 step %parallel_loop3A_8  : i32 {
      %parallel_loop3A_12 = arith.constant 16 : i32
      %parallel_loop3A_13 = arith.muli %parallel_loop3A_11, %parallel_loop3A_12 : i32
      %parallel_loop3A_14 = tpu.assume_multiple %parallel_loop3A_13, 16 : i32
      %parallel_loop3A_15 = arith.index_cast %parallel_loop3A_14 : i32 to index
      %parallel_loop3A_16 = tpu.vector_load %arg5[%parallel_loop3A_15] {strides = array<i32>} : memref<512xi32, #tpu.memory_space<vmem>>, vector<16xi32>,
      %parallel_loop3A_17 = arith.constant 2048 : i32
      %parallel_loop3A_18 = arith.muli %parallel_loop3A_11, %parallel_loop3A_17 : i32
      %parallel_loop3A_19 = tpu.assume_multiple %parallel_loop3A_18, 2048 : i32
      %parallel_loop3A_20 = vector.extract_strided_slice %parallel_loop3A_16 {offsets = [0], sizes = [1], strides = [1]} : vector<16xi32> to vector<1xi32>
      %parallel_loop3A_21 = vector.extract %parallel_loop3A_20[0] : i32 from vector<1xi32>
      %parallel_loop3A_22 = tpu.assume_multiple %parallel_loop3A_21, 128 : i32
      %parallel_loop3A_23 = arith.constant 0 : i32
      %parallel_loop3A_24 = arith.addi %parallel_loop3A_19, %parallel_loop3A_23 : i32
      %parallel_loop3A_25 = tpu.assume_multiple %parallel_loop3A_24, 128 : i32
      %parallel_loop3A_26 = arith.constant 0 : i32
      %parallel_loop3A_27 = arith.addi %parallel_loop3A_22, %parallel_loop3A_26 : i32
      %parallel_loop3A_28 = arith.index_cast %parallel_loop3A_27 : i32 to index
      %parallel_loop3A_29 = tpu.vector_load %arg6[%parallel_loop3A_28] {strides = array<i32>} : memref<2048xf32, #tpu.memory_space<vmem>>, vector<16xf32>,
      %parallel_loop3A_30 = arith.constant 0 : i32
      %parallel_loop3A_31 = arith.addi %parallel_loop3A_25, %parallel_loop3A_30 : i32
      %parallel_loop3A_32 = arith.index_cast %parallel_loop3A_31 : i32 to index
      %parallel_loop3A_33 = tpu.vector_load %arg7[%parallel_loop3A_32] {strides = array<i32>} : memref<65536xf32, #tpu.memory_space<vmem>>, vector<16xf32>,
      tpu.vector_store %arg7[%parallel_loop3A_32], %parallel_loop3A_29 {strides = array<i32>} : memref<65536xf32, #tpu.memory_space<vmem>>, vector<16xf32>,
      %parallel_loop3A_34 = arith.constant 16 : i32
      %parallel_loop3A_35 = arith.addi %parallel_loop3A_22, %parallel_loop3A_34 : i32
      %parallel_loop3A_36 = arith.index_cast %parallel_loop3A_35 : i32 to index
      %parallel_loop3A_37 = tpu.vector_load %arg6[%parallel_loop3A_36] {strides = array<i32>} : memref<2048xf32, #tpu.memory_space<vmem>>, vector<16xf32>,
      %parallel_loop3A_38 = arith.constant 16 : i32
      %parallel_loop3A_39 = arith.addi %parallel_loop3A_25, %parallel_loop3A_38 : i32
      %parallel_loop3A_40 = arith.index_cast %parallel_loop3A_39 : i32 to index
      %parallel_loop3A_41 = tpu.vector_load %arg7[%parallel_loop3A_40] {strides = array<i32>} : memref<65536xf32, #tpu.memory_space<vmem>>, vector<16xf32>,
      tpu.vector_store %arg7[%parallel_loop3A_40], %parallel_loop3A_37 {strides = array<i32>} : memref<65536xf32, #tpu.memory_space<vmem>>, vector<16xf32>,
      %parallel_loop3A_42 = arith.constant 32 : i32
      %parallel_loop3A_43 = arith.addi %parallel_loop3A_22, %parallel_loop3A_42 : i32
      %parallel_loop3A_44 = arith.index_cast %parallel_loop3A_43 : i32 to index
      %parallel_loop3A_45 = tpu.vector_load %arg6[%parallel_loop3A_44] {strides = array<i32>} : memref<2048xf32, #tpu.memory_space<vmem>>, vector<16xf32>,
      %parallel_loop3A_46 = arith.constant 32 : i32
      %parallel_loop3A_47 = arith.addi %parallel_loop3A_25, %parallel_loop3A_46 : i32
      %parallel_loop3A_48 = arith.index_cast %parallel_loop3A_47 : i32 to index
      %parallel_loop3A_49 = tpu.vector_load %arg7[%parallel_loop3A_48] {strides = array<i32>} : memref<65536xf32, #tpu.memory_space<vmem>>, vector<16xf32>,
      tpu.vector_store %arg7[%parallel_loop3A_48], %parallel_loop3A_45 {strides = array<i32>} : memref<65536xf32, #tpu.memory_space<vmem>>, vector<16xf32>,
      %parallel_loop3A_50 = arith.constant 48 : i32
      %parallel_loop3A_51 = arith.addi %parallel_loop3A_22, %parallel_loop3A_50 : i32
      %parallel_loop3A_52 = arith.index_cast %parallel_loop3A_51 : i32 to index
      %parallel_loop3A_53 = tpu.vector_load %arg6[%parallel_loop3A_52] {strides = array<i32>} : memref<2048xf32, #tpu.memory_space<vmem>>, vector<16xf32>,
      %parallel_loop3A_54 = arith.constant 48 : i32
      %parallel_loop3A_55 = arith.addi %parallel_loop3A_25, %parallel_loop3A_54 : i32
      %parallel_loop3A_56 = arith.index_cast %parallel_loop3A_55 : i32 to index
      %parallel_loop3A_57 = tpu.vector_load %arg7[%parallel_loop3A_56] {strides = array<i32>} : memref<65536xf32, #tpu.memory_space<vmem>>, vector<16xf32>,
      tpu.vector_store %arg7[%parallel_loop3A_56], %parallel_loop3A_53 {strides = array<i32>} : memref<65536xf32, #tpu.memory_space<vmem>>, vector<16xf32>,
      %parallel_loop3A_58 = arith.constant 64 : i32
      %parallel_loop3A_59 = arith.addi %parallel_loop3A_22, %parallel_loop3A_58 : i32
      %parallel_loop3A_60 = arith.index_cast %parallel_loop3A_59 : i32 to index
      %parallel_loop3A_61 = tpu.vector_load %arg6[%parallel_loop3A_60] {strides = array<i32>} : memref<2048xf32, #tpu.memory_space<vmem>>, vector<16xf32>,
      %parallel_loop3A_62 = arith.constant 64 : i32
      %parallel_loop3A_63 = arith.addi %parallel_loop3A_25, %parallel_loop3A_62 : i32
      %parallel_loop3A_64 = arith.index_cast %parallel_loop3A_63 : i32 to index
      %parallel_loop3A_65 = tpu.vector_load %arg7[%parallel_loop3A_64] {strides = array<i32>} : memref<65536xf32, #tpu.memory_space<vmem>>, vector<16xf32>,
      tpu.vector_store %arg7[%parallel_loop3A_64], %parallel_loop3A_61 {strides = array<i32>} : memref<65536xf32, #tpu.memory_space<vmem>>, vector<16xf32>,
      %parallel_loop3A_66 = arith.constant 80 : i32
      %parallel_loop3A_67 = arith.addi %parallel_loop3A_22, %parallel_loop3A_66 : i32
      %parallel_loop3A_68 = arith.index_cast %parallel_loop3A_67 : i32 to index
      %parallel_loop3A_69 = tpu.vector_load %arg6[%parallel_loop3A_68] {strides = array<i32>} : memref<2048xf32, #tpu.memory_space<vmem>>, vector<16xf32>,
      %parallel_loop3A_70 = arith.constant 80 : i32
      %parallel_loop3A_71 = arith.addi %parallel_loop3A_25, %parallel_loop3A_70 : i32
      %parallel_loop3A_72 = arith.index_cast %parallel_loop3A_71 : i32 to index
      %parallel_loop3A_73 = tpu.vector_load %arg7[%parallel_loop3A_72] {strides = array<i32>} : memref<65536xf32, #tpu.memory_space<vmem>>, vector<16xf32>,
      tpu.vector_store %arg7[%parallel_loop3A_72], %parallel_loop3A_69 {strides = array<i32>} : memref<65536xf32, #tpu.memory_space<vmem>>, vector<16xf32>,
      %parallel_loop3A_74 = arith.constant 96 : i32
      %parallel_loop3A_75 = arith.addi %parallel_loop3A_22, %parallel_loop3A_74 : i32
      %parallel_loop3A_76 = arith.index_cast %parallel_loop3A_75 : i32 to index
      %parallel_loop3A_77 = tpu.vector_load %arg6[%parallel_loop3A_76] {strides = array<i32>} : memref<2048xf32, #tpu.memory_space<vmem>>, vector<16xf32>,
      %parallel_loop3A_78 = arith.constant 96 : i32
      %parallel_loop3A_79 = arith.addi %parallel_loop3A_25, %parallel_loop3A_78 : i32
      %parallel_loop3A_80 = arith.index_cast %parallel_loop3A_79 : i32 to index
      %parallel_loop3A_81 = tpu.vector_load %arg7[%parallel_loop3A_80] {strides = array<i32>} : memref<65536xf32, #tpu.memory_space<vmem>>, vector<16xf32>,
      tpu.vector_store %arg7[%parallel_loop3A_80], %parallel_loop3A_77 {strides = array<i32>} : memref<65536xf32, #tpu.memory_space<vmem>>, vector<16xf32>,
      %parallel_loop3A_82 = arith.constant 112 : i32
      %parallel_loop3A_83 = arith.addi %parallel_loop3A_22, %parallel_loop3A_82 : i32
      %parallel_loop3A_84 = arith.index_cast %parallel_loop3A_83 : i32 to index
      %parallel_loop3A_85 = tpu.vector_load %arg6[%parallel_loop3A_84] {strides = array<i32>} : memref<2048xf32, #tpu.memory_space<vmem>>, vector<16xf32>,
      %parallel_loop3A_86 = arith.constant 112 : i32
      %parallel_loop3A_87 = arith.addi %parallel_loop3A_25, %parallel_loop3A_86 : i32
      %parallel_loop3A_88 = arith.index_cast %parallel_loop3A_87 : i32 to index
      %parallel_loop3A_89 = tpu.vector_load %arg7[%parallel_loop3A_88] {strides = array<i32>} : memref<65536xf32, #tpu.memory_space<vmem>>, vector<16xf32>,
      tpu.vector_store %arg7[%parallel_loop3A_88], %parallel_loop3A_85 {strides = array<i32>} : memref<65536xf32, #tpu.memory_space<vmem>>, vector<16xf32>,
      %parallel_loop3A_90 = vector.extract_strided_slice %parallel_loop3A_16 {offsets = [1], sizes = [1], strides = [1]} : vector<16xi32> to vector<1xi32>
      %parallel_loop3A_91 = vector.extract %parallel_loop3A_90[0] : i32 from vector<1xi32>
      %parallel_loop3A_92 = tpu.assume_multiple %parallel_loop3A_91, 128 : i32
      %parallel_loop3A_93 = arith.constant 128 : i32
      %parallel_loop3A_94 = arith.addi %parallel_loop3A_19, %parallel_loop3A_93 : i32
      %parallel_loop3A_95 = tpu.assume_multiple %parallel_loop3A_94, 128 : i32
      %parallel_loop3A_96 = arith.constant 0 : i32
      %parallel_loop3A_97 = arith.addi %parallel_loop3A_92, %parallel_loop3A_96 : i32
      %parallel_loop3A_98 = arith.index_cast %parallel_loop3A_97 : i32 to index
      %parallel_loop3A_99 = tpu.vector_load %arg6[%parallel_loop3A_98] {strides = array<i32>} : memref<2048xf32, #tpu.memory_space<vmem>>, vector<16xf32>,
      %parallel_loop3A_100 = arith.constant 0 : i32
      %parallel_loop3A_101 = arith.addi %parallel_loop3A_95, %parallel_loop3A_100 : i32
      %parallel_loop3A_102 = arith.index_cast %parallel_loop3A_101 : i32 to index
      %parallel_loop3A_103 = tpu.vector_load %arg7[%parallel_loop3A_102] {strides = array<i32>} : memref<65536xf32, #tpu.memory_space<vmem>>, vector<16xf32>,
      tpu.vector_store %arg7[%parallel_loop3A_102], %parallel_loop3A_99 {strides = array<i32>} : memref<65536xf32, #tpu.memory_space<vmem>>, vector<16xf32>,
      %parallel_loop3A_104 = arith.constant 16 : i32
      %parallel_loop3A_105 = arith.addi %parallel_loop3A_92, %parallel_loop3A_104 : i32
      %parallel_loop3A_106 = arith.index_cast %parallel_loop3A_105 : i32 to index
      %parallel_loop3A_107 = tpu.vector_load %arg6[%parallel_loop3A_106] {strides = array<i32>} : memref<2048xf32, #tpu.memory_space<vmem>>, vector<16xf32>,
      %parallel_loop3A_108 = arith.constant 16 : i32
      %parallel_loop3A_109 = arith.addi %parallel_loop3A_95, %parallel_loop3A_108 : i32
      %parallel_loop3A_110 = arith.index_cast %parallel_loop3A_109 : i32 to index
      %parallel_loop3A_111 = tpu.vector_load %arg7[%parallel_loop3A_110] {strides = array<i32>} : memref<65536xf32, #tpu.memory_space<vmem>>, vector<16xf32>,
      tpu.vector_store %arg7[%parallel_loop3A_110], %parallel_loop3A_107 {strides = array<i32>} : memref<65536xf32, #tpu.memory_space<vmem>>, vector<16xf32>,
      %parallel_loop3A_112 = arith.constant 32 : i32
      %parallel_loop3A_113 = arith.addi %parallel_loop3A_92, %parallel_loop3A_112 : i32
      %parallel_loop3A_114 = arith.index_cast %parallel_loop3A_113 : i32 to index
      %parallel_loop3A_115 = tpu.vector_load %arg6[%parallel_loop3A_114] {strides = array<i32>} : memref<2048xf32, #tpu.memory_space<vmem>>, vector<16xf32>,
      %parallel_loop3A_116 = arith.constant 32 : i32
      %parallel_loop3A_117 = arith.addi %parallel_loop3A_95, %parallel_loop3A_116 : i32
      %parallel_loop3A_118 = arith.index_cast %parallel_loop3A_117 : i32 to index
      %parallel_loop3A_119 = tpu.vector_load %arg7[%parallel_loop3A_118] {strides = array<i32>} : memref<65536xf32, #tpu.memory_space<vmem>>, vector<16xf32>,
      tpu.vector_store %arg7[%parallel_loop3A_118], %parallel_loop3A_115 {strides = array<i32>} : memref<65536xf32, #tpu.memory_space<vmem>>, vector<16xf32>,
      %parallel_loop3A_120 = arith.constant 48 : i32
      %parallel_loop3A_121 = arith.addi %parallel_loop3A_92, %parallel_loop3A_120 : i32
      %parallel_loop3A_122 = arith.index_cast %parallel_loop3A_121 : i32 to index
      %parallel_loop3A_123 = tpu.vector_load %arg6[%parallel_loop3A_122] {strides = array<i32>} : memref<2048xf32, #tpu.memory_space<vmem>>, vector<16xf32>,
      %parallel_loop3A_124 = arith.constant 48 : i32
      %parallel_loop3A_125 = arith.addi %parallel_loop3A_95, %parallel_loop3A_124 : i32
      %parallel_loop3A_126 = arith.index_cast %parallel_loop3A_125 : i32 to index
      %parallel_loop3A_127 = tpu.vector_load %arg7[%parallel_loop3A_126] {strides = array<i32>} : memref<65536xf32, #tpu.memory_space<vmem>>, vector<16xf32>,
      tpu.vector_store %arg7[%parallel_loop3A_126], %parallel_loop3A_123 {strides = array<i32>} : memref<65536xf32, #tpu.memory_space<vmem>>, vector<16xf32>,
      %parallel_loop3A_128 = arith.constant 64 : i32
      %parallel_loop3A_129 = arith.addi %parallel_loop3A_92, %parallel_loop3A_128 : i32
      %parallel_loop3A_130 = arith.index_cast %parallel_loop3A_129 : i32 to index
      %parallel_loop3A_131 = tpu.vector_load %arg6[%parallel_loop3A_130] {strides = array<i32>} : memref<2048xf32, #tpu.memory_space<vmem>>, vector<16xf32>,
      %parallel_loop3A_132 = arith.constant 64 : i32
      %parallel_loop3A_133 = arith.addi %parallel_loop3A_95, %parallel_loop3A_132 : i32
      %parallel_loop3A_134 = arith.index_cast %parallel_loop3A_133 : i32 to index
      %parallel_loop3A_135 = tpu.vector_load %arg7[%parallel_loop3A_134] {strides = array<i32>} : memref<65536xf32, #tpu.memory_space<vmem>>, vector<16xf32>,
      tpu.vector_store %arg7[%parallel_loop3A_134], %parallel_loop3A_131 {strides = array<i32>} : memref<65536xf32, #tpu.memory_space<vmem>>, vector<16xf32>,
      %parallel_loop3A_136 = arith.constant 80 : i32
      %parallel_loop3A_137 = arith.addi %parallel_loop3A_92, %parallel_loop3A_136 : i32
      %parallel_loop3A_138 = arith.index_cast %parallel_loop3A_137 : i32 to index
      %parallel_loop3A_139 = tpu.vector_load %arg6[%parallel_loop3A_138] {strides = array<i32>} : memref<2048xf32, #tpu.memory_space<vmem>>, vector<16xf32>,
      %parallel_loop3A_140 = arith.constant 80 : i32
      %parallel_loop3A_141 = arith.addi %parallel_loop3A_95, %parallel_loop3A_140 : i32
      %parallel_loop3A_142 = arith.index_cast %parallel_loop3A_141 : i32 to index
      %parallel_loop3A_143 = tpu.vector_load %arg7[%parallel_loop3A_142] {strides = array<i32>} : memref<65536xf32, #tpu.memory_space<vmem>>, vector<16xf32>,
      tpu.vector_store %arg7[%parallel_loop3A_142], %parallel_loop3A_139 {strides = array<i32>} : memref<65536xf32, #tpu.memory_space<vmem>>, vector<16xf32>,
      %parallel_loop3A_144 = arith.constant 96 : i32
      %parallel_loop3A_145 = arith.addi %parallel_loop3A_92, %parallel_loop3A_144 : i32
      %parallel_loop3A_146 = arith.index_cast %parallel_loop3A_145 : i32 to index
      %parallel_loop3A_147 = tpu.vector_load %arg6[%parallel_loop3A_146] {strides = array<i32>} : memref<2048xf32, #tpu.memory_space<vmem>>, vector<16xf32>,
      %parallel_loop3A_148 = arith.constant 96 : i32
      %parallel_loop3A_149 = arith.addi %parallel_loop3A_95, %parallel_loop3A_148 : i32
      %parallel_loop3A_150 = arith.index_cast %parallel_loop3A_149 : i32 to index
      %parallel_loop3A_151 = tpu.vector_load %arg7[%parallel_loop3A_150] {strides = array<i32>} : memref<65536xf32, #tpu.memory_space<vmem>>, vector<16xf32>,
      tpu.vector_store %arg7[%parallel_loop3A_150], %parallel_loop3A_147 {strides = array<i32>} : memref<65536xf32, #tpu.memory_space<vmem>>, vector<16xf32>,
      %parallel_loop3A_152 = arith.constant 112 : i32
      %parallel_loop3A_153 = arith.addi %parallel_loop3A_92, %parallel_loop3A_152 : i32
      %parallel_loop3A_154 = arith.index_cast %parallel_loop3A_153 : i32 to index
      %parallel_loop3A_155 = tpu.vector_load %arg6[%parallel_loop3A_154] {strides = array<i32>} : memref<2048xf32, #tpu.memory_space<vmem>>, vector<16xf32>,
      %parallel_loop3A_156 = arith.constant 112 : i32
      %parallel_loop3A_157 = arith.addi %parallel_loop3A_95, %parallel_loop3A_156 : i32
      %parallel_loop3A_158 = arith.index_cast %parallel_loop3A_157 : i32 to index
      %parallel_loop3A_159 = tpu.vector_load %arg7[%parallel_loop3A_158] {strides = array<i32>} : memref<65536xf32, #tpu.memory_space<vmem>>, vector<16xf32>,
      tpu.vector_store %arg7[%parallel_loop3A_158], %parallel_loop3A_155 {strides = array<i32>} : memref<65536xf32, #tpu.memory_space<vmem>>, vector<16xf32>,
      %parallel_loop3A_160 = vector.extract_strided_slice %parallel_loop3A_16 {offsets = [2], sizes = [1], strides = [1]} : vector<16xi32> to vector<1xi32>
      %parallel_loop3A_161 = vector.extract %parallel_loop3A_160[0] : i32 from vector<1xi32>
      %parallel_loop3A_162 = tpu.assume_multiple %parallel_loop3A_161, 128 : i32
      %parallel_loop3A_163 = arith.constant 256 : i32
      %parallel_loop3A_164 = arith.addi %parallel_loop3A_19, %parallel_loop3A_163 : i32
      %parallel_loop3A_165 = tpu.assume_multiple %parallel_loop3A_164, 128 : i32
      %parallel_loop3A_166 = arith.constant 0 : i32
      %parallel_loop3A_167 = arith.addi %parallel_loop3A_162, %parallel_loop3A_166 : i32
      %parallel_loop3A_168 = arith.index_cast %parallel_loop3A_167 : i32 to index
      %parallel_loop3A_169 = tpu.vector_load %arg6[%parallel_loop3A_168] {strides = array<i32>} : memref<2048xf32, #tpu.memory_space<vmem>>, vector<16xf32>,
      %parallel_loop3A_170 = arith.constant 0 : i32
      %parallel_loop3A_171 = arith.addi %parallel_loop3A_165, %parallel_loop3A_170 : i32
      %parallel_loop3A_172 = arith.index_cast %parallel_loop3A_171 : i32 to index
      %parallel_loop3A_173 = tpu.vector_load %arg7[%parallel_loop3A_172] {strides = array<i32>} : memref<65536xf32, #tpu.memory_space<vmem>>, vector<16xf32>,
      tpu.vector_store %arg7[%parallel_loop3A_172], %parallel_loop3A_169 {strides = array<i32>} : memref<65536xf32, #tpu.memory_space<vmem>>, vector<16xf32>,
      %parallel_loop3A_174 = arith.constant 16 : i32
      %parallel_loop3A_175 = arith.addi %parallel_loop3A_162, %parallel_loop3A_174 : i32
      %parallel_loop3A_176 = arith.index_cast %parallel_loop3A_175 : i32 to index
      %parallel_loop3A_177 = tpu.vector_load %arg6[%parallel_loop3A_176] {strides = array<i32>} : memref<2048xf32, #tpu.memory_space<vmem>>, vector<16xf32>,
      %parallel_loop3A_178 = arith.constant 16 : i32
      %parallel_loop3A_179 = arith.addi %parallel_loop3A_165, %parallel_loop3A_178 : i32
      %parallel_loop3A_180 = arith.index_cast %parallel_loop3A_179 : i32 to index
      %parallel_loop3A_181 = tpu.vector_load %arg7[%parallel_loop3A_180] {strides = array<i32>} : memref<65536xf32, #tpu.memory_space<vmem>>, vector<16xf32>,
      tpu.vector_store %arg7[%parallel_loop3A_180], %parallel_loop3A_177 {strides = array<i32>} : memref<65536xf32, #tpu.memory_space<vmem>>, vector<16xf32>,
      %parallel_loop3A_182 = arith.constant 32 : i32
      %parallel_loop3A_183 = arith.addi %parallel_loop3A_162, %parallel_loop3A_182 : i32
      %parallel_loop3A_184 = arith.index_cast %parallel_loop3A_183 : i32 to index
      %parallel_loop3A_185 = tpu.vector_load %arg6[%parallel_loop3A_184] {strides = array<i32>} : memref<2048xf32, #tpu.memory_space<vmem>>, vector<16xf32>,
      %parallel_loop3A_186 = arith.constant 32 : i32
      %parallel_loop3A_187 = arith.addi %parallel_loop3A_165, %parallel_loop3A_186 : i32
      %parallel_loop3A_188 = arith.index_cast %parallel_loop3A_187 : i32 to index
      %parallel_loop3A_189 = tpu.vector_load %arg7[%parallel_loop3A_188] {strides = array<i32>} : memref<65536xf32, #tpu.memory_space<vmem>>, vector<16xf32>,
      tpu.vector_store %arg7[%parallel_loop3A_188], %parallel_loop3A_185 {strides = array<i32>} : memref<65536xf32, #tpu.memory_space<vmem>>, vector<16xf32>,
      %parallel_loop3A_190 = arith.constant 48 : i32
      %parallel_loop3A_191 = arith.addi %parallel_loop3A_162, %parallel_loop3A_190 : i32
      %parallel_loop3A_192 = arith.index_cast %parallel_loop3A_191 : i32 to index
      %parallel_loop3A_193 = tpu.vector_load %arg6[%parallel_loop3A_192] {strides = array<i32>} : memref<2048xf32, #tpu.memory_space<vmem>>, vector<16xf32>,
      %parallel_loop3A_194 = arith.constant 48 : i32
      %parallel_loop3A_195 = arith.addi %parallel_loop3A_165, %parallel_loop3A_194 : i32
      %parallel_loop3A_196 = arith.index_cast %parallel_loop3A_195 : i32 to index
      %parallel_loop3A_197 = tpu.vector_load %arg7[%parallel_loop3A_196] {strides = array<i32>} : memref<65536xf32, #tpu.memory_space<vmem>>, vector<16xf32>,
      tpu.vector_store %arg7[%parallel_loop3A_196], %parallel_loop3A_193 {strides = array<i32>} : memref<65536xf32, #tpu.memory_space<vmem>>, vector<16xf32>,
      %parallel_loop3A_198 = arith.constant 64 : i32
      %parallel_loop3A_199 = arith.addi %parallel_loop3A_162, %parallel_loop3A_198 : i32
      %parallel_loop3A_200 = arith.index_cast %parallel_loop3A_199 : i32 to index
      %parallel_loop3A_201 = tpu.vector_load %arg6[%parallel_loop3A_200] {strides = array<i32>} : memref<2048xf32, #tpu.memory_space<vmem>>, vector<16xf32>,
      %parallel_loop3A_202 = arith.constant 64 : i32
      %parallel_loop3A_203 = arith.addi %parallel_loop3A_165, %parallel_loop3A_202 : i32
      %parallel_loop3A_204 = arith.index_cast %parallel_loop3A_203 : i32 to index
      %parallel_loop3A_205 = tpu.vector_load %arg7[%parallel_loop3A_204] {strides = array<i32>} : memref<65536xf32, #tpu.memory_space<vmem>>, vector<16xf32>,
      tpu.vector_store %arg7[%parallel_loop3A_204], %parallel_loop3A_201 {strides = array<i32>} : memref<65536xf32, #tpu.memory_space<vmem>>, vector<16xf32>,
      %parallel_loop3A_206 = arith.constant 80 : i32
      %parallel_loop3A_207 = arith.addi %parallel_loop3A_162, %parallel_loop3A_206 : i32
      %parallel_loop3A_208 = arith.index_cast %parallel_loop3A_207 : i32 to index
      %parallel_loop3A_209 = tpu.vector_load %arg6[%parallel_loop3A_208] {strides = array<i32>} : memref<2048xf32, #tpu.memory_space<vmem>>, vector<16xf32>,
      %parallel_loop3A_210 = arith.constant 80 : i32
      %parallel_loop3A_211 = arith.addi %parallel_loop3A_165, %parallel_loop3A_210 : i32
      %parallel_loop3A_212 = arith.index_cast %parallel_loop3A_211 : i32 to index
      %parallel_loop3A_213 = tpu.vector_load %arg7[%parallel_loop3A_212] {strides = array<i32>} : memref<65536xf32, #tpu.memory_space<vmem>>, vector<16xf32>,
      tpu.vector_store %arg7[%parallel_loop3A_212], %parallel_loop3A_209 {strides = array<i32>} : memref<65536xf32, #tpu.memory_space<vmem>>, vector<16xf32>,
      %parallel_loop3A_214 = arith.constant 96 : i32
      %parallel_loop3A_215 = arith.addi %parallel_loop3A_162, %parallel_loop3A_214 : i32
      %parallel_loop3A_216 = arith.index_cast %parallel_loop3A_215 : i32 to index
      %parallel_loop3A_217 = tpu.vector_load %arg6[%parallel_loop3A_216] {strides = array<i32>} : memref<2048xf32, #tpu.memory_space<vmem>>, vector<16xf32>,
      %parallel_loop3A_218 = arith.constant 96 : i32
      %parallel_loop3A_219 = arith.addi %parallel_loop3A_165, %parallel_loop3A_218 : i32
      %parallel_loop3A_220 = arith.index_cast %parallel_loop3A_219 : i32 to index
      %parallel_loop3A_221 = tpu.vector_load %arg7[%parallel_loop3A_220] {strides = array<i32>} : memref<65536xf32, #tpu.memory_space<vmem>>, vector<16xf32>,
      tpu.vector_store %arg7[%parallel_loop3A_220], %parallel_loop3A_217 {strides = array<i32>} : memref<65536xf32, #tpu.memory_space<vmem>>, vector<16xf32>,
      %parallel_loop3A_222 = arith.constant 112 : i32
      %parallel_loop3A_223 = arith.addi %parallel_loop3A_162, %parallel_loop3A_222 : i32
      %parallel_loop3A_224 = arith.index_cast %parallel_loop3A_223 : i32 to index
      %parallel_loop3A_225 = tpu.vector_load %arg6[%parallel_loop3A_224] {strides = array<i32>} : memref<2048xf32, #tpu.memory_space<vmem>>, vector<16xf32>,
      %parallel_loop3A_226 = arith.constant 112 : i32
      %parallel_loop3A_227 = arith.addi %parallel_loop3A_165, %parallel_loop3A_226 : i32
      %parallel_loop3A_228 = arith.index_cast %parallel_loop3A_227 : i32 to index
      %parallel_loop3A_229 = tpu.vector_load %arg7[%parallel_loop3A_228] {strides = array<i32>} : memref<65536xf32, #tpu.memory_space<vmem>>, vector<16xf32>,
      tpu.vector_store %arg7[%parallel_loop3A_228], %parallel_loop3A_225 {strides = array<i32>} : memref<65536xf32, #tpu.memory_space<vmem>>, vector<16xf32>,
      %parallel_loop3A_230 = vector.extract_strided_slice %parallel_loop3A_16 {offsets = [3], sizes = [1], strides = [1]} : vector<16xi32> to vector<1xi32>
      %parallel_loop3A_231 = vector.extract %parallel_loop3A_230[0] : i32 from vector<1xi32>
      %parallel_loop3A_232 = tpu.assume_multiple %parallel_loop3A_231, 128 : i32
      %parallel_loop3A_233 = arith.constant 384 : i32
      %parallel_loop3A_234 = arith.addi %parallel_loop3A_19, %parallel_loop3A_233 : i32
      %parallel_loop3A_235 = tpu.assume_multiple %parallel_loop3A_234, 128 : i32
      %parallel_loop3A_236 = arith.constant 0 : i32
      %parallel_loop3A_237 = arith.addi %parallel_loop3A_232, %parallel_loop3A_236 : i32
      %parallel_loop3A_238 = arith.index_cast %parallel_loop3A_237 : i32 to index
      %parallel_loop3A_239 = tpu.vector_load %arg6[%parallel_loop3A_238] {strides = array<i32>} : memref<2048xf32, #tpu.memory_space<vmem>>, vector<16xf32>,
      %parallel_loop3A_240 = arith.constant 0 : i32
      %parallel_loop3A_241 = arith.addi %parallel_loop3A_235, %parallel_loop3A_240 : i32
      %parallel_loop3A_242 = arith.index_cast %parallel_loop3A_241 : i32 to index
      %parallel_loop3A_243 = tpu.vector_load %arg7[%parallel_loop3A_242] {strides = array<i32>} : memref<65536xf32, #tpu.memory_space<vmem>>, vector<16xf32>,
      tpu.vector_store %arg7[%parallel_loop3A_242], %parallel_loop3A_239 {strides = array<i32>} : memref<65536xf32, #tpu.memory_space<vmem>>, vector<16xf32>,
      %parallel_loop3A_244 = arith.constant 16 : i32
      %parallel_loop3A_245 = arith.addi %parallel_loop3A_232, %parallel_loop3A_244 : i32
      %parallel_loop3A_246 = arith.index_cast %parallel_loop3A_245 : i32 to index
      %parallel_loop3A_247 = tpu.vector_load %arg6[%parallel_loop3A_246] {strides = array<i32>} : memref<2048xf32, #tpu.memory_space<vmem>>, vector<16xf32>,
      %parallel_loop3A_248 = arith.constant 16 : i32
      %parallel_loop3A_249 = arith.addi %parallel_loop3A_235, %parallel_loop3A_248 : i32
      %parallel_loop3A_250 = arith.index_cast %parallel_loop3A_249 : i32 to index
      %parallel_loop3A_251 = tpu.vector_load %arg7[%parallel_loop3A_250] {strides = array<i32>} : memref<65536xf32, #tpu.memory_space<vmem>>, vector<16xf32>,
      tpu.vector_store %arg7[%parallel_loop3A_250], %parallel_loop3A_247 {strides = array<i32>} : memref<65536xf32, #tpu.memory_space<vmem>>, vector<16xf32>,
      %parallel_loop3A_252 = arith.constant 32 : i32
      %parallel_loop3A_253 = arith.addi %parallel_loop3A_232, %parallel_loop3A_252 : i32
      %parallel_loop3A_254 = arith.index_cast %parallel_loop3A_253 : i32 to index
      %parallel_loop3A_255 = tpu.vector_load %arg6[%parallel_loop3A_254] {strides = array<i32>} : memref<2048xf32, #tpu.memory_space<vmem>>, vector<16xf32>,
      %parallel_loop3A_256 = arith.constant 32 : i32
      %parallel_loop3A_257 = arith.addi %parallel_loop3A_235, %parallel_loop3A_256 : i32
      %parallel_loop3A_258 = arith.index_cast %parallel_loop3A_257 : i32 to index
      %parallel_loop3A_259 = tpu.vector_load %arg7[%parallel_loop3A_258] {strides = array<i32>} : memref<65536xf32, #tpu.memory_space<vmem>>, vector<16xf32>,
      tpu.vector_store %arg7[%parallel_loop3A_258], %parallel_loop3A_255 {strides = array<i32>} : memref<65536xf32, #tpu.memory_space<vmem>>, vector<16xf32>,
      %parallel_loop3A_260 = arith.constant 48 : i32
      %parallel_loop3A_261 = arith.addi %parallel_loop3A_232, %parallel_loop3A_260 : i32
      %parallel_loop3A_262 = arith.index_cast %parallel_loop3A_261 : i32 to index
      %parallel_loop3A_263 = tpu.vector_load %arg6[%parallel_loop3A_262] {strides = array<i32>} : memref<2048xf32, #tpu.memory_space<vmem>>, vector<16xf32>,
      %parallel_loop3A_264 = arith.constant 48 : i32
      %parallel_loop3A_265 = arith.addi %parallel_loop3A_235, %parallel_loop3A_264 : i32
      %parallel_loop3A_266 = arith.index_cast %parallel_loop3A_265 : i32 to index
      %parallel_loop3A_267 = tpu.vector_load %arg7[%parallel_loop3A_266] {strides = array<i32>} : memref<65536xf32, #tpu.memory_space<vmem>>, vector<16xf32>,
      tpu.vector_store %arg7[%parallel_loop3A_266], %parallel_loop3A_263 {strides = array<i32>} : memref<65536xf32, #tpu.memory_space<vmem>>, vector<16xf32>,
      %parallel_loop3A_268 = arith.constant 64 : i32
      %parallel_loop3A_269 = arith.addi %parallel_loop3A_232, %parallel_loop3A_268 : i32
      %parallel_loop3A_270 = arith.index_cast %parallel_loop3A_269 : i32 to index
      %parallel_loop3A_271 = tpu.vector_load %arg6[%parallel_loop3A_270] {strides = array<i32>} : memref<2048xf32, #tpu.memory_space<vmem>>, vector<16xf32>,
      %parallel_loop3A_272 = arith.constant 64 : i32
      %parallel_loop3A_273 = arith.addi %parallel_loop3A_235, %parallel_loop3A_272 : i32
      %parallel_loop3A_274 = arith.index_cast %parallel_loop3A_273 : i32 to index
      %parallel_loop3A_275 = tpu.vector_load %arg7[%parallel_loop3A_274] {strides = array<i32>} : memref<65536xf32, #tpu.memory_space<vmem>>, vector<16xf32>,
      tpu.vector_store %arg7[%parallel_loop3A_274], %parallel_loop3A_271 {strides = array<i32>} : memref<65536xf32, #tpu.memory_space<vmem>>, vector<16xf32>,
      %parallel_loop3A_276 = arith.constant 80 : i32
      %parallel_loop3A_277 = arith.addi %parallel_loop3A_232, %parallel_loop3A_276 : i32
      %parallel_loop3A_278 = arith.index_cast %parallel_loop3A_277 : i32 to index
      %parallel_loop3A_279 = tpu.vector_load %arg6[%parallel_loop3A_278] {strides = array<i32>} : memref<2048xf32, #tpu.memory_space<vmem>>, vector<16xf32>,
      %parallel_loop3A_280 = arith.constant 80 : i32
      %parallel_loop3A_281 = arith.addi %parallel_loop3A_235, %parallel_loop3A_280 : i32
      %parallel_loop3A_282 = arith.index_cast %parallel_loop3A_281 : i32 to index
      %parallel_loop3A_283 = tpu.vector_load %arg7[%parallel_loop3A_282] {strides = array<i32>} : memref<65536xf32, #tpu.memory_space<vmem>>, vector<16xf32>,
      tpu.vector_store %arg7[%parallel_loop3A_282], %parallel_loop3A_279 {strides = array<i32>} : memref<65536xf32, #tpu.memory_space<vmem>>, vector<16xf32>,
      %parallel_loop3A_284 = arith.constant 96 : i32
      %parallel_loop3A_285 = arith.addi %parallel_loop3A_232, %parallel_loop3A_284 : i32
      %parallel_loop3A_286 = arith.index_cast %parallel_loop3A_285 : i32 to index
      %parallel_loop3A_287 = tpu.vector_load %arg6[%parallel_loop3A_286] {strides = array<i32>} : memref<2048xf32, #tpu.memory_space<vmem>>, vector<16xf32>,
      %parallel_loop3A_288 = arith.constant 96 : i32
      %parallel_loop3A_289 = arith.addi %parallel_loop3A_235, %parallel_loop3A_288 : i32
      %parallel_loop3A_290 = arith.index_cast %parallel_loop3A_289 : i32 to index
      %parallel_loop3A_291 = tpu.vector_load %arg7[%parallel_loop3A_290] {strides = array<i32>} : memref<65536xf32, #tpu.memory_space<vmem>>, vector<16xf32>,
      tpu.vector_store %arg7[%parallel_loop3A_290], %parallel_loop3A_287 {strides = array<i32>} : memref<65536xf32, #tpu.memory_space<vmem>>, vector<16xf32>,
      %parallel_loop3A_292 = arith.constant 112 : i32
      %parallel_loop3A_293 = arith.addi %parallel_loop3A_232, %parallel_loop3A_292 : i32
      %parallel_loop3A_294 = arith.index_cast %parallel_loop3A_293 : i32 to index
      %parallel_loop3A_295 = tpu.vector_load %arg6[%parallel_loop3A_294] {strides = array<i32>} : memref<2048xf32, #tpu.memory_space<vmem>>, vector<16xf32>,
      %parallel_loop3A_296 = arith.constant 112 : i32
      %parallel_loop3A_297 = arith.addi %parallel_loop3A_235, %parallel_loop3A_296 : i32
      %parallel_loop3A_298 = arith.index_cast %parallel_loop3A_297 : i32 to index
      %parallel_loop3A_299 = tpu.vector_load %arg7[%parallel_loop3A_298] {strides = array<i32>} : memref<65536xf32, #tpu.memory_space<vmem>>, vector<16xf32>,
      tpu.vector_store %arg7[%parallel_loop3A_298], %parallel_loop3A_295 {strides = array<i32>} : memref<65536xf32, #tpu.memory_space<vmem>>, vector<16xf32>,
      %parallel_loop3A_300 = vector.extract_strided_slice %parallel_loop3A_16 {offsets = [4], sizes = [1], strides = [1]} : vector<16xi32> to vector<1xi32>
      %parallel_loop3A_301 = vector.extract %parallel_loop3A_300[0] : i32 from vector<1xi32>
      %parallel_loop3A_302 = tpu.assume_multiple %parallel_loop3A_301, 128 : i32
      %parallel_loop3A_303 = arith.constant 512 : i32
      %parallel_loop3A_304 = arith.addi %parallel_loop3A_19, %parallel_loop3A_303 : i32
      %parallel_loop3A_305 = tpu.assume_multiple %parallel_loop3A_304, 128 : i32
      %parallel_loop3A_306 = arith.constant 0 : i32
      %parallel_loop3A_307 = arith.addi %parallel_loop3A_302, %parallel_loop3A_306 : i32
      %parallel_loop3A_308 = arith.index_cast %parallel_loop3A_307 : i32 to index
      %parallel_loop3A_309 = tpu.vector_load %arg6[%parallel_loop3A_308] {strides = array<i32>} : memref<2048xf32, #tpu.memory_space<vmem>>, vector<16xf32>,
      %parallel_loop3A_310 = arith.constant 0 : i32
      %parallel_loop3A_311 = arith.addi %parallel_loop3A_305, %parallel_loop3A_310 : i32
      %parallel_loop3A_312 = arith.index_cast %parallel_loop3A_311 : i32 to index
      %parallel_loop3A_313 = tpu.vector_load %arg7[%parallel_loop3A_312] {strides = array<i32>} : memref<65536xf32, #tpu.memory_space<vmem>>, vector<16xf32>,
      tpu.vector_store %arg7[%parallel_loop3A_312], %parallel_loop3A_309 {strides = array<i32>} : memref<65536xf32, #tpu.memory_space<vmem>>, vector<16xf32>,
      %parallel_loop3A_314 = arith.constant 16 : i32
      %parallel_loop3A_315 = arith.addi %parallel_loop3A_302, %parallel_loop3A_314 : i32
      %parallel_loop3A_316 = arith.index_cast %parallel_loop3A_315 : i32 to index
      %parallel_loop3A_317 = tpu.vector_load %arg6[%parallel_loop3A_316] {strides = array<i32>} : memref<2048xf32, #tpu.memory_space<vmem>>, vector<16xf32>,
      %parallel_loop3A_318 = arith.constant 16 : i32
      %parallel_loop3A_319 = arith.addi %parallel_loop3A_305, %parallel_loop3A_318 : i32
      %parallel_loop3A_320 = arith.index_cast %parallel_loop3A_319 : i32 to index
      %parallel_loop3A_321 = tpu.vector_load %arg7[%parallel_loop3A_320] {strides = array<i32>} : memref<65536xf32, #tpu.memory_space<vmem>>, vector<16xf32>,
      tpu.vector_store %arg7[%parallel_loop3A_320], %parallel_loop3A_317 {strides = array<i32>} : memref<65536xf32, #tpu.memory_space<vmem>>, vector<16xf32>,
      %parallel_loop3A_322 = arith.constant 32 : i32
      %parallel_loop3A_323 = arith.addi %parallel_loop3A_302, %parallel_loop3A_322 : i32
      %parallel_loop3A_324 = arith.index_cast %parallel_loop3A_323 : i32 to index
      %parallel_loop3A_325 = tpu.vector_load %arg6[%parallel_loop3A_324] {strides = array<i32>} : memref<2048xf32, #tpu.memory_space<vmem>>, vector<16xf32>,
      %parallel_loop3A_326 = arith.constant 32 : i32
      %parallel_loop3A_327 = arith.addi %parallel_loop3A_305, %parallel_loop3A_326 : i32
      %parallel_loop3A_328 = arith.index_cast %parallel_loop3A_327 : i32 to index
      %parallel_loop3A_329 = tpu.vector_load %arg7[%parallel_loop3A_328] {strides = array<i32>} : memref<65536xf32, #tpu.memory_space<vmem>>, vector<16xf32>,
      tpu.vector_store %arg7[%parallel_loop3A_328], %parallel_loop3A_325 {strides = array<i32>} : memref<65536xf32, #tpu.memory_space<vmem>>, vector<16xf32>,
      %parallel_loop3A_330 = arith.constant 48 : i32
      %parallel_loop3A_331 = arith.addi %parallel_loop3A_302, %parallel_loop3A_330 : i32
      %parallel_loop3A_332 = arith.index_cast %parallel_loop3A_331 : i32 to index
      %parallel_loop3A_333 = tpu.vector_load %arg6[%parallel_loop3A_332] {strides = array<i32>} : memref<2048xf32, #tpu.memory_space<vmem>>, vector<16xf32>,
      %parallel_loop3A_334 = arith.constant 48 : i32
      %parallel_loop3A_335 = arith.addi %parallel_loop3A_305, %parallel_loop3A_334 : i32
      %parallel_loop3A_336 = arith.index_cast %parallel_loop3A_335 : i32 to index
      %parallel_loop3A_337 = tpu.vector_load %arg7[%parallel_loop3A_336] {strides = array<i32>} : memref<65536xf32, #tpu.memory_space<vmem>>, vector<16xf32>,
      tpu.vector_store %arg7[%parallel_loop3A_336], %parallel_loop3A_333 {strides = array<i32>} : memref<65536xf32, #tpu.memory_space<vmem>>, vector<16xf32>,
      %parallel_loop3A_338 = arith.constant 64 : i32
      %parallel_loop3A_339 = arith.addi %parallel_loop3A_302, %parallel_loop3A_338 : i32
      %parallel_loop3A_340 = arith.index_cast %parallel_loop3A_339 : i32 to index
      %parallel_loop3A_341 = tpu.vector_load %arg6[%parallel_loop3A_340] {strides = array<i32>} : memref<2048xf32, #tpu.memory_space<vmem>>, vector<16xf32>,
      %parallel_loop3A_342 = arith.constant 64 : i32
      %parallel_loop3A_343 = arith.addi %parallel_loop3A_305, %parallel_loop3A_342 : i32
      %parallel_loop3A_344 = arith.index_cast %parallel_loop3A_343 : i32 to index
      %parallel_loop3A_345 = tpu.vector_load %arg7[%parallel_loop3A_344] {strides = array<i32>} : memref<65536xf32, #tpu.memory_space<vmem>>, vector<16xf32>,
      tpu.vector_store %arg7[%parallel_loop3A_344], %parallel_loop3A_341 {strides = array<i32>} : memref<65536xf32, #tpu.memory_space<vmem>>, vector<16xf32>,
      %parallel_loop3A_346 = arith.constant 80 : i32
      %parallel_loop3A_347 = arith.addi %parallel_loop3A_302, %parallel_loop3A_346 : i32
      %parallel_loop3A_348 = arith.index_cast %parallel_loop3A_347 : i32 to index
      %parallel_loop3A_349 = tpu.vector_load %arg6[%parallel_loop3A_348] {strides = array<i32>} : memref<2048xf32, #tpu.memory_space<vmem>>, vector<16xf32>,
      %parallel_loop3A_350 = arith.constant 80 : i32
      %parallel_loop3A_351 = arith.addi %parallel_loop3A_305, %parallel_loop3A_350 : i32
      %parallel_loop3A_352 = arith.index_cast %parallel_loop3A_351 : i32 to index
      %parallel_loop3A_353 = tpu.vector_load %arg7[%parallel_loop3A_352] {strides = array<i32>} : memref<65536xf32, #tpu.memory_space<vmem>>, vector<16xf32>,
      tpu.vector_store %arg7[%parallel_loop3A_352], %parallel_loop3A_349 {strides = array<i32>} : memref<65536xf32, #tpu.memory_space<vmem>>, vector<16xf32>,
      %parallel_loop3A_354 = arith.constant 96 : i32
      %parallel_loop3A_355 = arith.addi %parallel_loop3A_302, %parallel_loop3A_354 : i32
      %parallel_loop3A_356 = arith.index_cast %parallel_loop3A_355 : i32 to index
      %parallel_loop3A_357 = tpu.vector_load %arg6[%parallel_loop3A_356] {strides = array<i32>} : memref<2048xf32, #tpu.memory_space<vmem>>, vector<16xf32>,
      %parallel_loop3A_358 = arith.constant 96 : i32
      %parallel_loop3A_359 = arith.addi %parallel_loop3A_305, %parallel_loop3A_358 : i32
      %parallel_loop3A_360 = arith.index_cast %parallel_loop3A_359 : i32 to index
      %parallel_loop3A_361 = tpu.vector_load %arg7[%parallel_loop3A_360] {strides = array<i32>} : memref<65536xf32, #tpu.memory_space<vmem>>, vector<16xf32>,
      tpu.vector_store %arg7[%parallel_loop3A_360], %parallel_loop3A_357 {strides = array<i32>} : memref<65536xf32, #tpu.memory_space<vmem>>, vector<16xf32>,
      %parallel_loop3A_362 = arith.constant 112 : i32
      %parallel_loop3A_363 = arith.addi %parallel_loop3A_302, %parallel_loop3A_362 : i32
      %parallel_loop3A_364 = arith.index_cast %parallel_loop3A_363 : i32 to index
      %parallel_loop3A_365 = tpu.vector_load %arg6[%parallel_loop3A_364] {strides = array<i32>} : memref<2048xf32, #tpu.memory_space<vmem>>, vector<16xf32>,
      %parallel_loop3A_366 = arith.constant 112 : i32
      %parallel_loop3A_367 = arith.addi %parallel_loop3A_305, %parallel_loop3A_366 : i32
      %parallel_loop3A_368 = arith.index_cast %parallel_loop3A_367 : i32 to index
      %parallel_loop3A_369 = tpu.vector_load %arg7[%parallel_loop3A_368] {strides = array<i32>} : memref<65536xf32, #tpu.memory_space<vmem>>, vector<16xf32>,
      tpu.vector_store %arg7[%parallel_loop3A_368], %parallel_loop3A_365 {strides = array<i32>} : memref<65536xf32, #tpu.memory_space<vmem>>, vector<16xf32>,
      %parallel_loop3A_370 = vector.extract_strided_slice %parallel_loop3A_16 {offsets = [5], sizes = [1], strides = [1]} : vector<16xi32> to vector<1xi32>
      %parallel_loop3A_371 = vector.extract %parallel_loop3A_370[0] : i32 from vector<1xi32>
      %parallel_loop3A_372 = tpu.assume_multiple %parallel_loop3A_371, 128 : i32
      %parallel_loop3A_373 = arith.constant 640 : i32
      %parallel_loop3A_374 = arith.addi %parallel_loop3A_19, %parallel_loop3A_373 : i32
      %parallel_loop3A_375 = tpu.assume_multiple %parallel_loop3A_374, 128 : i32
      %parallel_loop3A_376 = arith.constant 0 : i32
      %parallel_loop3A_377 = arith.addi %parallel_loop3A_372, %parallel_loop3A_376 : i32
      %parallel_loop3A_378 = arith.index_cast %parallel_loop3A_377 : i32 to index
      %parallel_loop3A_379 = tpu.vector_load %arg6[%parallel_loop3A_378] {strides = array<i32>} : memref<2048xf32, #tpu.memory_space<vmem>>, vector<16xf32>,
      %parallel_loop3A_380 = arith.constant 0 : i32
      %parallel_loop3A_381 = arith.addi %parallel_loop3A_375, %parallel_loop3A_380 : i32
      %parallel_loop3A_382 = arith.index_cast %parallel_loop3A_381 : i32 to index
      %parallel_loop3A_383 = tpu.vector_load %arg7[%parallel_loop3A_382] {strides = array<i32>} : memref<65536xf32, #tpu.memory_space<vmem>>, vector<16xf32>,
      tpu.vector_store %arg7[%parallel_loop3A_382], %parallel_loop3A_379 {strides = array<i32>} : memref<65536xf32, #tpu.memory_space<vmem>>, vector<16xf32>,
      %parallel_loop3A_384 = arith.constant 16 : i32
      %parallel_loop3A_385 = arith.addi %parallel_loop3A_372, %parallel_loop3A_384 : i32
      %parallel_loop3A_386 = arith.index_cast %parallel_loop3A_385 : i32 to index
      %parallel_loop3A_387 = tpu.vector_load %arg6[%parallel_loop3A_386] {strides = array<i32>} : memref<2048xf32, #tpu.memory_space<vmem>>, vector<16xf32>,
      %parallel_loop3A_388 = arith.constant 16 : i32
      %parallel_loop3A_389 = arith.addi %parallel_loop3A_375, %parallel_loop3A_388 : i32
      %parallel_loop3A_390 = arith.index_cast %parallel_loop3A_389 : i32 to index
      %parallel_loop3A_391 = tpu.vector_load %arg7[%parallel_loop3A_390] {strides = array<i32>} : memref<65536xf32, #tpu.memory_space<vmem>>, vector<16xf32>,
      tpu.vector_store %arg7[%parallel_loop3A_390], %parallel_loop3A_387 {strides = array<i32>} : memref<65536xf32, #tpu.memory_space<vmem>>, vector<16xf32>,
      %parallel_loop3A_392 = arith.constant 32 : i32
      %parallel_loop3A_393 = arith.addi %parallel_loop3A_372, %parallel_loop3A_392 : i32
      %parallel_loop3A_394 = arith.index_cast %parallel_loop3A_393 : i32 to index
      %parallel_loop3A_395 = tpu.vector_load %arg6[%parallel_loop3A_394] {strides = array<i32>} : memref<2048xf32, #tpu.memory_space<vmem>>, vector<16xf32>,
      %parallel_loop3A_396 = arith.constant 32 : i32
      %parallel_loop3A_397 = arith.addi %parallel_loop3A_375, %parallel_loop3A_396 : i32
      %parallel_loop3A_398 = arith.index_cast %parallel_loop3A_397 : i32 to index
      %parallel_loop3A_399 = tpu.vector_load %arg7[%parallel_loop3A_398] {strides = array<i32>} : memref<65536xf32, #tpu.memory_space<vmem>>, vector<16xf32>,
      tpu.vector_store %arg7[%parallel_loop3A_398], %parallel_loop3A_395 {strides = array<i32>} : memref<65536xf32, #tpu.memory_space<vmem>>, vector<16xf32>,
      %parallel_loop3A_400 = arith.constant 48 : i32
      %parallel_loop3A_401 = arith.addi %parallel_loop3A_372, %parallel_loop3A_400 : i32
      %parallel_loop3A_402 = arith.index_cast %parallel_loop3A_401 : i32 to index
      %parallel_loop3A_403 = tpu.vector_load %arg6[%parallel_loop3A_402] {strides = array<i32>} : memref<2048xf32, #tpu.memory_space<vmem>>, vector<16xf32>,
      %parallel_loop3A_404 = arith.constant 48 : i32
      %parallel_loop3A_405 = arith.addi %parallel_loop3A_375, %parallel_loop3A_404 : i32
      %parallel_loop3A_406 = arith.index_cast %parallel_loop3A_405 : i32 to index
      %parallel_loop3A_407 = tpu.vector_load %arg7[%parallel_loop3A_406] {strides = array<i32>} : memref<65536xf32, #tpu.memory_space<vmem>>, vector<16xf32>,
      tpu.vector_store %arg7[%parallel_loop3A_406], %parallel_loop3A_403 {strides = array<i32>} : memref<65536xf32, #tpu.memory_space<vmem>>, vector<16xf32>,
      %parallel_loop3A_408 = arith.constant 64 : i32
      %parallel_loop3A_409 = arith.addi %parallel_loop3A_372, %parallel_loop3A_408 : i32
      %parallel_loop3A_410 = arith.index_cast %parallel_loop3A_409 : i32 to index
      %parallel_loop3A_411 = tpu.vector_load %arg6[%parallel_loop3A_410] {strides = array<i32>} : memref<2048xf32, #tpu.memory_space<vmem>>, vector<16xf32>,
      %parallel_loop3A_412 = arith.constant 64 : i32
      %parallel_loop3A_413 = arith.addi %parallel_loop3A_375, %parallel_loop3A_412 : i32
      %parallel_loop3A_414 = arith.index_cast %parallel_loop3A_413 : i32 to index
      %parallel_loop3A_415 = tpu.vector_load %arg7[%parallel_loop3A_414] {strides = array<i32>} : memref<65536xf32, #tpu.memory_space<vmem>>, vector<16xf32>,
      tpu.vector_store %arg7[%parallel_loop3A_414], %parallel_loop3A_411 {strides = array<i32>} : memref<65536xf32, #tpu.memory_space<vmem>>, vector<16xf32>,
      %parallel_loop3A_416 = arith.constant 80 : i32
      %parallel_loop3A_417 = arith.addi %parallel_loop3A_372, %parallel_loop3A_416 : i32
      %parallel_loop3A_418 = arith.index_cast %parallel_loop3A_417 : i32 to index
      %parallel_loop3A_419 = tpu.vector_load %arg6[%parallel_loop3A_418] {strides = array<i32>} : memref<2048xf32, #tpu.memory_space<vmem>>, vector<16xf32>,
      %parallel_loop3A_420 = arith.constant 80 : i32
      %parallel_loop3A_421 = arith.addi %parallel_loop3A_375, %parallel_loop3A_420 : i32
      %parallel_loop3A_422 = arith.index_cast %parallel_loop3A_421 : i32 to index
      %parallel_loop3A_423 = tpu.vector_load %arg7[%parallel_loop3A_422] {strides = array<i32>} : memref<65536xf32, #tpu.memory_space<vmem>>, vector<16xf32>,
      tpu.vector_store %arg7[%parallel_loop3A_422], %parallel_loop3A_419 {strides = array<i32>} : memref<65536xf32, #tpu.memory_space<vmem>>, vector<16xf32>,
      %parallel_loop3A_424 = arith.constant 96 : i32
      %parallel_loop3A_425 = arith.addi %parallel_loop3A_372, %parallel_loop3A_424 : i32
      %parallel_loop3A_426 = arith.index_cast %parallel_loop3A_425 : i32 to index
      %parallel_loop3A_427 = tpu.vector_load %arg6[%parallel_loop3A_426] {strides = array<i32>} : memref<2048xf32, #tpu.memory_space<vmem>>, vector<16xf32>,
      %parallel_loop3A_428 = arith.constant 96 : i32
      %parallel_loop3A_429 = arith.addi %parallel_loop3A_375, %parallel_loop3A_428 : i32
      %parallel_loop3A_430 = arith.index_cast %parallel_loop3A_429 : i32 to index
      %parallel_loop3A_431 = tpu.vector_load %arg7[%parallel_loop3A_430] {strides = array<i32>} : memref<65536xf32, #tpu.memory_space<vmem>>, vector<16xf32>,
      tpu.vector_store %arg7[%parallel_loop3A_430], %parallel_loop3A_427 {strides = array<i32>} : memref<65536xf32, #tpu.memory_space<vmem>>, vector<16xf32>,
      %parallel_loop3A_432 = arith.constant 112 : i32
      %parallel_loop3A_433 = arith.addi %parallel_loop3A_372, %parallel_loop3A_432 : i32
      %parallel_loop3A_434 = arith.index_cast %parallel_loop3A_433 : i32 to index
      %parallel_loop3A_435 = tpu.vector_load %arg6[%parallel_loop3A_434] {strides = array<i32>} : memref<2048xf32, #tpu.memory_space<vmem>>, vector<16xf32>,
      %parallel_loop3A_436 = arith.constant 112 : i32
      %parallel_loop3A_437 = arith.addi %parallel_loop3A_375, %parallel_loop3A_436 : i32
      %parallel_loop3A_438 = arith.index_cast %parallel_loop3A_437 : i32 to index
      %parallel_loop3A_439 = tpu.vector_load %arg7[%parallel_loop3A_438] {strides = array<i32>} : memref<65536xf32, #tpu.memory_space<vmem>>, vector<16xf32>,
      tpu.vector_store %arg7[%parallel_loop3A_438], %parallel_loop3A_435 {strides = array<i32>} : memref<65536xf32, #tpu.memory_space<vmem>>, vector<16xf32>,
      %parallel_loop3A_440 = vector.extract_strided_slice %parallel_loop3A_16 {offsets = [6], sizes = [1], strides = [1]} : vector<16xi32> to vector<1xi32>
      %parallel_loop3A_441 = vector.extract %parallel_loop3A_440[0] : i32 from vector<1xi32>
      %parallel_loop3A_442 = tpu.assume_multiple %parallel_loop3A_441, 128 : i32
      %parallel_loop3A_443 = arith.constant 768 : i32
      %parallel_loop3A_444 = arith.addi %parallel_loop3A_19, %parallel_loop3A_443 : i32
      %parallel_loop3A_445 = tpu.assume_multiple %parallel_loop3A_444, 128 : i32
      %parallel_loop3A_446 = arith.constant 0 : i32
      %parallel_loop3A_447 = arith.addi %parallel_loop3A_442, %parallel_loop3A_446 : i32
      %parallel_loop3A_448 = arith.index_cast %parallel_loop3A_447 : i32 to index
      %parallel_loop3A_449 = tpu.vector_load %arg6[%parallel_loop3A_448] {strides = array<i32>} : memref<2048xf32, #tpu.memory_space<vmem>>, vector<16xf32>,
      %parallel_loop3A_450 = arith.constant 0 : i32
      %parallel_loop3A_451 = arith.addi %parallel_loop3A_445, %parallel_loop3A_450 : i32
      %parallel_loop3A_452 = arith.index_cast %parallel_loop3A_451 : i32 to index
      %parallel_loop3A_453 = tpu.vector_load %arg7[%parallel_loop3A_452] {strides = array<i32>} : memref<65536xf32, #tpu.memory_space<vmem>>, vector<16xf32>,
      tpu.vector_store %arg7[%parallel_loop3A_452], %parallel_loop3A_449 {strides = array<i32>} : memref<65536xf32, #tpu.memory_space<vmem>>, vector<16xf32>,
      %parallel_loop3A_454 = arith.constant 16 : i32
      %parallel_loop3A_455 = arith.addi %parallel_loop3A_442, %parallel_loop3A_454 : i32
      %parallel_loop3A_456 = arith.index_cast %parallel_loop3A_455 : i32 to index
      %parallel_loop3A_457 = tpu.vector_load %arg6[%parallel_loop3A_456] {strides = array<i32>} : memref<2048xf32, #tpu.memory_space<vmem>>, vector<16xf32>,
      %parallel_loop3A_458 = arith.constant 16 : i32
      %parallel_loop3A_459 = arith.addi %parallel_loop3A_445, %parallel_loop3A_458 : i32
      %parallel_loop3A_460 = arith.index_cast %parallel_loop3A_459 : i32 to index
      %parallel_loop3A_461 = tpu.vector_load %arg7[%parallel_loop3A_460] {strides = array<i32>} : memref<65536xf32, #tpu.memory_space<vmem>>, vector<16xf32>,
      tpu.vector_store %arg7[%parallel_loop3A_460], %parallel_loop3A_457 {strides = array<i32>} : memref<65536xf32, #tpu.memory_space<vmem>>, vector<16xf32>,
      %parallel_loop3A_462 = arith.constant 32 : i32
      %parallel_loop3A_463 = arith.addi %parallel_loop3A_442, %parallel_loop3A_462 : i32
      %parallel_loop3A_464 = arith.index_cast %parallel_loop3A_463 : i32 to index
      %parallel_loop3A_465 = tpu.vector_load %arg6[%parallel_loop3A_464] {strides = array<i32>} : memref<2048xf32, #tpu.memory_space<vmem>>, vector<16xf32>,
      %parallel_loop3A_466 = arith.constant 32 : i32
      %parallel_loop3A_467 = arith.addi %parallel_loop3A_445, %parallel_loop3A_466 : i32
      %parallel_loop3A_468 = arith.index_cast %parallel_loop3A_467 : i32 to index
      %parallel_loop3A_469 = tpu.vector_load %arg7[%parallel_loop3A_468] {strides = array<i32>} : memref<65536xf32, #tpu.memory_space<vmem>>, vector<16xf32>,
      tpu.vector_store %arg7[%parallel_loop3A_468], %parallel_loop3A_465 {strides = array<i32>} : memref<65536xf32, #tpu.memory_space<vmem>>, vector<16xf32>,
      %parallel_loop3A_470 = arith.constant 48 : i32
      %parallel_loop3A_471 = arith.addi %parallel_loop3A_442, %parallel_loop3A_470 : i32
      %parallel_loop3A_472 = arith.index_cast %parallel_loop3A_471 : i32 to index
      %parallel_loop3A_473 = tpu.vector_load %arg6[%parallel_loop3A_472] {strides = array<i32>} : memref<2048xf32, #tpu.memory_space<vmem>>, vector<16xf32>,
      %parallel_loop3A_474 = arith.constant 48 : i32
      %parallel_loop3A_475 = arith.addi %parallel_loop3A_445, %parallel_loop3A_474 : i32
      %parallel_loop3A_476 = arith.index_cast %parallel_loop3A_475 : i32 to index
      %parallel_loop3A_477 = tpu.vector_load %arg7[%parallel_loop3A_476] {strides = array<i32>} : memref<65536xf32, #tpu.memory_space<vmem>>, vector<16xf32>,
      tpu.vector_store %arg7[%parallel_loop3A_476], %parallel_loop3A_473 {strides = array<i32>} : memref<65536xf32, #tpu.memory_space<vmem>>, vector<16xf32>,
      %parallel_loop3A_478 = arith.constant 64 : i32
      %parallel_loop3A_479 = arith.addi %parallel_loop3A_442, %parallel_loop3A_478 : i32
      %parallel_loop3A_480 = arith.index_cast %parallel_loop3A_479 : i32 to index
      %parallel_loop3A_481 = tpu.vector_load %arg6[%parallel_loop3A_480] {strides = array<i32>} : memref<2048xf32, #tpu.memory_space<vmem>>, vector<16xf32>,
      %parallel_loop3A_482 = arith.constant 64 : i32
      %parallel_loop3A_483 = arith.addi %parallel_loop3A_445, %parallel_loop3A_482 : i32
      %parallel_loop3A_484 = arith.index_cast %parallel_loop3A_483 : i32 to index
      %parallel_loop3A_485 = tpu.vector_load %arg7[%parallel_loop3A_484] {strides = array<i32>} : memref<65536xf32, #tpu.memory_space<vmem>>, vector<16xf32>,
      tpu.vector_store %arg7[%parallel_loop3A_484], %parallel_loop3A_481 {strides = array<i32>} : memref<65536xf32, #tpu.memory_space<vmem>>, vector<16xf32>,
      %parallel_loop3A_486 = arith.constant 80 : i32
      %parallel_loop3A_487 = arith.addi %parallel_loop3A_442, %parallel_loop3A_486 : i32
      %parallel_loop3A_488 = arith.index_cast %parallel_loop3A_487 : i32 to index
      %parallel_loop3A_489 = tpu.vector_load %arg6[%parallel_loop3A_488] {strides = array<i32>} : memref<2048xf32, #tpu.memory_space<vmem>>, vector<16xf32>,
      %parallel_loop3A_490 = arith.constant 80 : i32
      %parallel_loop3A_491 = arith.addi %parallel_loop3A_445, %parallel_loop3A_490 : i32
      %parallel_loop3A_492 = arith.index_cast %parallel_loop3A_491 : i32 to index
      %parallel_loop3A_493 = tpu.vector_load %arg7[%parallel_loop3A_492] {strides = array<i32>} : memref<65536xf32, #tpu.memory_space<vmem>>, vector<16xf32>,
      tpu.vector_store %arg7[%parallel_loop3A_492], %parallel_loop3A_489 {strides = array<i32>} : memref<65536xf32, #tpu.memory_space<vmem>>, vector<16xf32>,
      %parallel_loop3A_494 = arith.constant 96 : i32
      %parallel_loop3A_495 = arith.addi %parallel_loop3A_442, %parallel_loop3A_494 : i32
      %parallel_loop3A_496 = arith.index_cast %parallel_loop3A_495 : i32 to index
      %parallel_loop3A_497 = tpu.vector_load %arg6[%parallel_loop3A_496] {strides = array<i32>} : memref<2048xf32, #tpu.memory_space<vmem>>, vector<16xf32>,
      %parallel_loop3A_498 = arith.constant 96 : i32
      %parallel_loop3A_499 = arith.addi %parallel_loop3A_445, %parallel_loop3A_498 : i32
      %parallel_loop3A_500 = arith.index_cast %parallel_loop3A_499 : i32 to index
      %parallel_loop3A_501 = tpu.vector_load %arg7[%parallel_loop3A_500] {strides = array<i32>} : memref<65536xf32, #tpu.memory_space<vmem>>, vector<16xf32>,
      tpu.vector_store %arg7[%parallel_loop3A_500], %parallel_loop3A_497 {strides = array<i32>} : memref<65536xf32, #tpu.memory_space<vmem>>, vector<16xf32>,
      %parallel_loop3A_502 = arith.constant 112 : i32
      %parallel_loop3A_503 = arith.addi %parallel_loop3A_442, %parallel_loop3A_502 : i32
      %parallel_loop3A_504 = arith.index_cast %parallel_loop3A_503 : i32 to index
      %parallel_loop3A_505 = tpu.vector_load %arg6[%parallel_loop3A_504] {strides = array<i32>} : memref<2048xf32, #tpu.memory_space<vmem>>, vector<16xf32>,
      %parallel_loop3A_506 = arith.constant 112 : i32
      %parallel_loop3A_507 = arith.addi %parallel_loop3A_445, %parallel_loop3A_506 : i32
      %parallel_loop3A_508 = arith.index_cast %parallel_loop3A_507 : i32 to index
      %parallel_loop3A_509 = tpu.vector_load %arg7[%parallel_loop3A_508] {strides = array<i32>} : memref<65536xf32, #tpu.memory_space<vmem>>, vector<16xf32>,
      tpu.vector_store %arg7[%parallel_loop3A_508], %parallel_loop3A_505 {strides = array<i32>} : memref<65536xf32, #tpu.memory_space<vmem>>, vector<16xf32>,
      %parallel_loop3A_510 = vector.extract_strided_slice %parallel_loop3A_16 {offsets = [7], sizes = [1], strides = [1]} : vector<16xi32> to vector<1xi32>
      %parallel_loop3A_511 = vector.extract %parallel_loop3A_510[0] : i32 from vector<1xi32>
      %parallel_loop3A_512 = tpu.assume_multiple %parallel_loop3A_511, 128 : i32
      %parallel_loop3A_513 = arith.constant 896 : i32
      %parallel_loop3A_514 = arith.addi %parallel_loop3A_19, %parallel_loop3A_513 : i32
      %parallel_loop3A_515 = tpu.assume_multiple %parallel_loop3A_514, 128 : i32
      %parallel_loop3A_516 = arith.constant 0 : i32
      %parallel_loop3A_517 = arith.addi %parallel_loop3A_512, %parallel_loop3A_516 : i32
      %parallel_loop3A_518 = arith.index_cast %parallel_loop3A_517 : i32 to index
      %parallel_loop3A_519 = tpu.vector_load %arg6[%parallel_loop3A_518] {strides = array<i32>} : memref<2048xf32, #tpu.memory_space<vmem>>, vector<16xf32>,
      %parallel_loop3A_520 = arith.constant 0 : i32
      %parallel_loop3A_521 = arith.addi %parallel_loop3A_515, %parallel_loop3A_520 : i32
      %parallel_loop3A_522 = arith.index_cast %parallel_loop3A_521 : i32 to index
      %parallel_loop3A_523 = tpu.vector_load %arg7[%parallel_loop3A_522] {strides = array<i32>} : memref<65536xf32, #tpu.memory_space<vmem>>, vector<16xf32>,
      tpu.vector_store %arg7[%parallel_loop3A_522], %parallel_loop3A_519 {strides = array<i32>} : memref<65536xf32, #tpu.memory_space<vmem>>, vector<16xf32>,
      %parallel_loop3A_524 = arith.constant 16 : i32
      %parallel_loop3A_525 = arith.addi %parallel_loop3A_512, %parallel_loop3A_524 : i32
      %parallel_loop3A_526 = arith.index_cast %parallel_loop3A_525 : i32 to index
      %parallel_loop3A_527 = tpu.vector_load %arg6[%parallel_loop3A_526] {strides = array<i32>} : memref<2048xf32, #tpu.memory_space<vmem>>, vector<16xf32>,
      %parallel_loop3A_528 = arith.constant 16 : i32
      %parallel_loop3A_529 = arith.addi %parallel_loop3A_515, %parallel_loop3A_528 : i32
      %parallel_loop3A_530 = arith.index_cast %parallel_loop3A_529 : i32 to index
      %parallel_loop3A_531 = tpu.vector_load %arg7[%parallel_loop3A_530] {strides = array<i32>} : memref<65536xf32, #tpu.memory_space<vmem>>, vector<16xf32>,
      tpu.vector_store %arg7[%parallel_loop3A_530], %parallel_loop3A_527 {strides = array<i32>} : memref<65536xf32, #tpu.memory_space<vmem>>, vector<16xf32>,
      %parallel_loop3A_532 = arith.constant 32 : i32
      %parallel_loop3A_533 = arith.addi %parallel_loop3A_512, %parallel_loop3A_532 : i32
      %parallel_loop3A_534 = arith.index_cast %parallel_loop3A_533 : i32 to index
      %parallel_loop3A_535 = tpu.vector_load %arg6[%parallel_loop3A_534] {strides = array<i32>} : memref<2048xf32, #tpu.memory_space<vmem>>, vector<16xf32>,
      %parallel_loop3A_536 = arith.constant 32 : i32
      %parallel_loop3A_537 = arith.addi %parallel_loop3A_515, %parallel_loop3A_536 : i32
      %parallel_loop3A_538 = arith.index_cast %parallel_loop3A_537 : i32 to index
      %parallel_loop3A_539 = tpu.vector_load %arg7[%parallel_loop3A_538] {strides = array<i32>} : memref<65536xf32, #tpu.memory_space<vmem>>, vector<16xf32>,
      tpu.vector_store %arg7[%parallel_loop3A_538], %parallel_loop3A_535 {strides = array<i32>} : memref<65536xf32, #tpu.memory_space<vmem>>, vector<16xf32>,
      %parallel_loop3A_540 = arith.constant 48 : i32
      %parallel_loop3A_541 = arith.addi %parallel_loop3A_512, %parallel_loop3A_540 : i32
      %parallel_loop3A_542 = arith.index_cast %parallel_loop3A_541 : i32 to index
      %parallel_loop3A_543 = tpu.vector_load %arg6[%parallel_loop3A_542] {strides = array<i32>} : memref<2048xf32, #tpu.memory_space<vmem>>, vector<16xf32>,
      %parallel_loop3A_544 = arith.constant 48 : i32
      %parallel_loop3A_545 = arith.addi %parallel_loop3A_515, %parallel_loop3A_544 : i32
      %parallel_loop3A_546 = arith.index_cast %parallel_loop3A_545 : i32 to index
      %parallel_loop3A_547 = tpu.vector_load %arg7[%parallel_loop3A_546] {strides = array<i32>} : memref<65536xf32, #tpu.memory_space<vmem>>, vector<16xf32>,
      tpu.vector_store %arg7[%parallel_loop3A_546], %parallel_loop3A_543 {strides = array<i32>} : memref<65536xf32, #tpu.memory_space<vmem>>, vector<16xf32>,
      %parallel_loop3A_548 = arith.constant 64 : i32
      %parallel_loop3A_549 = arith.addi %parallel_loop3A_512, %parallel_loop3A_548 : i32
      %parallel_loop3A_550 = arith.index_cast %parallel_loop3A_549 : i32 to index
      %parallel_loop3A_551 = tpu.vector_load %arg6[%parallel_loop3A_550] {strides = array<i32>} : memref<2048xf32, #tpu.memory_space<vmem>>, vector<16xf32>,
      %parallel_loop3A_552 = arith.constant 64 : i32
      %parallel_loop3A_553 = arith.addi %parallel_loop3A_515, %parallel_loop3A_552 : i32
      %parallel_loop3A_554 = arith.index_cast %parallel_loop3A_553 : i32 to index
      %parallel_loop3A_555 = tpu.vector_load %arg7[%parallel_loop3A_554] {strides = array<i32>} : memref<65536xf32, #tpu.memory_space<vmem>>, vector<16xf32>,
      tpu.vector_store %arg7[%parallel_loop3A_554], %parallel_loop3A_551 {strides = array<i32>} : memref<65536xf32, #tpu.memory_space<vmem>>, vector<16xf32>,
      %parallel_loop3A_556 = arith.constant 80 : i32
      %parallel_loop3A_557 = arith.addi %parallel_loop3A_512, %parallel_loop3A_556 : i32
      %parallel_loop3A_558 = arith.index_cast %parallel_loop3A_557 : i32 to index
      %parallel_loop3A_559 = tpu.vector_load %arg6[%parallel_loop3A_558] {strides = array<i32>} : memref<2048xf32, #tpu.memory_space<vmem>>, vector<16xf32>,
      %parallel_loop3A_560 = arith.constant 80 : i32
      %parallel_loop3A_561 = arith.addi %parallel_loop3A_515, %parallel_loop3A_560 : i32
      %parallel_loop3A_562 = arith.index_cast %parallel_loop3A_561 : i32 to index
      %parallel_loop3A_563 = tpu.vector_load %arg7[%parallel_loop3A_562] {strides = array<i32>} : memref<65536xf32, #tpu.memory_space<vmem>>, vector<16xf32>,
      tpu.vector_store %arg7[%parallel_loop3A_562], %parallel_loop3A_559 {strides = array<i32>} : memref<65536xf32, #tpu.memory_space<vmem>>, vector<16xf32>,
      %parallel_loop3A_564 = arith.constant 96 : i32
      %parallel_loop3A_565 = arith.addi %parallel_loop3A_512, %parallel_loop3A_564 : i32
      %parallel_loop3A_566 = arith.index_cast %parallel_loop3A_565 : i32 to index
      %parallel_loop3A_567 = tpu.vector_load %arg6[%parallel_loop3A_566] {strides = array<i32>} : memref<2048xf32, #tpu.memory_space<vmem>>, vector<16xf32>,
      %parallel_loop3A_568 = arith.constant 96 : i32
      %parallel_loop3A_569 = arith.addi %parallel_loop3A_515, %parallel_loop3A_568 : i32
      %parallel_loop3A_570 = arith.index_cast %parallel_loop3A_569 : i32 to index
      %parallel_loop3A_571 = tpu.vector_load %arg7[%parallel_loop3A_570] {strides = array<i32>} : memref<65536xf32, #tpu.memory_space<vmem>>, vector<16xf32>,
      tpu.vector_store %arg7[%parallel_loop3A_570], %parallel_loop3A_567 {strides = array<i32>} : memref<65536xf32, #tpu.memory_space<vmem>>, vector<16xf32>,
      %parallel_loop3A_572 = arith.constant 112 : i32
      %parallel_loop3A_573 = arith.addi %parallel_loop3A_512, %parallel_loop3A_572 : i32
      %parallel_loop3A_574 = arith.index_cast %parallel_loop3A_573 : i32 to index
      %parallel_loop3A_575 = tpu.vector_load %arg6[%parallel_loop3A_574] {strides = array<i32>} : memref<2048xf32, #tpu.memory_space<vmem>>, vector<16xf32>,
      %parallel_loop3A_576 = arith.constant 112 : i32
      %parallel_loop3A_577 = arith.addi %parallel_loop3A_515, %parallel_loop3A_576 : i32
      %parallel_loop3A_578 = arith.index_cast %parallel_loop3A_577 : i32 to index
      %parallel_loop3A_579 = tpu.vector_load %arg7[%parallel_loop3A_578] {strides = array<i32>} : memref<65536xf32, #tpu.memory_space<vmem>>, vector<16xf32>,
      tpu.vector_store %arg7[%parallel_loop3A_578], %parallel_loop3A_575 {strides = array<i32>} : memref<65536xf32, #tpu.memory_space<vmem>>, vector<16xf32>,
      %parallel_loop3A_580 = vector.extract_strided_slice %parallel_loop3A_16 {offsets = [8], sizes = [1], strides = [1]} : vector<16xi32> to vector<1xi32>
      %parallel_loop3A_581 = vector.extract %parallel_loop3A_580[0] : i32 from vector<1xi32>
      %parallel_loop3A_582 = tpu.assume_multiple %parallel_loop3A_581, 128 : i32
      %parallel_loop3A_583 = arith.constant 1024 : i32
      %parallel_loop3A_584 = arith.addi %parallel_loop3A_19, %parallel_loop3A_583 : i32
      %parallel_loop3A_585 = tpu.assume_multiple %parallel_loop3A_584, 128 : i32
      %parallel_loop3A_586 = arith.constant 0 : i32
      %parallel_loop3A_587 = arith.addi %parallel_loop3A_582, %parallel_loop3A_586 : i32
      %parallel_loop3A_588 = arith.index_cast %parallel_loop3A_587 : i32 to index
      %parallel_loop3A_589 = tpu.vector_load %arg6[%parallel_loop3A_588] {strides = array<i32>} : memref<2048xf32, #tpu.memory_space<vmem>>, vector<16xf32>,
      %parallel_loop3A_590 = arith.constant 0 : i32
      %parallel_loop3A_591 = arith.addi %parallel_loop3A_585, %parallel_loop3A_590 : i32
      %parallel_loop3A_592 = arith.index_cast %parallel_loop3A_591 : i32 to index
      %parallel_loop3A_593 = tpu.vector_load %arg7[%parallel_loop3A_592] {strides = array<i32>} : memref<65536xf32, #tpu.memory_space<vmem>>, vector<16xf32>,
      tpu.vector_store %arg7[%parallel_loop3A_592], %parallel_loop3A_589 {strides = array<i32>} : memref<65536xf32, #tpu.memory_space<vmem>>, vector<16xf32>,
      %parallel_loop3A_594 = arith.constant 16 : i32
      %parallel_loop3A_595 = arith.addi %parallel_loop3A_582, %parallel_loop3A_594 : i32
      %parallel_loop3A_596 = arith.index_cast %parallel_loop3A_595 : i32 to index
      %parallel_loop3A_597 = tpu.vector_load %arg6[%parallel_loop3A_596] {strides = array<i32>} : memref<2048xf32, #tpu.memory_space<vmem>>, vector<16xf32>,
      %parallel_loop3A_598 = arith.constant 16 : i32
      %parallel_loop3A_599 = arith.addi %parallel_loop3A_585, %parallel_loop3A_598 : i32
      %parallel_loop3A_600 = arith.index_cast %parallel_loop3A_599 : i32 to index
      %parallel_loop3A_601 = tpu.vector_load %arg7[%parallel_loop3A_600] {strides = array<i32>} : memref<65536xf32, #tpu.memory_space<vmem>>, vector<16xf32>,
      tpu.vector_store %arg7[%parallel_loop3A_600], %parallel_loop3A_597 {strides = array<i32>} : memref<65536xf32, #tpu.memory_space<vmem>>, vector<16xf32>,
      %parallel_loop3A_602 = arith.constant 32 : i32
      %parallel_loop3A_603 = arith.addi %parallel_loop3A_582, %parallel_loop3A_602 : i32
      %parallel_loop3A_604 = arith.index_cast %parallel_loop3A_603 : i32 to index
      %parallel_loop3A_605 = tpu.vector_load %arg6[%parallel_loop3A_604] {strides = array<i32>} : memref<2048xf32, #tpu.memory_space<vmem>>, vector<16xf32>,
      %parallel_loop3A_606 = arith.constant 32 : i32
      %parallel_loop3A_607 = arith.addi %parallel_loop3A_585, %parallel_loop3A_606 : i32
      %parallel_loop3A_608 = arith.index_cast %parallel_loop3A_607 : i32 to index
      %parallel_loop3A_609 = tpu.vector_load %arg7[%parallel_loop3A_608] {strides = array<i32>} : memref<65536xf32, #tpu.memory_space<vmem>>, vector<16xf32>,
      tpu.vector_store %arg7[%parallel_loop3A_608], %parallel_loop3A_605 {strides = array<i32>} : memref<65536xf32, #tpu.memory_space<vmem>>, vector<16xf32>,
      %parallel_loop3A_610 = arith.constant 48 : i32
      %parallel_loop3A_611 = arith.addi %parallel_loop3A_582, %parallel_loop3A_610 : i32
      %parallel_loop3A_612 = arith.index_cast %parallel_loop3A_611 : i32 to index
      %parallel_loop3A_613 = tpu.vector_load %arg6[%parallel_loop3A_612] {strides = array<i32>} : memref<2048xf32, #tpu.memory_space<vmem>>, vector<16xf32>,
      %parallel_loop3A_614 = arith.constant 48 : i32
      %parallel_loop3A_615 = arith.addi %parallel_loop3A_585, %parallel_loop3A_614 : i32
      %parallel_loop3A_616 = arith.index_cast %parallel_loop3A_615 : i32 to index
      %parallel_loop3A_617 = tpu.vector_load %arg7[%parallel_loop3A_616] {strides = array<i32>} : memref<65536xf32, #tpu.memory_space<vmem>>, vector<16xf32>,
      tpu.vector_store %arg7[%parallel_loop3A_616], %parallel_loop3A_613 {strides = array<i32>} : memref<65536xf32, #tpu.memory_space<vmem>>, vector<16xf32>,
      %parallel_loop3A_618 = arith.constant 64 : i32
      %parallel_loop3A_619 = arith.addi %parallel_loop3A_582, %parallel_loop3A_618 : i32
      %parallel_loop3A_620 = arith.index_cast %parallel_loop3A_619 : i32 to index
      %parallel_loop3A_621 = tpu.vector_load %arg6[%parallel_loop3A_620] {strides = array<i32>} : memref<2048xf32, #tpu.memory_space<vmem>>, vector<16xf32>,
      %parallel_loop3A_622 = arith.constant 64 : i32
      %parallel_loop3A_623 = arith.addi %parallel_loop3A_585, %parallel_loop3A_622 : i32
      %parallel_loop3A_624 = arith.index_cast %parallel_loop3A_623 : i32 to index
      %parallel_loop3A_625 = tpu.vector_load %arg7[%parallel_loop3A_624] {strides = array<i32>} : memref<65536xf32, #tpu.memory_space<vmem>>, vector<16xf32>,
      tpu.vector_store %arg7[%parallel_loop3A_624], %parallel_loop3A_621 {strides = array<i32>} : memref<65536xf32, #tpu.memory_space<vmem>>, vector<16xf32>,
      %parallel_loop3A_626 = arith.constant 80 : i32
      %parallel_loop3A_627 = arith.addi %parallel_loop3A_582, %parallel_loop3A_626 : i32
      %parallel_loop3A_628 = arith.index_cast %parallel_loop3A_627 : i32 to index
      %parallel_loop3A_629 = tpu.vector_load %arg6[%parallel_loop3A_628] {strides = array<i32>} : memref<2048xf32, #tpu.memory_space<vmem>>, vector<16xf32>,
      %parallel_loop3A_630 = arith.constant 80 : i32
      %parallel_loop3A_631 = arith.addi %parallel_loop3A_585, %parallel_loop3A_630 : i32
      %parallel_loop3A_632 = arith.index_cast %parallel_loop3A_631 : i32 to index
      %parallel_loop3A_633 = tpu.vector_load %arg7[%parallel_loop3A_632] {strides = array<i32>} : memref<65536xf32, #tpu.memory_space<vmem>>, vector<16xf32>,
      tpu.vector_store %arg7[%parallel_loop3A_632], %parallel_loop3A_629 {strides = array<i32>} : memref<65536xf32, #tpu.memory_space<vmem>>, vector<16xf32>,
      %parallel_loop3A_634 = arith.constant 96 : i32
      %parallel_loop3A_635 = arith.addi %parallel_loop3A_582, %parallel_loop3A_634 : i32
      %parallel_loop3A_636 = arith.index_cast %parallel_loop3A_635 : i32 to index
      %parallel_loop3A_637 = tpu.vector_load %arg6[%parallel_loop3A_636] {strides = array<i32>} : memref<2048xf32, #tpu.memory_space<vmem>>, vector<16xf32>,
      %parallel_loop3A_638 = arith.constant 96 : i32
      %parallel_loop3A_639 = arith.addi %parallel_loop3A_585, %parallel_loop3A_638 : i32
      %parallel_loop3A_640 = arith.index_cast %parallel_loop3A_639 : i32 to index
      %parallel_loop3A_641 = tpu.vector_load %arg7[%parallel_loop3A_640] {strides = array<i32>} : memref<65536xf32, #tpu.memory_space<vmem>>, vector<16xf32>,
      tpu.vector_store %arg7[%parallel_loop3A_640], %parallel_loop3A_637 {strides = array<i32>} : memref<65536xf32, #tpu.memory_space<vmem>>, vector<16xf32>,
      %parallel_loop3A_642 = arith.constant 112 : i32
      %parallel_loop3A_643 = arith.addi %parallel_loop3A_582, %parallel_loop3A_642 : i32
      %parallel_loop3A_644 = arith.index_cast %parallel_loop3A_643 : i32 to index
      %parallel_loop3A_645 = tpu.vector_load %arg6[%parallel_loop3A_644] {strides = array<i32>} : memref<2048xf32, #tpu.memory_space<vmem>>, vector<16xf32>,
      %parallel_loop3A_646 = arith.constant 112 : i32
      %parallel_loop3A_647 = arith.addi %parallel_loop3A_585, %parallel_loop3A_646 : i32
      %parallel_loop3A_648 = arith.index_cast %parallel_loop3A_647 : i32 to index
      %parallel_loop3A_649 = tpu.vector_load %arg7[%parallel_loop3A_648] {strides = array<i32>} : memref<65536xf32, #tpu.memory_space<vmem>>, vector<16xf32>,
      tpu.vector_store %arg7[%parallel_loop3A_648], %parallel_loop3A_645 {strides = array<i32>} : memref<65536xf32, #tpu.memory_space<vmem>>, vector<16xf32>,
      %parallel_loop3A_650 = vector.extract_strided_slice %parallel_loop3A_16 {offsets = [9], sizes = [1], strides = [1]} : vector<16xi32> to vector<1xi32>
      %parallel_loop3A_651 = vector.extract %parallel_loop3A_650[0] : i32 from vector<1xi32>
      %parallel_loop3A_652 = tpu.assume_multiple %parallel_loop3A_651, 128 : i32
      %parallel_loop3A_653 = arith.constant 1152 : i32
      %parallel_loop3A_654 = arith.addi %parallel_loop3A_19, %parallel_loop3A_653 : i32
      %parallel_loop3A_655 = tpu.assume_multiple %parallel_loop3A_654, 128 : i32
      %parallel_loop3A_656 = arith.constant 0 : i32
      %parallel_loop3A_657 = arith.addi %parallel_loop3A_652, %parallel_loop3A_656 : i32
      %parallel_loop3A_658 = arith.index_cast %parallel_loop3A_657 : i32 to index
      %parallel_loop3A_659 = tpu.vector_load %arg6[%parallel_loop3A_658] {strides = array<i32>} : memref<2048xf32, #tpu.memory_space<vmem>>, vector<16xf32>,
      %parallel_loop3A_660 = arith.constant 0 : i32
      %parallel_loop3A_661 = arith.addi %parallel_loop3A_655, %parallel_loop3A_660 : i32
      %parallel_loop3A_662 = arith.index_cast %parallel_loop3A_661 : i32 to index
      %parallel_loop3A_663 = tpu.vector_load %arg7[%parallel_loop3A_662] {strides = array<i32>} : memref<65536xf32, #tpu.memory_space<vmem>>, vector<16xf32>,
      tpu.vector_store %arg7[%parallel_loop3A_662], %parallel_loop3A_659 {strides = array<i32>} : memref<65536xf32, #tpu.memory_space<vmem>>, vector<16xf32>,
      %parallel_loop3A_664 = arith.constant 16 : i32
      %parallel_loop3A_665 = arith.addi %parallel_loop3A_652, %parallel_loop3A_664 : i32
      %parallel_loop3A_666 = arith.index_cast %parallel_loop3A_665 : i32 to index
      %parallel_loop3A_667 = tpu.vector_load %arg6[%parallel_loop3A_666] {strides = array<i32>} : memref<2048xf32, #tpu.memory_space<vmem>>, vector<16xf32>,
      %parallel_loop3A_668 = arith.constant 16 : i32
      %parallel_loop3A_669 = arith.addi %parallel_loop3A_655, %parallel_loop3A_668 : i32
      %parallel_loop3A_670 = arith.index_cast %parallel_loop3A_669 : i32 to index
      %parallel_loop3A_671 = tpu.vector_load %arg7[%parallel_loop3A_670] {strides = array<i32>} : memref<65536xf32, #tpu.memory_space<vmem>>, vector<16xf32>,
      tpu.vector_store %arg7[%parallel_loop3A_670], %parallel_loop3A_667 {strides = array<i32>} : memref<65536xf32, #tpu.memory_space<vmem>>, vector<16xf32>,
      %parallel_loop3A_672 = arith.constant 32 : i32
      %parallel_loop3A_673 = arith.addi %parallel_loop3A_652, %parallel_loop3A_672 : i32
      %parallel_loop3A_674 = arith.index_cast %parallel_loop3A_673 : i32 to index
      %parallel_loop3A_675 = tpu.vector_load %arg6[%parallel_loop3A_674] {strides = array<i32>} : memref<2048xf32, #tpu.memory_space<vmem>>, vector<16xf32>,
      %parallel_loop3A_676 = arith.constant 32 : i32
      %parallel_loop3A_677 = arith.addi %parallel_loop3A_655, %parallel_loop3A_676 : i32
      %parallel_loop3A_678 = arith.index_cast %parallel_loop3A_677 : i32 to index
      %parallel_loop3A_679 = tpu.vector_load %arg7[%parallel_loop3A_678] {strides = array<i32>} : memref<65536xf32, #tpu.memory_space<vmem>>, vector<16xf32>,
      tpu.vector_store %arg7[%parallel_loop3A_678], %parallel_loop3A_675 {strides = array<i32>} : memref<65536xf32, #tpu.memory_space<vmem>>, vector<16xf32>,
      %parallel_loop3A_680 = arith.constant 48 : i32
      %parallel_loop3A_681 = arith.addi %parallel_loop3A_652, %parallel_loop3A_680 : i32
      %parallel_loop3A_682 = arith.index_cast %parallel_loop3A_681 : i32 to index
      %parallel_loop3A_683 = tpu.vector_load %arg6[%parallel_loop3A_682] {strides = array<i32>} : memref<2048xf32, #tpu.memory_space<vmem>>, vector<16xf32>,
      %parallel_loop3A_684 = arith.constant 48 : i32
      %parallel_loop3A_685 = arith.addi %parallel_loop3A_655, %parallel_loop3A_684 : i32
      %parallel_loop3A_686 = arith.index_cast %parallel_loop3A_685 : i32 to index
      %parallel_loop3A_687 = tpu.vector_load %arg7[%parallel_loop3A_686] {strides = array<i32>} : memref<65536xf32, #tpu.memory_space<vmem>>, vector<16xf32>,
      tpu.vector_store %arg7[%parallel_loop3A_686], %parallel_loop3A_683 {strides = array<i32>} : memref<65536xf32, #tpu.memory_space<vmem>>, vector<16xf32>,
      %parallel_loop3A_688 = arith.constant 64 : i32
      %parallel_loop3A_689 = arith.addi %parallel_loop3A_652, %parallel_loop3A_688 : i32
      %parallel_loop3A_690 = arith.index_cast %parallel_loop3A_689 : i32 to index
      %parallel_loop3A_691 = tpu.vector_load %arg6[%parallel_loop3A_690] {strides = array<i32>} : memref<2048xf32, #tpu.memory_space<vmem>>, vector<16xf32>,
      %parallel_loop3A_692 = arith.constant 64 : i32
      %parallel_loop3A_693 = arith.addi %parallel_loop3A_655, %parallel_loop3A_692 : i32
      %parallel_loop3A_694 = arith.index_cast %parallel_loop3A_693 : i32 to index
      %parallel_loop3A_695 = tpu.vector_load %arg7[%parallel_loop3A_694] {strides = array<i32>} : memref<65536xf32, #tpu.memory_space<vmem>>, vector<16xf32>,
      tpu.vector_store %arg7[%parallel_loop3A_694], %parallel_loop3A_691 {strides = array<i32>} : memref<65536xf32, #tpu.memory_space<vmem>>, vector<16xf32>,
      %parallel_loop3A_696 = arith.constant 80 : i32
      %parallel_loop3A_697 = arith.addi %parallel_loop3A_652, %parallel_loop3A_696 : i32
      %parallel_loop3A_698 = arith.index_cast %parallel_loop3A_697 : i32 to index
      %parallel_loop3A_699 = tpu.vector_load %arg6[%parallel_loop3A_698] {strides = array<i32>} : memref<2048xf32, #tpu.memory_space<vmem>>, vector<16xf32>,
      %parallel_loop3A_700 = arith.constant 80 : i32
      %parallel_loop3A_701 = arith.addi %parallel_loop3A_655, %parallel_loop3A_700 : i32
      %parallel_loop3A_702 = arith.index_cast %parallel_loop3A_701 : i32 to index
      %parallel_loop3A_703 = tpu.vector_load %arg7[%parallel_loop3A_702] {strides = array<i32>} : memref<65536xf32, #tpu.memory_space<vmem>>, vector<16xf32>,
      tpu.vector_store %arg7[%parallel_loop3A_702], %parallel_loop3A_699 {strides = array<i32>} : memref<65536xf32, #tpu.memory_space<vmem>>, vector<16xf32>,
      %parallel_loop3A_704 = arith.constant 96 : i32
      %parallel_loop3A_705 = arith.addi %parallel_loop3A_652, %parallel_loop3A_704 : i32
      %parallel_loop3A_706 = arith.index_cast %parallel_loop3A_705 : i32 to index
      %parallel_loop3A_707 = tpu.vector_load %arg6[%parallel_loop3A_706] {strides = array<i32>} : memref<2048xf32, #tpu.memory_space<vmem>>, vector<16xf32>,
      %parallel_loop3A_708 = arith.constant 96 : i32
      %parallel_loop3A_709 = arith.addi %parallel_loop3A_655, %parallel_loop3A_708 : i32
      %parallel_loop3A_710 = arith.index_cast %parallel_loop3A_709 : i32 to index
      %parallel_loop3A_711 = tpu.vector_load %arg7[%parallel_loop3A_710] {strides = array<i32>} : memref<65536xf32, #tpu.memory_space<vmem>>, vector<16xf32>,
      tpu.vector_store %arg7[%parallel_loop3A_710], %parallel_loop3A_707 {strides = array<i32>} : memref<65536xf32, #tpu.memory_space<vmem>>, vector<16xf32>,
      %parallel_loop3A_712 = arith.constant 112 : i32
      %parallel_loop3A_713 = arith.addi %parallel_loop3A_652, %parallel_loop3A_712 : i32
      %parallel_loop3A_714 = arith.index_cast %parallel_loop3A_713 : i32 to index
      %parallel_loop3A_715 = tpu.vector_load %arg6[%parallel_loop3A_714] {strides = array<i32>} : memref<2048xf32, #tpu.memory_space<vmem>>, vector<16xf32>,
      %parallel_loop3A_716 = arith.constant 112 : i32
      %parallel_loop3A_717 = arith.addi %parallel_loop3A_655, %parallel_loop3A_716 : i32
      %parallel_loop3A_718 = arith.index_cast %parallel_loop3A_717 : i32 to index
      %parallel_loop3A_719 = tpu.vector_load %arg7[%parallel_loop3A_718] {strides = array<i32>} : memref<65536xf32, #tpu.memory_space<vmem>>, vector<16xf32>,
      tpu.vector_store %arg7[%parallel_loop3A_718], %parallel_loop3A_715 {strides = array<i32>} : memref<65536xf32, #tpu.memory_space<vmem>>, vector<16xf32>,
      %parallel_loop3A_720 = vector.extract_strided_slice %parallel_loop3A_16 {offsets = [10], sizes = [1], strides = [1]} : vector<16xi32> to vector<1xi32>
      %parallel_loop3A_721 = vector.extract %parallel_loop3A_720[0] : i32 from vector<1xi32>
      %parallel_loop3A_722 = tpu.assume_multiple %parallel_loop3A_721, 128 : i32
      %parallel_loop3A_723 = arith.constant 1280 : i32
      %parallel_loop3A_724 = arith.addi %parallel_loop3A_19, %parallel_loop3A_723 : i32
      %parallel_loop3A_725 = tpu.assume_multiple %parallel_loop3A_724, 128 : i32
      %parallel_loop3A_726 = arith.constant 0 : i32
      %parallel_loop3A_727 = arith.addi %parallel_loop3A_722, %parallel_loop3A_726 : i32
      %parallel_loop3A_728 = arith.index_cast %parallel_loop3A_727 : i32 to index
      %parallel_loop3A_729 = tpu.vector_load %arg6[%parallel_loop3A_728] {strides = array<i32>} : memref<2048xf32, #tpu.memory_space<vmem>>, vector<16xf32>,
      %parallel_loop3A_730 = arith.constant 0 : i32
      %parallel_loop3A_731 = arith.addi %parallel_loop3A_725, %parallel_loop3A_730 : i32
      %parallel_loop3A_732 = arith.index_cast %parallel_loop3A_731 : i32 to index
      %parallel_loop3A_733 = tpu.vector_load %arg7[%parallel_loop3A_732] {strides = array<i32>} : memref<65536xf32, #tpu.memory_space<vmem>>, vector<16xf32>,
      tpu.vector_store %arg7[%parallel_loop3A_732], %parallel_loop3A_729 {strides = array<i32>} : memref<65536xf32, #tpu.memory_space<vmem>>, vector<16xf32>,
      %parallel_loop3A_734 = arith.constant 16 : i32
      %parallel_loop3A_735 = arith.addi %parallel_loop3A_722, %parallel_loop3A_734 : i32
      %parallel_loop3A_736 = arith.index_cast %parallel_loop3A_735 : i32 to index
      %parallel_loop3A_737 = tpu.vector_load %arg6[%parallel_loop3A_736] {strides = array<i32>} : memref<2048xf32, #tpu.memory_space<vmem>>, vector<16xf32>,
      %parallel_loop3A_738 = arith.constant 16 : i32
      %parallel_loop3A_739 = arith.addi %parallel_loop3A_725, %parallel_loop3A_738 : i32
      %parallel_loop3A_740 = arith.index_cast %parallel_loop3A_739 : i32 to index
      %parallel_loop3A_741 = tpu.vector_load %arg7[%parallel_loop3A_740] {strides = array<i32>} : memref<65536xf32, #tpu.memory_space<vmem>>, vector<16xf32>,
      tpu.vector_store %arg7[%parallel_loop3A_740], %parallel_loop3A_737 {strides = array<i32>} : memref<65536xf32, #tpu.memory_space<vmem>>, vector<16xf32>,
      %parallel_loop3A_742 = arith.constant 32 : i32
      %parallel_loop3A_743 = arith.addi %parallel_loop3A_722, %parallel_loop3A_742 : i32
      %parallel_loop3A_744 = arith.index_cast %parallel_loop3A_743 : i32 to index
      %parallel_loop3A_745 = tpu.vector_load %arg6[%parallel_loop3A_744] {strides = array<i32>} : memref<2048xf32, #tpu.memory_space<vmem>>, vector<16xf32>,
      %parallel_loop3A_746 = arith.constant 32 : i32
      %parallel_loop3A_747 = arith.addi %parallel_loop3A_725, %parallel_loop3A_746 : i32
      %parallel_loop3A_748 = arith.index_cast %parallel_loop3A_747 : i32 to index
      %parallel_loop3A_749 = tpu.vector_load %arg7[%parallel_loop3A_748] {strides = array<i32>} : memref<65536xf32, #tpu.memory_space<vmem>>, vector<16xf32>,
      tpu.vector_store %arg7[%parallel_loop3A_748], %parallel_loop3A_745 {strides = array<i32>} : memref<65536xf32, #tpu.memory_space<vmem>>, vector<16xf32>,
      %parallel_loop3A_750 = arith.constant 48 : i32
      %parallel_loop3A_751 = arith.addi %parallel_loop3A_722, %parallel_loop3A_750 : i32
      %parallel_loop3A_752 = arith.index_cast %parallel_loop3A_751 : i32 to index
      %parallel_loop3A_753 = tpu.vector_load %arg6[%parallel_loop3A_752] {strides = array<i32>} : memref<2048xf32, #tpu.memory_space<vmem>>, vector<16xf32>,
      %parallel_loop3A_754 = arith.constant 48 : i32
      %parallel_loop3A_755 = arith.addi %parallel_loop3A_725, %parallel_loop3A_754 : i32
      %parallel_loop3A_756 = arith.index_cast %parallel_loop3A_755 : i32 to index
      %parallel_loop3A_757 = tpu.vector_load %arg7[%parallel_loop3A_756] {strides = array<i32>} : memref<65536xf32, #tpu.memory_space<vmem>>, vector<16xf32>,
      tpu.vector_store %arg7[%parallel_loop3A_756], %parallel_loop3A_753 {strides = array<i32>} : memref<65536xf32, #tpu.memory_space<vmem>>, vector<16xf32>,
      %parallel_loop3A_758 = arith.constant 64 : i32
      %parallel_loop3A_759 = arith.addi %parallel_loop3A_722, %parallel_loop3A_758 : i32
      %parallel_loop3A_760 = arith.index_cast %parallel_loop3A_759 : i32 to index
      %parallel_loop3A_761 = tpu.vector_load %arg6[%parallel_loop3A_760] {strides = array<i32>} : memref<2048xf32, #tpu.memory_space<vmem>>, vector<16xf32>,
      %parallel_loop3A_762 = arith.constant 64 : i32
      %parallel_loop3A_763 = arith.addi %parallel_loop3A_725, %parallel_loop3A_762 : i32
      %parallel_loop3A_764 = arith.index_cast %parallel_loop3A_763 : i32 to index
      %parallel_loop3A_765 = tpu.vector_load %arg7[%parallel_loop3A_764] {strides = array<i32>} : memref<65536xf32, #tpu.memory_space<vmem>>, vector<16xf32>,
      tpu.vector_store %arg7[%parallel_loop3A_764], %parallel_loop3A_761 {strides = array<i32>} : memref<65536xf32, #tpu.memory_space<vmem>>, vector<16xf32>,
      %parallel_loop3A_766 = arith.constant 80 : i32
      %parallel_loop3A_767 = arith.addi %parallel_loop3A_722, %parallel_loop3A_766 : i32
      %parallel_loop3A_768 = arith.index_cast %parallel_loop3A_767 : i32 to index
      %parallel_loop3A_769 = tpu.vector_load %arg6[%parallel_loop3A_768] {strides = array<i32>} : memref<2048xf32, #tpu.memory_space<vmem>>, vector<16xf32>,
      %parallel_loop3A_770 = arith.constant 80 : i32
      %parallel_loop3A_771 = arith.addi %parallel_loop3A_725, %parallel_loop3A_770 : i32
      %parallel_loop3A_772 = arith.index_cast %parallel_loop3A_771 : i32 to index
      %parallel_loop3A_773 = tpu.vector_load %arg7[%parallel_loop3A_772] {strides = array<i32>} : memref<65536xf32, #tpu.memory_space<vmem>>, vector<16xf32>,
      tpu.vector_store %arg7[%parallel_loop3A_772], %parallel_loop3A_769 {strides = array<i32>} : memref<65536xf32, #tpu.memory_space<vmem>>, vector<16xf32>,
      %parallel_loop3A_774 = arith.constant 96 : i32
      %parallel_loop3A_775 = arith.addi %parallel_loop3A_722, %parallel_loop3A_774 : i32
      %parallel_loop3A_776 = arith.index_cast %parallel_loop3A_775 : i32 to index
      %parallel_loop3A_777 = tpu.vector_load %arg6[%parallel_loop3A_776] {strides = array<i32>} : memref<2048xf32, #tpu.memory_space<vmem>>, vector<16xf32>,
      %parallel_loop3A_778 = arith.constant 96 : i32
      %parallel_loop3A_779 = arith.addi %parallel_loop3A_725, %parallel_loop3A_778 : i32
      %parallel_loop3A_780 = arith.index_cast %parallel_loop3A_779 : i32 to index
      %parallel_loop3A_781 = tpu.vector_load %arg7[%parallel_loop3A_780] {strides = array<i32>} : memref<65536xf32, #tpu.memory_space<vmem>>, vector<16xf32>,
      tpu.vector_store %arg7[%parallel_loop3A_780], %parallel_loop3A_777 {strides = array<i32>} : memref<65536xf32, #tpu.memory_space<vmem>>, vector<16xf32>,
      %parallel_loop3A_782 = arith.constant 112 : i32
      %parallel_loop3A_783 = arith.addi %parallel_loop3A_722, %parallel_loop3A_782 : i32
      %parallel_loop3A_784 = arith.index_cast %parallel_loop3A_783 : i32 to index
      %parallel_loop3A_785 = tpu.vector_load %arg6[%parallel_loop3A_784] {strides = array<i32>} : memref<2048xf32, #tpu.memory_space<vmem>>, vector<16xf32>,
      %parallel_loop3A_786 = arith.constant 112 : i32
      %parallel_loop3A_787 = arith.addi %parallel_loop3A_725, %parallel_loop3A_786 : i32
      %parallel_loop3A_788 = arith.index_cast %parallel_loop3A_787 : i32 to index
      %parallel_loop3A_789 = tpu.vector_load %arg7[%parallel_loop3A_788] {strides = array<i32>} : memref<65536xf32, #tpu.memory_space<vmem>>, vector<16xf32>,
      tpu.vector_store %arg7[%parallel_loop3A_788], %parallel_loop3A_785 {strides = array<i32>} : memref<65536xf32, #tpu.memory_space<vmem>>, vector<16xf32>,
      %parallel_loop3A_790 = vector.extract_strided_slice %parallel_loop3A_16 {offsets = [11], sizes = [1], strides = [1]} : vector<16xi32> to vector<1xi32>
      %parallel_loop3A_791 = vector.extract %parallel_loop3A_790[0] : i32 from vector<1xi32>
      %parallel_loop3A_792 = tpu.assume_multiple %parallel_loop3A_791, 128 : i32
      %parallel_loop3A_793 = arith.constant 1408 : i32
      %parallel_loop3A_794 = arith.addi %parallel_loop3A_19, %parallel_loop3A_793 : i32
      %parallel_loop3A_795 = tpu.assume_multiple %parallel_loop3A_794, 128 : i32
      %parallel_loop3A_796 = arith.constant 0 : i32
      %parallel_loop3A_797 = arith.addi %parallel_loop3A_792, %parallel_loop3A_796 : i32
      %parallel_loop3A_798 = arith.index_cast %parallel_loop3A_797 : i32 to index
      %parallel_loop3A_799 = tpu.vector_load %arg6[%parallel_loop3A_798] {strides = array<i32>} : memref<2048xf32, #tpu.memory_space<vmem>>, vector<16xf32>,
      %parallel_loop3A_800 = arith.constant 0 : i32
      %parallel_loop3A_801 = arith.addi %parallel_loop3A_795, %parallel_loop3A_800 : i32
      %parallel_loop3A_802 = arith.index_cast %parallel_loop3A_801 : i32 to index
      %parallel_loop3A_803 = tpu.vector_load %arg7[%parallel_loop3A_802] {strides = array<i32>} : memref<65536xf32, #tpu.memory_space<vmem>>, vector<16xf32>,
      tpu.vector_store %arg7[%parallel_loop3A_802], %parallel_loop3A_799 {strides = array<i32>} : memref<65536xf32, #tpu.memory_space<vmem>>, vector<16xf32>,
      %parallel_loop3A_804 = arith.constant 16 : i32
      %parallel_loop3A_805 = arith.addi %parallel_loop3A_792, %parallel_loop3A_804 : i32
      %parallel_loop3A_806 = arith.index_cast %parallel_loop3A_805 : i32 to index
      %parallel_loop3A_807 = tpu.vector_load %arg6[%parallel_loop3A_806] {strides = array<i32>} : memref<2048xf32, #tpu.memory_space<vmem>>, vector<16xf32>,
      %parallel_loop3A_808 = arith.constant 16 : i32
      %parallel_loop3A_809 = arith.addi %parallel_loop3A_795, %parallel_loop3A_808 : i32
      %parallel_loop3A_810 = arith.index_cast %parallel_loop3A_809 : i32 to index
      %parallel_loop3A_811 = tpu.vector_load %arg7[%parallel_loop3A_810] {strides = array<i32>} : memref<65536xf32, #tpu.memory_space<vmem>>, vector<16xf32>,
      tpu.vector_store %arg7[%parallel_loop3A_810], %parallel_loop3A_807 {strides = array<i32>} : memref<65536xf32, #tpu.memory_space<vmem>>, vector<16xf32>,
      %parallel_loop3A_812 = arith.constant 32 : i32
      %parallel_loop3A_813 = arith.addi %parallel_loop3A_792, %parallel_loop3A_812 : i32
      %parallel_loop3A_814 = arith.index_cast %parallel_loop3A_813 : i32 to index
      %parallel_loop3A_815 = tpu.vector_load %arg6[%parallel_loop3A_814] {strides = array<i32>} : memref<2048xf32, #tpu.memory_space<vmem>>, vector<16xf32>,
      %parallel_loop3A_816 = arith.constant 32 : i32
      %parallel_loop3A_817 = arith.addi %parallel_loop3A_795, %parallel_loop3A_816 : i32
      %parallel_loop3A_818 = arith.index_cast %parallel_loop3A_817 : i32 to index
      %parallel_loop3A_819 = tpu.vector_load %arg7[%parallel_loop3A_818] {strides = array<i32>} : memref<65536xf32, #tpu.memory_space<vmem>>, vector<16xf32>,
      tpu.vector_store %arg7[%parallel_loop3A_818], %parallel_loop3A_815 {strides = array<i32>} : memref<65536xf32, #tpu.memory_space<vmem>>, vector<16xf32>,
      %parallel_loop3A_820 = arith.constant 48 : i32
      %parallel_loop3A_821 = arith.addi %parallel_loop3A_792, %parallel_loop3A_820 : i32
      %parallel_loop3A_822 = arith.index_cast %parallel_loop3A_821 : i32 to index
      %parallel_loop3A_823 = tpu.vector_load %arg6[%parallel_loop3A_822] {strides = array<i32>} : memref<2048xf32, #tpu.memory_space<vmem>>, vector<16xf32>,
      %parallel_loop3A_824 = arith.constant 48 : i32
      %parallel_loop3A_825 = arith.addi %parallel_loop3A_795, %parallel_loop3A_824 : i32
      %parallel_loop3A_826 = arith.index_cast %parallel_loop3A_825 : i32 to index
      %parallel_loop3A_827 = tpu.vector_load %arg7[%parallel_loop3A_826] {strides = array<i32>} : memref<65536xf32, #tpu.memory_space<vmem>>, vector<16xf32>,
      tpu.vector_store %arg7[%parallel_loop3A_826], %parallel_loop3A_823 {strides = array<i32>} : memref<65536xf32, #tpu.memory_space<vmem>>, vector<16xf32>,
      %parallel_loop3A_828 = arith.constant 64 : i32
      %parallel_loop3A_829 = arith.addi %parallel_loop3A_792, %parallel_loop3A_828 : i32
      %parallel_loop3A_830 = arith.index_cast %parallel_loop3A_829 : i32 to index
      %parallel_loop3A_831 = tpu.vector_load %arg6[%parallel_loop3A_830] {strides = array<i32>} : memref<2048xf32, #tpu.memory_space<vmem>>, vector<16xf32>,
      %parallel_loop3A_832 = arith.constant 64 : i32
      %parallel_loop3A_833 = arith.addi %parallel_loop3A_795, %parallel_loop3A_832 : i32
      %parallel_loop3A_834 = arith.index_cast %parallel_loop3A_833 : i32 to index
      %parallel_loop3A_835 = tpu.vector_load %arg7[%parallel_loop3A_834] {strides = array<i32>} : memref<65536xf32, #tpu.memory_space<vmem>>, vector<16xf32>,
      tpu.vector_store %arg7[%parallel_loop3A_834], %parallel_loop3A_831 {strides = array<i32>} : memref<65536xf32, #tpu.memory_space<vmem>>, vector<16xf32>,
      %parallel_loop3A_836 = arith.constant 80 : i32
      %parallel_loop3A_837 = arith.addi %parallel_loop3A_792, %parallel_loop3A_836 : i32
      %parallel_loop3A_838 = arith.index_cast %parallel_loop3A_837 : i32 to index
      %parallel_loop3A_839 = tpu.vector_load %arg6[%parallel_loop3A_838] {strides = array<i32>} : memref<2048xf32, #tpu.memory_space<vmem>>, vector<16xf32>,
      %parallel_loop3A_840 = arith.constant 80 : i32
      %parallel_loop3A_841 = arith.addi %parallel_loop3A_795, %parallel_loop3A_840 : i32
      %parallel_loop3A_842 = arith.index_cast %parallel_loop3A_841 : i32 to index
      %parallel_loop3A_843 = tpu.vector_load %arg7[%parallel_loop3A_842] {strides = array<i32>} : memref<65536xf32, #tpu.memory_space<vmem>>, vector<16xf32>,
      tpu.vector_store %arg7[%parallel_loop3A_842], %parallel_loop3A_839 {strides = array<i32>} : memref<65536xf32, #tpu.memory_space<vmem>>, vector<16xf32>,
      %parallel_loop3A_844 = arith.constant 96 : i32
      %parallel_loop3A_845 = arith.addi %parallel_loop3A_792, %parallel_loop3A_844 : i32
      %parallel_loop3A_846 = arith.index_cast %parallel_loop3A_845 : i32 to index
      %parallel_loop3A_847 = tpu.vector_load %arg6[%parallel_loop3A_846] {strides = array<i32>} : memref<2048xf32, #tpu.memory_space<vmem>>, vector<16xf32>,
      %parallel_loop3A_848 = arith.constant 96 : i32
      %parallel_loop3A_849 = arith.addi %parallel_loop3A_795, %parallel_loop3A_848 : i32
      %parallel_loop3A_850 = arith.index_cast %parallel_loop3A_849 : i32 to index
      %parallel_loop3A_851 = tpu.vector_load %arg7[%parallel_loop3A_850] {strides = array<i32>} : memref<65536xf32, #tpu.memory_space<vmem>>, vector<16xf32>,
      tpu.vector_store %arg7[%parallel_loop3A_850], %parallel_loop3A_847 {strides = array<i32>} : memref<65536xf32, #tpu.memory_space<vmem>>, vector<16xf32>,
      %parallel_loop3A_852 = arith.constant 112 : i32
      %parallel_loop3A_853 = arith.addi %parallel_loop3A_792, %parallel_loop3A_852 : i32
      %parallel_loop3A_854 = arith.index_cast %parallel_loop3A_853 : i32 to index
      %parallel_loop3A_855 = tpu.vector_load %arg6[%parallel_loop3A_854] {strides = array<i32>} : memref<2048xf32, #tpu.memory_space<vmem>>, vector<16xf32>,
      %parallel_loop3A_856 = arith.constant 112 : i32
      %parallel_loop3A_857 = arith.addi %parallel_loop3A_795, %parallel_loop3A_856 : i32
      %parallel_loop3A_858 = arith.index_cast %parallel_loop3A_857 : i32 to index
      %parallel_loop3A_859 = tpu.vector_load %arg7[%parallel_loop3A_858] {strides = array<i32>} : memref<65536xf32, #tpu.memory_space<vmem>>, vector<16xf32>,
      tpu.vector_store %arg7[%parallel_loop3A_858], %parallel_loop3A_855 {strides = array<i32>} : memref<65536xf32, #tpu.memory_space<vmem>>, vector<16xf32>,
      %parallel_loop3A_860 = vector.extract_strided_slice %parallel_loop3A_16 {offsets = [12], sizes = [1], strides = [1]} : vector<16xi32> to vector<1xi32>
      %parallel_loop3A_861 = vector.extract %parallel_loop3A_860[0] : i32 from vector<1xi32>
      %parallel_loop3A_862 = tpu.assume_multiple %parallel_loop3A_861, 128 : i32
      %parallel_loop3A_863 = arith.constant 1536 : i32
      %parallel_loop3A_864 = arith.addi %parallel_loop3A_19, %parallel_loop3A_863 : i32
      %parallel_loop3A_865 = tpu.assume_multiple %parallel_loop3A_864, 128 : i32
      %parallel_loop3A_866 = arith.constant 0 : i32
      %parallel_loop3A_867 = arith.addi %parallel_loop3A_862, %parallel_loop3A_866 : i32
      %parallel_loop3A_868 = arith.index_cast %parallel_loop3A_867 : i32 to index
      %parallel_loop3A_869 = tpu.vector_load %arg6[%parallel_loop3A_868] {strides = array<i32>} : memref<2048xf32, #tpu.memory_space<vmem>>, vector<16xf32>,
      %parallel_loop3A_870 = arith.constant 0 : i32
      %parallel_loop3A_871 = arith.addi %parallel_loop3A_865, %parallel_loop3A_870 : i32
      %parallel_loop3A_872 = arith.index_cast %parallel_loop3A_871 : i32 to index
      %parallel_loop3A_873 = tpu.vector_load %arg7[%parallel_loop3A_872] {strides = array<i32>} : memref<65536xf32, #tpu.memory_space<vmem>>, vector<16xf32>,
      tpu.vector_store %arg7[%parallel_loop3A_872], %parallel_loop3A_869 {strides = array<i32>} : memref<65536xf32, #tpu.memory_space<vmem>>, vector<16xf32>,
      %parallel_loop3A_874 = arith.constant 16 : i32
      %parallel_loop3A_875 = arith.addi %parallel_loop3A_862, %parallel_loop3A_874 : i32
      %parallel_loop3A_876 = arith.index_cast %parallel_loop3A_875 : i32 to index
      %parallel_loop3A_877 = tpu.vector_load %arg6[%parallel_loop3A_876] {strides = array<i32>} : memref<2048xf32, #tpu.memory_space<vmem>>, vector<16xf32>,
      %parallel_loop3A_878 = arith.constant 16 : i32
      %parallel_loop3A_879 = arith.addi %parallel_loop3A_865, %parallel_loop3A_878 : i32
      %parallel_loop3A_880 = arith.index_cast %parallel_loop3A_879 : i32 to index
      %parallel_loop3A_881 = tpu.vector_load %arg7[%parallel_loop3A_880] {strides = array<i32>} : memref<65536xf32, #tpu.memory_space<vmem>>, vector<16xf32>,
      tpu.vector_store %arg7[%parallel_loop3A_880], %parallel_loop3A_877 {strides = array<i32>} : memref<65536xf32, #tpu.memory_space<vmem>>, vector<16xf32>,
      %parallel_loop3A_882 = arith.constant 32 : i32
      %parallel_loop3A_883 = arith.addi %parallel_loop3A_862, %parallel_loop3A_882 : i32
      %parallel_loop3A_884 = arith.index_cast %parallel_loop3A_883 : i32 to index
      %parallel_loop3A_885 = tpu.vector_load %arg6[%parallel_loop3A_884] {strides = array<i32>} : memref<2048xf32, #tpu.memory_space<vmem>>, vector<16xf32>,
      %parallel_loop3A_886 = arith.constant 32 : i32
      %parallel_loop3A_887 = arith.addi %parallel_loop3A_865, %parallel_loop3A_886 : i32
      %parallel_loop3A_888 = arith.index_cast %parallel_loop3A_887 : i32 to index
      %parallel_loop3A_889 = tpu.vector_load %arg7[%parallel_loop3A_888] {strides = array<i32>} : memref<65536xf32, #tpu.memory_space<vmem>>, vector<16xf32>,
      tpu.vector_store %arg7[%parallel_loop3A_888], %parallel_loop3A_885 {strides = array<i32>} : memref<65536xf32, #tpu.memory_space<vmem>>, vector<16xf32>,
      %parallel_loop3A_890 = arith.constant 48 : i32
      %parallel_loop3A_891 = arith.addi %parallel_loop3A_862, %parallel_loop3A_890 : i32
      %parallel_loop3A_892 = arith.index_cast %parallel_loop3A_891 : i32 to index
      %parallel_loop3A_893 = tpu.vector_load %arg6[%parallel_loop3A_892] {strides = array<i32>} : memref<2048xf32, #tpu.memory_space<vmem>>, vector<16xf32>,
      %parallel_loop3A_894 = arith.constant 48 : i32
      %parallel_loop3A_895 = arith.addi %parallel_loop3A_865, %parallel_loop3A_894 : i32
      %parallel_loop3A_896 = arith.index_cast %parallel_loop3A_895 : i32 to index
      %parallel_loop3A_897 = tpu.vector_load %arg7[%parallel_loop3A_896] {strides = array<i32>} : memref<65536xf32, #tpu.memory_space<vmem>>, vector<16xf32>,
      tpu.vector_store %arg7[%parallel_loop3A_896], %parallel_loop3A_893 {strides = array<i32>} : memref<65536xf32, #tpu.memory_space<vmem>>, vector<16xf32>,
      %parallel_loop3A_898 = arith.constant 64 : i32
      %parallel_loop3A_899 = arith.addi %parallel_loop3A_862, %parallel_loop3A_898 : i32
      %parallel_loop3A_900 = arith.index_cast %parallel_loop3A_899 : i32 to index
      %parallel_loop3A_901 = tpu.vector_load %arg6[%parallel_loop3A_900] {strides = array<i32>} : memref<2048xf32, #tpu.memory_space<vmem>>, vector<16xf32>,
      %parallel_loop3A_902 = arith.constant 64 : i32
      %parallel_loop3A_903 = arith.addi %parallel_loop3A_865, %parallel_loop3A_902 : i32
      %parallel_loop3A_904 = arith.index_cast %parallel_loop3A_903 : i32 to index
      %parallel_loop3A_905 = tpu.vector_load %arg7[%parallel_loop3A_904] {strides = array<i32>} : memref<65536xf32, #tpu.memory_space<vmem>>, vector<16xf32>,
      tpu.vector_store %arg7[%parallel_loop3A_904], %parallel_loop3A_901 {strides = array<i32>} : memref<65536xf32, #tpu.memory_space<vmem>>, vector<16xf32>,
      %parallel_loop3A_906 = arith.constant 80 : i32
      %parallel_loop3A_907 = arith.addi %parallel_loop3A_862, %parallel_loop3A_906 : i32
      %parallel_loop3A_908 = arith.index_cast %parallel_loop3A_907 : i32 to index
      %parallel_loop3A_909 = tpu.vector_load %arg6[%parallel_loop3A_908] {strides = array<i32>} : memref<2048xf32, #tpu.memory_space<vmem>>, vector<16xf32>,
      %parallel_loop3A_910 = arith.constant 80 : i32
      %parallel_loop3A_911 = arith.addi %parallel_loop3A_865, %parallel_loop3A_910 : i32
      %parallel_loop3A_912 = arith.index_cast %parallel_loop3A_911 : i32 to index
      %parallel_loop3A_913 = tpu.vector_load %arg7[%parallel_loop3A_912] {strides = array<i32>} : memref<65536xf32, #tpu.memory_space<vmem>>, vector<16xf32>,
      tpu.vector_store %arg7[%parallel_loop3A_912], %parallel_loop3A_909 {strides = array<i32>} : memref<65536xf32, #tpu.memory_space<vmem>>, vector<16xf32>,
      %parallel_loop3A_914 = arith.constant 96 : i32
      %parallel_loop3A_915 = arith.addi %parallel_loop3A_862, %parallel_loop3A_914 : i32
      %parallel_loop3A_916 = arith.index_cast %parallel_loop3A_915 : i32 to index
      %parallel_loop3A_917 = tpu.vector_load %arg6[%parallel_loop3A_916] {strides = array<i32>} : memref<2048xf32, #tpu.memory_space<vmem>>, vector<16xf32>,
      %parallel_loop3A_918 = arith.constant 96 : i32
      %parallel_loop3A_919 = arith.addi %parallel_loop3A_865, %parallel_loop3A_918 : i32
      %parallel_loop3A_920 = arith.index_cast %parallel_loop3A_919 : i32 to index
      %parallel_loop3A_921 = tpu.vector_load %arg7[%parallel_loop3A_920] {strides = array<i32>} : memref<65536xf32, #tpu.memory_space<vmem>>, vector<16xf32>,
      tpu.vector_store %arg7[%parallel_loop3A_920], %parallel_loop3A_917 {strides = array<i32>} : memref<65536xf32, #tpu.memory_space<vmem>>, vector<16xf32>,
      %parallel_loop3A_922 = arith.constant 112 : i32
      %parallel_loop3A_923 = arith.addi %parallel_loop3A_862, %parallel_loop3A_922 : i32
      %parallel_loop3A_924 = arith.index_cast %parallel_loop3A_923 : i32 to index
      %parallel_loop3A_925 = tpu.vector_load %arg6[%parallel_loop3A_924] {strides = array<i32>} : memref<2048xf32, #tpu.memory_space<vmem>>, vector<16xf32>,
      %parallel_loop3A_926 = arith.constant 112 : i32
      %parallel_loop3A_927 = arith.addi %parallel_loop3A_865, %parallel_loop3A_926 : i32
      %parallel_loop3A_928 = arith.index_cast %parallel_loop3A_927 : i32 to index
      %parallel_loop3A_929 = tpu.vector_load %arg7[%parallel_loop3A_928] {strides = array<i32>} : memref<65536xf32, #tpu.memory_space<vmem>>, vector<16xf32>,
      tpu.vector_store %arg7[%parallel_loop3A_928], %parallel_loop3A_925 {strides = array<i32>} : memref<65536xf32, #tpu.memory_space<vmem>>, vector<16xf32>,
      %parallel_loop3A_930 = vector.extract_strided_slice %parallel_loop3A_16 {offsets = [13], sizes = [1], strides = [1]} : vector<16xi32> to vector<1xi32>
      %parallel_loop3A_931 = vector.extract %parallel_loop3A_930[0] : i32 from vector<1xi32>
      %parallel_loop3A_932 = tpu.assume_multiple %parallel_loop3A_931, 128 : i32
      %parallel_loop3A_933 = arith.constant 1664 : i32
      %parallel_loop3A_934 = arith.addi %parallel_loop3A_19, %parallel_loop3A_933 : i32
      %parallel_loop3A_935 = tpu.assume_multiple %parallel_loop3A_934, 128 : i32
      %parallel_loop3A_936 = arith.constant 0 : i32
      %parallel_loop3A_937 = arith.addi %parallel_loop3A_932, %parallel_loop3A_936 : i32
      %parallel_loop3A_938 = arith.index_cast %parallel_loop3A_937 : i32 to index
      %parallel_loop3A_939 = tpu.vector_load %arg6[%parallel_loop3A_938] {strides = array<i32>} : memref<2048xf32, #tpu.memory_space<vmem>>, vector<16xf32>,
      %parallel_loop3A_940 = arith.constant 0 : i32
      %parallel_loop3A_941 = arith.addi %parallel_loop3A_935, %parallel_loop3A_940 : i32
      %parallel_loop3A_942 = arith.index_cast %parallel_loop3A_941 : i32 to index
      %parallel_loop3A_943 = tpu.vector_load %arg7[%parallel_loop3A_942] {strides = array<i32>} : memref<65536xf32, #tpu.memory_space<vmem>>, vector<16xf32>,
      tpu.vector_store %arg7[%parallel_loop3A_942], %parallel_loop3A_939 {strides = array<i32>} : memref<65536xf32, #tpu.memory_space<vmem>>, vector<16xf32>,
      %parallel_loop3A_944 = arith.constant 16 : i32
      %parallel_loop3A_945 = arith.addi %parallel_loop3A_932, %parallel_loop3A_944 : i32
      %parallel_loop3A_946 = arith.index_cast %parallel_loop3A_945 : i32 to index
      %parallel_loop3A_947 = tpu.vector_load %arg6[%parallel_loop3A_946] {strides = array<i32>} : memref<2048xf32, #tpu.memory_space<vmem>>, vector<16xf32>,
      %parallel_loop3A_948 = arith.constant 16 : i32
      %parallel_loop3A_949 = arith.addi %parallel_loop3A_935, %parallel_loop3A_948 : i32
      %parallel_loop3A_950 = arith.index_cast %parallel_loop3A_949 : i32 to index
      %parallel_loop3A_951 = tpu.vector_load %arg7[%parallel_loop3A_950] {strides = array<i32>} : memref<65536xf32, #tpu.memory_space<vmem>>, vector<16xf32>,
      tpu.vector_store %arg7[%parallel_loop3A_950], %parallel_loop3A_947 {strides = array<i32>} : memref<65536xf32, #tpu.memory_space<vmem>>, vector<16xf32>,
      %parallel_loop3A_952 = arith.constant 32 : i32
      %parallel_loop3A_953 = arith.addi %parallel_loop3A_932, %parallel_loop3A_952 : i32
      %parallel_loop3A_954 = arith.index_cast %parallel_loop3A_953 : i32 to index
      %parallel_loop3A_955 = tpu.vector_load %arg6[%parallel_loop3A_954] {strides = array<i32>} : memref<2048xf32, #tpu.memory_space<vmem>>, vector<16xf32>,
      %parallel_loop3A_956 = arith.constant 32 : i32
      %parallel_loop3A_957 = arith.addi %parallel_loop3A_935, %parallel_loop3A_956 : i32
      %parallel_loop3A_958 = arith.index_cast %parallel_loop3A_957 : i32 to index
      %parallel_loop3A_959 = tpu.vector_load %arg7[%parallel_loop3A_958] {strides = array<i32>} : memref<65536xf32, #tpu.memory_space<vmem>>, vector<16xf32>,
      tpu.vector_store %arg7[%parallel_loop3A_958], %parallel_loop3A_955 {strides = array<i32>} : memref<65536xf32, #tpu.memory_space<vmem>>, vector<16xf32>,
      %parallel_loop3A_960 = arith.constant 48 : i32
      %parallel_loop3A_961 = arith.addi %parallel_loop3A_932, %parallel_loop3A_960 : i32
      %parallel_loop3A_962 = arith.index_cast %parallel_loop3A_961 : i32 to index
      %parallel_loop3A_963 = tpu.vector_load %arg6[%parallel_loop3A_962] {strides = array<i32>} : memref<2048xf32, #tpu.memory_space<vmem>>, vector<16xf32>,
      %parallel_loop3A_964 = arith.constant 48 : i32
      %parallel_loop3A_965 = arith.addi %parallel_loop3A_935, %parallel_loop3A_964 : i32
      %parallel_loop3A_966 = arith.index_cast %parallel_loop3A_965 : i32 to index
      %parallel_loop3A_967 = tpu.vector_load %arg7[%parallel_loop3A_966] {strides = array<i32>} : memref<65536xf32, #tpu.memory_space<vmem>>, vector<16xf32>,
      tpu.vector_store %arg7[%parallel_loop3A_966], %parallel_loop3A_963 {strides = array<i32>} : memref<65536xf32, #tpu.memory_space<vmem>>, vector<16xf32>,
      %parallel_loop3A_968 = arith.constant 64 : i32
      %parallel_loop3A_969 = arith.addi %parallel_loop3A_932, %parallel_loop3A_968 : i32
      %parallel_loop3A_970 = arith.index_cast %parallel_loop3A_969 : i32 to index
      %parallel_loop3A_971 = tpu.vector_load %arg6[%parallel_loop3A_970] {strides = array<i32>} : memref<2048xf32, #tpu.memory_space<vmem>>, vector<16xf32>,
      %parallel_loop3A_972 = arith.constant 64 : i32
      %parallel_loop3A_973 = arith.addi %parallel_loop3A_935, %parallel_loop3A_972 : i32
      %parallel_loop3A_974 = arith.index_cast %parallel_loop3A_973 : i32 to index
      %parallel_loop3A_975 = tpu.vector_load %arg7[%parallel_loop3A_974] {strides = array<i32>} : memref<65536xf32, #tpu.memory_space<vmem>>, vector<16xf32>,
      tpu.vector_store %arg7[%parallel_loop3A_974], %parallel_loop3A_971 {strides = array<i32>} : memref<65536xf32, #tpu.memory_space<vmem>>, vector<16xf32>,
      %parallel_loop3A_976 = arith.constant 80 : i32
      %parallel_loop3A_977 = arith.addi %parallel_loop3A_932, %parallel_loop3A_976 : i32
      %parallel_loop3A_978 = arith.index_cast %parallel_loop3A_977 : i32 to index
      %parallel_loop3A_979 = tpu.vector_load %arg6[%parallel_loop3A_978] {strides = array<i32>} : memref<2048xf32, #tpu.memory_space<vmem>>, vector<16xf32>,
      %parallel_loop3A_980 = arith.constant 80 : i32
      %parallel_loop3A_981 = arith.addi %parallel_loop3A_935, %parallel_loop3A_980 : i32
      %parallel_loop3A_982 = arith.index_cast %parallel_loop3A_981 : i32 to index
      %parallel_loop3A_983 = tpu.vector_load %arg7[%parallel_loop3A_982] {strides = array<i32>} : memref<65536xf32, #tpu.memory_space<vmem>>, vector<16xf32>,
      tpu.vector_store %arg7[%parallel_loop3A_982], %parallel_loop3A_979 {strides = array<i32>} : memref<65536xf32, #tpu.memory_space<vmem>>, vector<16xf32>,
      %parallel_loop3A_984 = arith.constant 96 : i32
      %parallel_loop3A_985 = arith.addi %parallel_loop3A_932, %parallel_loop3A_984 : i32
      %parallel_loop3A_986 = arith.index_cast %parallel_loop3A_985 : i32 to index
      %parallel_loop3A_987 = tpu.vector_load %arg6[%parallel_loop3A_986] {strides = array<i32>} : memref<2048xf32, #tpu.memory_space<vmem>>, vector<16xf32>,
      %parallel_loop3A_988 = arith.constant 96 : i32
      %parallel_loop3A_989 = arith.addi %parallel_loop3A_935, %parallel_loop3A_988 : i32
      %parallel_loop3A_990 = arith.index_cast %parallel_loop3A_989 : i32 to index
      %parallel_loop3A_991 = tpu.vector_load %arg7[%parallel_loop3A_990] {strides = array<i32>} : memref<65536xf32, #tpu.memory_space<vmem>>, vector<16xf32>,
      tpu.vector_store %arg7[%parallel_loop3A_990], %parallel_loop3A_987 {strides = array<i32>} : memref<65536xf32, #tpu.memory_space<vmem>>, vector<16xf32>,
      %parallel_loop3A_992 = arith.constant 112 : i32
      %parallel_loop3A_993 = arith.addi %parallel_loop3A_932, %parallel_loop3A_992 : i32
      %parallel_loop3A_994 = arith.index_cast %parallel_loop3A_993 : i32 to index
      %parallel_loop3A_995 = tpu.vector_load %arg6[%parallel_loop3A_994] {strides = array<i32>} : memref<2048xf32, #tpu.memory_space<vmem>>, vector<16xf32>,
      %parallel_loop3A_996 = arith.constant 112 : i32
      %parallel_loop3A_997 = arith.addi %parallel_loop3A_935, %parallel_loop3A_996 : i32
      %parallel_loop3A_998 = arith.index_cast %parallel_loop3A_997 : i32 to index
      %parallel_loop3A_999 = tpu.vector_load %arg7[%parallel_loop3A_998] {strides = array<i32>} : memref<65536xf32, #tpu.memory_space<vmem>>, vector<16xf32>,
      tpu.vector_store %arg7[%parallel_loop3A_998], %parallel_loop3A_995 {strides = array<i32>} : memref<65536xf32, #tpu.memory_space<vmem>>, vector<16xf32>,
      %parallel_loop3A_1000 = vector.extract_strided_slice %parallel_loop3A_16 {offsets = [14], sizes = [1], strides = [1]} : vector<16xi32> to vector<1xi32>
      %parallel_loop3A_1001 = vector.extract %parallel_loop3A_1000[0] : i32 from vector<1xi32>
      %parallel_loop3A_1002 = tpu.assume_multiple %parallel_loop3A_1001, 128 : i32
      %parallel_loop3A_1003 = arith.constant 1792 : i32
      %parallel_loop3A_1004 = arith.addi %parallel_loop3A_19, %parallel_loop3A_1003 : i32
      %parallel_loop3A_1005 = tpu.assume_multiple %parallel_loop3A_1004, 128 : i32
      %parallel_loop3A_1006 = arith.constant 0 : i32
      %parallel_loop3A_1007 = arith.addi %parallel_loop3A_1002, %parallel_loop3A_1006 : i32
      %parallel_loop3A_1008 = arith.index_cast %parallel_loop3A_1007 : i32 to index
      %parallel_loop3A_1009 = tpu.vector_load %arg6[%parallel_loop3A_1008] {strides = array<i32>} : memref<2048xf32, #tpu.memory_space<vmem>>, vector<16xf32>,
      %parallel_loop3A_1010 = arith.constant 0 : i32
      %parallel_loop3A_1011 = arith.addi %parallel_loop3A_1005, %parallel_loop3A_1010 : i32
      %parallel_loop3A_1012 = arith.index_cast %parallel_loop3A_1011 : i32 to index
      %parallel_loop3A_1013 = tpu.vector_load %arg7[%parallel_loop3A_1012] {strides = array<i32>} : memref<65536xf32, #tpu.memory_space<vmem>>, vector<16xf32>,
      tpu.vector_store %arg7[%parallel_loop3A_1012], %parallel_loop3A_1009 {strides = array<i32>} : memref<65536xf32, #tpu.memory_space<vmem>>, vector<16xf32>,
      %parallel_loop3A_1014 = arith.constant 16 : i32
      %parallel_loop3A_1015 = arith.addi %parallel_loop3A_1002, %parallel_loop3A_1014 : i32
      %parallel_loop3A_1016 = arith.index_cast %parallel_loop3A_1015 : i32 to index
      %parallel_loop3A_1017 = tpu.vector_load %arg6[%parallel_loop3A_1016] {strides = array<i32>} : memref<2048xf32, #tpu.memory_space<vmem>>, vector<16xf32>,
      %parallel_loop3A_1018 = arith.constant 16 : i32
      %parallel_loop3A_1019 = arith.addi %parallel_loop3A_1005, %parallel_loop3A_1018 : i32
      %parallel_loop3A_1020 = arith.index_cast %parallel_loop3A_1019 : i32 to index
      %parallel_loop3A_1021 = tpu.vector_load %arg7[%parallel_loop3A_1020] {strides = array<i32>} : memref<65536xf32, #tpu.memory_space<vmem>>, vector<16xf32>,
      tpu.vector_store %arg7[%parallel_loop3A_1020], %parallel_loop3A_1017 {strides = array<i32>} : memref<65536xf32, #tpu.memory_space<vmem>>, vector<16xf32>,
      %parallel_loop3A_1022 = arith.constant 32 : i32
      %parallel_loop3A_1023 = arith.addi %parallel_loop3A_1002, %parallel_loop3A_1022 : i32
      %parallel_loop3A_1024 = arith.index_cast %parallel_loop3A_1023 : i32 to index
      %parallel_loop3A_1025 = tpu.vector_load %arg6[%parallel_loop3A_1024] {strides = array<i32>} : memref<2048xf32, #tpu.memory_space<vmem>>, vector<16xf32>,
      %parallel_loop3A_1026 = arith.constant 32 : i32
      %parallel_loop3A_1027 = arith.addi %parallel_loop3A_1005, %parallel_loop3A_1026 : i32
      %parallel_loop3A_1028 = arith.index_cast %parallel_loop3A_1027 : i32 to index
      %parallel_loop3A_1029 = tpu.vector_load %arg7[%parallel_loop3A_1028] {strides = array<i32>} : memref<65536xf32, #tpu.memory_space<vmem>>, vector<16xf32>,
      tpu.vector_store %arg7[%parallel_loop3A_1028], %parallel_loop3A_1025 {strides = array<i32>} : memref<65536xf32, #tpu.memory_space<vmem>>, vector<16xf32>,
      %parallel_loop3A_1030 = arith.constant 48 : i32
      %parallel_loop3A_1031 = arith.addi %parallel_loop3A_1002, %parallel_loop3A_1030 : i32
      %parallel_loop3A_1032 = arith.index_cast %parallel_loop3A_1031 : i32 to index
      %parallel_loop3A_1033 = tpu.vector_load %arg6[%parallel_loop3A_1032] {strides = array<i32>} : memref<2048xf32, #tpu.memory_space<vmem>>, vector<16xf32>,
      %parallel_loop3A_1034 = arith.constant 48 : i32
      %parallel_loop3A_1035 = arith.addi %parallel_loop3A_1005, %parallel_loop3A_1034 : i32
      %parallel_loop3A_1036 = arith.index_cast %parallel_loop3A_1035 : i32 to index
      %parallel_loop3A_1037 = tpu.vector_load %arg7[%parallel_loop3A_1036] {strides = array<i32>} : memref<65536xf32, #tpu.memory_space<vmem>>, vector<16xf32>,
      tpu.vector_store %arg7[%parallel_loop3A_1036], %parallel_loop3A_1033 {strides = array<i32>} : memref<65536xf32, #tpu.memory_space<vmem>>, vector<16xf32>,
      %parallel_loop3A_1038 = arith.constant 64 : i32
      %parallel_loop3A_1039 = arith.addi %parallel_loop3A_1002, %parallel_loop3A_1038 : i32
      %parallel_loop3A_1040 = arith.index_cast %parallel_loop3A_1039 : i32 to index
      %parallel_loop3A_1041 = tpu.vector_load %arg6[%parallel_loop3A_1040] {strides = array<i32>} : memref<2048xf32, #tpu.memory_space<vmem>>, vector<16xf32>,
      %parallel_loop3A_1042 = arith.constant 64 : i32
      %parallel_loop3A_1043 = arith.addi %parallel_loop3A_1005, %parallel_loop3A_1042 : i32
      %parallel_loop3A_1044 = arith.index_cast %parallel_loop3A_1043 : i32 to index
      %parallel_loop3A_1045 = tpu.vector_load %arg7[%parallel_loop3A_1044] {strides = array<i32>} : memref<65536xf32, #tpu.memory_space<vmem>>, vector<16xf32>,
      tpu.vector_store %arg7[%parallel_loop3A_1044], %parallel_loop3A_1041 {strides = array<i32>} : memref<65536xf32, #tpu.memory_space<vmem>>, vector<16xf32>,
      %parallel_loop3A_1046 = arith.constant 80 : i32
      %parallel_loop3A_1047 = arith.addi %parallel_loop3A_1002, %parallel_loop3A_1046 : i32
      %parallel_loop3A_1048 = arith.index_cast %parallel_loop3A_1047 : i32 to index
      %parallel_loop3A_1049 = tpu.vector_load %arg6[%parallel_loop3A_1048] {strides = array<i32>} : memref<2048xf32, #tpu.memory_space<vmem>>, vector<16xf32>,
      %parallel_loop3A_1050 = arith.constant 80 : i32
      %parallel_loop3A_1051 = arith.addi %parallel_loop3A_1005, %parallel_loop3A_1050 : i32
      %parallel_loop3A_1052 = arith.index_cast %parallel_loop3A_1051 : i32 to index
      %parallel_loop3A_1053 = tpu.vector_load %arg7[%parallel_loop3A_1052] {strides = array<i32>} : memref<65536xf32, #tpu.memory_space<vmem>>, vector<16xf32>,
      tpu.vector_store %arg7[%parallel_loop3A_1052], %parallel_loop3A_1049 {strides = array<i32>} : memref<65536xf32, #tpu.memory_space<vmem>>, vector<16xf32>,
      %parallel_loop3A_1054 = arith.constant 96 : i32
      %parallel_loop3A_1055 = arith.addi %parallel_loop3A_1002, %parallel_loop3A_1054 : i32
      %parallel_loop3A_1056 = arith.index_cast %parallel_loop3A_1055 : i32 to index
      %parallel_loop3A_1057 = tpu.vector_load %arg6[%parallel_loop3A_1056] {strides = array<i32>} : memref<2048xf32, #tpu.memory_space<vmem>>, vector<16xf32>,
      %parallel_loop3A_1058 = arith.constant 96 : i32
      %parallel_loop3A_1059 = arith.addi %parallel_loop3A_1005, %parallel_loop3A_1058 : i32
      %parallel_loop3A_1060 = arith.index_cast %parallel_loop3A_1059 : i32 to index
      %parallel_loop3A_1061 = tpu.vector_load %arg7[%parallel_loop3A_1060] {strides = array<i32>} : memref<65536xf32, #tpu.memory_space<vmem>>, vector<16xf32>,
      tpu.vector_store %arg7[%parallel_loop3A_1060], %parallel_loop3A_1057 {strides = array<i32>} : memref<65536xf32, #tpu.memory_space<vmem>>, vector<16xf32>,
      %parallel_loop3A_1062 = arith.constant 112 : i32
      %parallel_loop3A_1063 = arith.addi %parallel_loop3A_1002, %parallel_loop3A_1062 : i32
      %parallel_loop3A_1064 = arith.index_cast %parallel_loop3A_1063 : i32 to index
      %parallel_loop3A_1065 = tpu.vector_load %arg6[%parallel_loop3A_1064] {strides = array<i32>} : memref<2048xf32, #tpu.memory_space<vmem>>, vector<16xf32>,
      %parallel_loop3A_1066 = arith.constant 112 : i32
      %parallel_loop3A_1067 = arith.addi %parallel_loop3A_1005, %parallel_loop3A_1066 : i32
      %parallel_loop3A_1068 = arith.index_cast %parallel_loop3A_1067 : i32 to index
      %parallel_loop3A_1069 = tpu.vector_load %arg7[%parallel_loop3A_1068] {strides = array<i32>} : memref<65536xf32, #tpu.memory_space<vmem>>, vector<16xf32>,
      tpu.vector_store %arg7[%parallel_loop3A_1068], %parallel_loop3A_1065 {strides = array<i32>} : memref<65536xf32, #tpu.memory_space<vmem>>, vector<16xf32>,
      %parallel_loop3A_1070 = vector.extract_strided_slice %parallel_loop3A_16 {offsets = [15], sizes = [1], strides = [1]} : vector<16xi32> to vector<1xi32>
      %parallel_loop3A_1071 = vector.extract %parallel_loop3A_1070[0] : i32 from vector<1xi32>
      %parallel_loop3A_1072 = tpu.assume_multiple %parallel_loop3A_1071, 128 : i32
      %parallel_loop3A_1073 = arith.constant 1920 : i32
      %parallel_loop3A_1074 = arith.addi %parallel_loop3A_19, %parallel_loop3A_1073 : i32
      %parallel_loop3A_1075 = tpu.assume_multiple %parallel_loop3A_1074, 128 : i32
      %parallel_loop3A_1076 = arith.constant 0 : i32
      %parallel_loop3A_1077 = arith.addi %parallel_loop3A_1072, %parallel_loop3A_1076 : i32
      %parallel_loop3A_1078 = arith.index_cast %parallel_loop3A_1077 : i32 to index
      %parallel_loop3A_1079 = tpu.vector_load %arg6[%parallel_loop3A_1078] {strides = array<i32>} : memref<2048xf32, #tpu.memory_space<vmem>>, vector<16xf32>,
      %parallel_loop3A_1080 = arith.constant 0 : i32
      %parallel_loop3A_1081 = arith.addi %parallel_loop3A_1075, %parallel_loop3A_1080 : i32
      %parallel_loop3A_1082 = arith.index_cast %parallel_loop3A_1081 : i32 to index
      %parallel_loop3A_1083 = tpu.vector_load %arg7[%parallel_loop3A_1082] {strides = array<i32>} : memref<65536xf32, #tpu.memory_space<vmem>>, vector<16xf32>,
      tpu.vector_store %arg7[%parallel_loop3A_1082], %parallel_loop3A_1079 {strides = array<i32>} : memref<65536xf32, #tpu.memory_space<vmem>>, vector<16xf32>,
      %parallel_loop3A_1084 = arith.constant 16 : i32
      %parallel_loop3A_1085 = arith.addi %parallel_loop3A_1072, %parallel_loop3A_1084 : i32
      %parallel_loop3A_1086 = arith.index_cast %parallel_loop3A_1085 : i32 to index
      %parallel_loop3A_1087 = tpu.vector_load %arg6[%parallel_loop3A_1086] {strides = array<i32>} : memref<2048xf32, #tpu.memory_space<vmem>>, vector<16xf32>,
      %parallel_loop3A_1088 = arith.constant 16 : i32
      %parallel_loop3A_1089 = arith.addi %parallel_loop3A_1075, %parallel_loop3A_1088 : i32
      %parallel_loop3A_1090 = arith.index_cast %parallel_loop3A_1089 : i32 to index
      %parallel_loop3A_1091 = tpu.vector_load %arg7[%parallel_loop3A_1090] {strides = array<i32>} : memref<65536xf32, #tpu.memory_space<vmem>>, vector<16xf32>,
      tpu.vector_store %arg7[%parallel_loop3A_1090], %parallel_loop3A_1087 {strides = array<i32>} : memref<65536xf32, #tpu.memory_space<vmem>>, vector<16xf32>,
      %parallel_loop3A_1092 = arith.constant 32 : i32
      %parallel_loop3A_1093 = arith.addi %parallel_loop3A_1072, %parallel_loop3A_1092 : i32
      %parallel_loop3A_1094 = arith.index_cast %parallel_loop3A_1093 : i32 to index
      %parallel_loop3A_1095 = tpu.vector_load %arg6[%parallel_loop3A_1094] {strides = array<i32>} : memref<2048xf32, #tpu.memory_space<vmem>>, vector<16xf32>,
      %parallel_loop3A_1096 = arith.constant 32 : i32
      %parallel_loop3A_1097 = arith.addi %parallel_loop3A_1075, %parallel_loop3A_1096 : i32
      %parallel_loop3A_1098 = arith.index_cast %parallel_loop3A_1097 : i32 to index
      %parallel_loop3A_1099 = tpu.vector_load %arg7[%parallel_loop3A_1098] {strides = array<i32>} : memref<65536xf32, #tpu.memory_space<vmem>>, vector<16xf32>,
      tpu.vector_store %arg7[%parallel_loop3A_1098], %parallel_loop3A_1095 {strides = array<i32>} : memref<65536xf32, #tpu.memory_space<vmem>>, vector<16xf32>,
      %parallel_loop3A_1100 = arith.constant 48 : i32
      %parallel_loop3A_1101 = arith.addi %parallel_loop3A_1072, %parallel_loop3A_1100 : i32
      %parallel_loop3A_1102 = arith.index_cast %parallel_loop3A_1101 : i32 to index
      %parallel_loop3A_1103 = tpu.vector_load %arg6[%parallel_loop3A_1102] {strides = array<i32>} : memref<2048xf32, #tpu.memory_space<vmem>>, vector<16xf32>,
      %parallel_loop3A_1104 = arith.constant 48 : i32
      %parallel_loop3A_1105 = arith.addi %parallel_loop3A_1075, %parallel_loop3A_1104 : i32
      %parallel_loop3A_1106 = arith.index_cast %parallel_loop3A_1105 : i32 to index
      %parallel_loop3A_1107 = tpu.vector_load %arg7[%parallel_loop3A_1106] {strides = array<i32>} : memref<65536xf32, #tpu.memory_space<vmem>>, vector<16xf32>,
      tpu.vector_store %arg7[%parallel_loop3A_1106], %parallel_loop3A_1103 {strides = array<i32>} : memref<65536xf32, #tpu.memory_space<vmem>>, vector<16xf32>,
      %parallel_loop3A_1108 = arith.constant 64 : i32
      %parallel_loop3A_1109 = arith.addi %parallel_loop3A_1072, %parallel_loop3A_1108 : i32
      %parallel_loop3A_1110 = arith.index_cast %parallel_loop3A_1109 : i32 to index
      %parallel_loop3A_1111 = tpu.vector_load %arg6[%parallel_loop3A_1110] {strides = array<i32>} : memref<2048xf32, #tpu.memory_space<vmem>>, vector<16xf32>,
      %parallel_loop3A_1112 = arith.constant 64 : i32
      %parallel_loop3A_1113 = arith.addi %parallel_loop3A_1075, %parallel_loop3A_1112 : i32
      %parallel_loop3A_1114 = arith.index_cast %parallel_loop3A_1113 : i32 to index
      %parallel_loop3A_1115 = tpu.vector_load %arg7[%parallel_loop3A_1114] {strides = array<i32>} : memref<65536xf32, #tpu.memory_space<vmem>>, vector<16xf32>,
      tpu.vector_store %arg7[%parallel_loop3A_1114], %parallel_loop3A_1111 {strides = array<i32>} : memref<65536xf32, #tpu.memory_space<vmem>>, vector<16xf32>,
      %parallel_loop3A_1116 = arith.constant 80 : i32
      %parallel_loop3A_1117 = arith.addi %parallel_loop3A_1072, %parallel_loop3A_1116 : i32
      %parallel_loop3A_1118 = arith.index_cast %parallel_loop3A_1117 : i32 to index
      %parallel_loop3A_1119 = tpu.vector_load %arg6[%parallel_loop3A_1118] {strides = array<i32>} : memref<2048xf32, #tpu.memory_space<vmem>>, vector<16xf32>,
      %parallel_loop3A_1120 = arith.constant 80 : i32
      %parallel_loop3A_1121 = arith.addi %parallel_loop3A_1075, %parallel_loop3A_1120 : i32
      %parallel_loop3A_1122 = arith.index_cast %parallel_loop3A_1121 : i32 to index
      %parallel_loop3A_1123 = tpu.vector_load %arg7[%parallel_loop3A_1122] {strides = array<i32>} : memref<65536xf32, #tpu.memory_space<vmem>>, vector<16xf32>,
      tpu.vector_store %arg7[%parallel_loop3A_1122], %parallel_loop3A_1119 {strides = array<i32>} : memref<65536xf32, #tpu.memory_space<vmem>>, vector<16xf32>,
      %parallel_loop3A_1124 = arith.constant 96 : i32
      %parallel_loop3A_1125 = arith.addi %parallel_loop3A_1072, %parallel_loop3A_1124 : i32
      %parallel_loop3A_1126 = arith.index_cast %parallel_loop3A_1125 : i32 to index
      %parallel_loop3A_1127 = tpu.vector_load %arg6[%parallel_loop3A_1126] {strides = array<i32>} : memref<2048xf32, #tpu.memory_space<vmem>>, vector<16xf32>,
      %parallel_loop3A_1128 = arith.constant 96 : i32
      %parallel_loop3A_1129 = arith.addi %parallel_loop3A_1075, %parallel_loop3A_1128 : i32
      %parallel_loop3A_1130 = arith.index_cast %parallel_loop3A_1129 : i32 to index
      %parallel_loop3A_1131 = tpu.vector_load %arg7[%parallel_loop3A_1130] {strides = array<i32>} : memref<65536xf32, #tpu.memory_space<vmem>>, vector<16xf32>,
      tpu.vector_store %arg7[%parallel_loop3A_1130], %parallel_loop3A_1127 {strides = array<i32>} : memref<65536xf32, #tpu.memory_space<vmem>>, vector<16xf32>,
      %parallel_loop3A_1132 = arith.constant 112 : i32
      %parallel_loop3A_1133 = arith.addi %parallel_loop3A_1072, %parallel_loop3A_1132 : i32
      %parallel_loop3A_1134 = arith.index_cast %parallel_loop3A_1133 : i32 to index
      %parallel_loop3A_1135 = tpu.vector_load %arg6[%parallel_loop3A_1134] {strides = array<i32>} : memref<2048xf32, #tpu.memory_space<vmem>>, vector<16xf32>,
      %parallel_loop3A_1136 = arith.constant 112 : i32
      %parallel_loop3A_1137 = arith.addi %parallel_loop3A_1075, %parallel_loop3A_1136 : i32
      %parallel_loop3A_1138 = arith.index_cast %parallel_loop3A_1137 : i32 to index
      %parallel_loop3A_1139 = tpu.vector_load %arg7[%parallel_loop3A_1138] {strides = array<i32>} : memref<65536xf32, #tpu.memory_space<vmem>>, vector<16xf32>,
      tpu.vector_store %arg7[%parallel_loop3A_1138], %parallel_loop3A_1135 {strides = array<i32>} : memref<65536xf32, #tpu.memory_space<vmem>>, vector<16xf32>,
      %parallel_loop3A_1140 = arith.addi %mul3A_6, %parallel_loop3A_19 : i32
      %parallel_loop3A_1141 = tpu.memref_slice %arg7[%parallel_loop3A_19] : memref<65536xf32, #tpu.memory_space<vmem>> -> memref<2048xf32, #tpu.memory_space<vmem>>
      %parallel_loop3A_1142 = tpu.memref_slice %arg4[%parallel_loop3A_1140] : memref<2097152xf32, #tpu.memory_space<hbm>> -> memref<2048xf32, #tpu.memory_space<hbm>>
      %parallel_loop3A_1143 = tpu.memref_slice %arg4[%parallel_loop3A_1140] : memref<2097152xf32, #tpu.memory_space<hbm>> -> memref<2048xf32, #tpu.memory_space<hbm>>
      %parallel_loop3A_1144 = tpu.memref_slice %arg7[%parallel_loop3A_19] : memref<65536xf32, #tpu.memory_space<vmem>> -> memref<2048xf32, #tpu.memory_space<vmem>>
      tpu.enqueue_dma source(%parallel_loop3A_1144 : memref<2048xf32, #tpu.memory_space<vmem>>) target(%parallel_loop3A_1143 : memref<2048xf32, #tpu.memory_space<hbm>>) target_semaphore(%arg10 : memref<!tpu.dma_semaphore, #tpu.memory_space<semaphore_mem>>)
    } {sc.loop_unroll_factor = 1 : i64, sc.parallel_access}
    %dma_wait3A_9 = tpu.memref_slice %arg4[%mul3A_6] : memref<2097152xf32, #tpu.memory_space<hbm>> -> memref<65536xf32, #tpu.memory_space<hbm>>
    %dma_wait3A_10 = tpu.memref_slice %arg4[%mul3A_6] : memref<2097152xf32, #tpu.memory_space<hbm>> -> memref<65536xf32, #tpu.memory_space<hbm>>
    tpu.wait_dma2 semaphore(%arg10 : memref<!tpu.dma_semaphore, #tpu.memory_space<semaphore_mem>>) src(%arg7 : memref<65536xf32, #tpu.memory_space<vmem>>) dst(%dma_wait3A_10 : memref<65536xf32, #tpu.memory_space<hbm>>)
    return
  }
}

module attributes {stable_mosaic.version = 14 : i64} {
  func.func @_mlp_body(%arg0: memref<9x128xf32, #tpu.memory_space<vmem>>, %arg1: memref<128x512xf32, #tpu.memory_space<vmem>>, %arg2: memref<1x512xf32, #tpu.memory_space<vmem>>, %arg3: memref<512x128xf32, #tpu.memory_space<vmem>>, %arg4: memref<1x128xf32, #tpu.memory_space<vmem>>, %arg5: memref<128x128xi32, #tpu.memory_space<vmem>>, %arg6: memref<128x128xi32, #tpu.memory_space<vmem>>, %arg7: memref<16x128xf32, #tpu.memory_space<vmem>>, %arg8: memref<128x128xi32, #tpu.memory_space<vmem>>) attributes {dimension_semantics = [], scalar_prefetch = 0 : i64, scratch_operands = 0 : i64, tpu.core_type = #tpu.core_type<tc>} {
    %get3A = arith.constant 0 : index
    %get3A_0 = arith.constant 0 : index
    %get3A_1 = vector.load %arg0[%get3A, %get3A_0] : memref<9x128xf32, #tpu.memory_space<vmem>>, vector<9x128xf32>
    %broadcast_in_dim3A = arith.constant 0.000000e+00 : f32
    %broadcast_in_dim3A_2 = vector.broadcast %broadcast_in_dim3A : f32 to vector<7x128xf32>
    %concatenate3A = tpu.concatenate %get3A_1, %broadcast_in_dim3A_2 in 0 : vector<9x128xf32>, vector<7x128xf32> -> vector<16x128xf32>
    %get3A_3 = arith.constant 0 : index
    %get3A_4 = arith.constant 0 : index
    %get3A_5 = vector.load %arg1[%get3A_3, %get3A_4] : memref<128x512xf32, #tpu.memory_space<vmem>>, vector<128x512xf32>
    %dot_general3A = arith.constant dense<0.000000e+00> : vector<16x512xf32>
    %dot_general3A_6 = tpu.matmul %concatenate3A, %get3A_5, %dot_general3A {dimension_numbers = #tpu.dot_dimension_numbers<[1], [0], [0], [1], [0, 0, 1, 1], [], []>, transpose_lhs_hint = false} : vector<16x128xf32>, vector<128x512xf32>, vector<16x512xf32> -> vector<16x512xf32>
    %get3A_7 = arith.constant 0 : index
    %get3A_8 = arith.constant 0 : index
    %get3A_9 = vector.load %arg2[%get3A_7, %get3A_8] : memref<1x512xf32, #tpu.memory_space<vmem>>, vector<1x512xf32>
    %add3A = vector.broadcast %get3A_9 : vector<1x512xf32> to vector<16x512xf32>
    %add3A_10 = arith.addf %dot_general3A_6, %add3A : vector<16x512xf32>
    %logistic3A = arith.negf %add3A_10 : vector<16x512xf32>
    %logistic3A_11 = math.exp %logistic3A : vector<16x512xf32>
    %logistic3A_12 = arith.constant 1.000000e+00 : f32
    %logistic3A_13 = vector.broadcast %logistic3A_12 : f32 to vector<16x512xf32>
    %logistic3A_14 = arith.addf %logistic3A_13, %logistic3A_11 : vector<16x512xf32>
    %logistic3A_15 = arith.divf %logistic3A_13, %logistic3A_14 : vector<16x512xf32>
    %mul3A = arith.mulf %add3A_10, %logistic3A_15 : vector<16x512xf32>
    %get3A_16 = arith.constant 0 : index
    %get3A_17 = arith.constant 0 : index
    %get3A_18 = vector.load %arg3[%get3A_16, %get3A_17] : memref<512x128xf32, #tpu.memory_space<vmem>>, vector<512x128xf32>
    %dot_general3A_19 = arith.constant dense<0.000000e+00> : vector<16x128xf32>
    %dot_general3A_20 = tpu.matmul %mul3A, %get3A_18, %dot_general3A_19 {dimension_numbers = #tpu.dot_dimension_numbers<[1], [0], [0], [1], [0, 0, 1, 1], [], []>, transpose_lhs_hint = false} : vector<16x512xf32>, vector<512x128xf32>, vector<16x128xf32> -> vector<16x128xf32>
    %get3A_21 = arith.constant 0 : index
    %get3A_22 = arith.constant 0 : index
    %get3A_23 = vector.load %arg4[%get3A_21, %get3A_22] : memref<1x128xf32, #tpu.memory_space<vmem>>, vector<1x128xf32>
    %add3A_24 = vector.broadcast %get3A_23 : vector<1x128xf32> to vector<16x128xf32>
    %add3A_25 = arith.addf %dot_general3A_20, %add3A_24 : vector<16x128xf32>
    %swap3A = arith.constant 0 : index
    %swap3A_26 = arith.constant 0 : index
    %swap3A_27 = vector.load %arg7[%swap3A, %swap3A_26] : memref<16x128xf32, #tpu.memory_space<vmem>>, vector<16x128xf32>
    tpu.vector_store %arg7[%swap3A, %swap3A_26], %add3A_25 {strides = array<i32>} : memref<16x128xf32, #tpu.memory_space<vmem>>, vector<16x128xf32>,
    %get3A_28 = arith.constant 0 : index
    %get3A_29 = arith.constant 0 : index
    %get3A_30 = vector.load %arg5[%get3A_28, %get3A_29] : memref<128x128xi32, #tpu.memory_space<vmem>>, vector<128x128xi32>
    %get3A_31 = arith.constant 0 : index
    %get3A_32 = arith.constant 0 : index
    %get3A_33 = vector.load %arg6[%get3A_31, %get3A_32] : memref<128x128xi32, #tpu.memory_space<vmem>>, vector<128x128xi32>
    %ne3A = arith.constant 0 : i32
    %ne3A_34 = vector.broadcast %ne3A : i32 to vector<128x128xi32>
    %ne3A_35 = arith.cmpi ne, %get3A_33, %ne3A_34 : vector<128x128xi32>
    %jit3A = arith.constant 8 : i32
    %broadcast_in_dim3A_36 = vector.broadcast %jit3A : i32 to vector<128x128xi32>
    %select_n3A = arith.select %ne3A_35, %broadcast_in_dim3A_36, %get3A_30 : vector<128x128xi1>, vector<128x128xi32>
    %mul3A_37 = arith.constant 128 : i32
    %mul3A_38 = vector.broadcast %mul3A_37 : i32 to vector<128x128xi32>
    %mul3A_39 = arith.muli %select_n3A, %mul3A_38 : vector<128x128xi32>
    %swap3A_40 = arith.constant 0 : index
    %swap3A_41 = arith.constant 0 : index
    %swap3A_42 = vector.load %arg8[%swap3A_40, %swap3A_41] : memref<128x128xi32, #tpu.memory_space<vmem>>, vector<128x128xi32>
    tpu.vector_store %arg8[%swap3A_40, %swap3A_41], %mul3A_39 {strides = array<i32>} : memref<128x128xi32, #tpu.memory_space<vmem>>, vector<128x128xi32>,
    return
  }
}

</mosaic_0001>

<sc_bundles>
// kernel: kernel.4.cloned.1.call-start
scs
__scs_entry_jumppad:
0x0: {  	(pc) =	sbr.rel $0x88, $3  }
0x1: {  	(tag) =	ssettag $0x0;
	lr =	simm.s32 $0x1  }
0x2: {  	[smem:$0x3F9A] =	sst lr;
	_ =	strace $0xD0000000  }
0x3: {  	_ = 	snop  }
0x4: {  	_ = 	snop  }
0x5: {  	_ = 	snop  }
0x6: {  	_ = 	snop  }
0x7: {  	_ = 	snop  }
__scs_overlays_trampoline_lowered:
0x8: {  	[smem:$0x3FA9] =	sst s0  }
0x9: {  	[smem:$0x3FAA] =	sst s1  }
0xa: {  	[smem:$0x3FAB] =	sst s2  }
0xb: {  	[smem:$0x3FAC] =	sst s3  }
0xc: {  	[smem:$0x3FAD] =	sst s4  }
0xd: {  	[smem:$0x3FAE] =	sst s5  }
0xe: {  	[smem:$0x3FAF] =	sst s6  }
0xf: {  	[smem:$0x3FB0] =	sst s7  }
0x10: {  	[smem:$0x3FB1] =	sst s8  }
0x11: {  	[smem:$0x3FB2] =	sst s9;
	s0 =	simm.s32 @!p0 $0x0  }
0x12: {  	s1 =	sld [smem:$0x3F98];
	s0 =	simm.s32 @p0 $0x1  }
0x13: {  	[smem:$0x3FB3] =	sst s0;
	s0 =	simm.s32 @!p1 $0x0  }
0x14: {  	s2 =	sld [smem:$0x3F97];
	s0 =	simm.s32 @p1 $0x1  }
0x15: {  	[smem:$0x3FB4] =	sst s0;
	s0 =	simm.s32 @!p2 $0x0  }
0x16: {  	s3 =	sld [smem:$0x3FDB];
	s0 =	simm.s32 @p2 $0x1  }
0x17: {  	s4 =	simm.s32 $0x1BF5;
	[smem:$0x3FB6] =	sst s0  }
0x18: {  	s0 =	sld [smem:$0x3F99];
	_ =	swait.ge [sflag:s4], $0x0  }
0x19: {  	s7 =	sld [smem:$0x3F9A]  }
0x1a: {  	s8 =	sadd.s32 $0xFFFFE003, lr  }
0x1b: {  	s9 =	sadd.s32 $0xFFFFFEF7, lr;
	s5 =	simm.s32 $0xFFFFFFFF;
	p2 =	slt.u32 s8, $0xFFFFF086  }
0x1c: {  	p1 =	slt.u32 s9, $0xF7A;
	s5 =	simm.s32 @!p2 $0x0  }
0x1d: {  	s5 =	simm.s32 @p1 $0x1;
	p0 =	seq.s32 s7, s2  }
0x1e: {  	s7 =	smul.u32 @!p0 $0xF7A, s2;
	p2 =	seq.s32 @!p0 s5, $0x0  }
0x1f: {  	s9 =	smul.u32 $0xF7A, s1;
	s8 =	simm.s32 @!p0 $0x1BF5;
	p2 =	por !p2, p0  }
0x20: {  	[sflag:s8] =	ssyncset.s32 @!p0 $0xFFFFF086;
	s6 =	sadd.s32 @!p0 s3, s7;
	s7 =	simm.s32 @!p0 $0x108  }
0x21: {  	s3 =	sadd.s32 s3, s9;
	s6 =	sadd.s32 @!p0 $0x88, s6;
	s7 =	simm.s32 @p2 $0x1082  }
0x22: {  	[simem:s7], [sflag:s8] =	dma.local @!p0 [hbm:s6], $0xF7A  }
0x23: {  	s9 =	sor.u32 $0xD0000000, s2;
	s6 =	simm.s32 $0x108;
	_ =	swait.ge @!p0 [sflag:s8], $0x0  }
0x24: {  	s3 =	sadd.s32 $0x88, s3;
	s6 =	simm.s32 @!p1 $0x1082;
	[sflag:s4] =	ssyncset.s32 $0xFFFFF086  }
0x25: {  	[simem:s6], [sflag:s4] =	dma.local [hbm:s3], $0xF7A  }
0x26: {  	[smem:$0x3F9A] =	sst s1;
	(tag) =	ssettag s2;
	_ =	strace s9  }
0x27: {  	s1 =	sld [smem:$0x3FAA]  }
0x28: {  	s2 =	sld [smem:$0x3FAB]  }
0x29: {  	s4 =	sld [smem:$0x3FAD]  }
0x2a: {  	p0 =	seq.s32 s5, $0x0;
	s5 =	sld [smem:$0x3FAE]  }
0x2b: {  	s6 =	sld [smem:$0x3FAF]  }
0x2c: {  	s7 =	sld [smem:$0x3FB0]  }
0x2d: {  	s3 =	simm.s32 $0x108;
	s8 =	sld [smem:$0x3FB1]  }
0x2e: {  	s3 =	simm.s32 @!p0 $0x1082;
	s9 =	sld [smem:$0x3FB2]  }
0x2f: {  	lr =	sadd.s32 s0, s3;
	s0 =	sld [smem:$0x3FA9]  }
0x30: {  	s3 =	sld [smem:$0x3FAC]  }
0x31: {  	[smem:$0x3FB5] =	sst s10  }
0x32: {  	s10 =	sld [smem:$0x3FB3];
	_ =	sdelay $0x3  }
0x33: {  	p0 =	seq.s32 s10, $0x1;
	s10 =	sld [smem:$0x3FB5];
	_ =	sdelay $0x3  }
0x34: {  	[smem:$0x3FB5] =	sst s10  }
0x35: {  	s10 =	sld [smem:$0x3FB4];
	_ =	sdelay $0x3  }
0x36: {  	p1 =	seq.s32 s10, $0x1;
	s10 =	sld [smem:$0x3FB5];
	_ =	sdelay $0x3  }
0x37: {  	[smem:$0x3FB5] =	sst s10  }
0x38: {  	s10 =	sld [smem:$0x3FB6]  }
0x39: {  	_ = 	snop;
	(pc) =	sbr.ind lr, $3  }
0x3a: {  	_ = 	snop  }
0x3b: {  	_ = 	snop  }
0x3c: {  	p2 =	seq.s32 s10, $0x1;
	s10 =	sld [smem:$0x3FB5]  }
0x3d: {  	_ =	shalt  }
0x3e: {  	_ =	shalt  }
0x3f: {  	_ =	shalt  }
0x40: {  	_ =	shalt  }
0x41: {  	_ =	shalt  }
0x42: {  	_ =	shalt  }
0x43: {  	_ =	shalt  }
0x44: {  	_ =	shalt  }
0x45: {  	_ =	shalt  }
0x46: {  	_ =	shalt  }
0x47: {  	_ =	shalt  }
0x48: {  	_ =	shalt  }
0x49: {  	_ =	shalt  }
0x4a: {  	_ =	shalt  }
0x4b: {  	_ =	shalt  }
0x4c: {  	_ =	shalt  }
0x4d: {  	_ =	shalt  }
0x4e: {  	_ =	shalt  }
0x4f: {  	_ =	shalt  }
0x50: {  	_ =	shalt  }
0x51: {  	_ =	shalt  }
0x52: {  	_ =	shalt  }
0x53: {  	_ =	shalt  }
0x54: {  	_ =	shalt  }
0x55: {  	_ =	shalt  }
0x56: {  	_ =	shalt  }
0x57: {  	_ =	shalt  }
0x58: {  	_ =	shalt  }
0x59: {  	_ =	shalt  }
0x5a: {  	_ =	shalt  }
0x5b: {  	_ =	shalt  }
0x5c: {  	_ =	shalt  }
0x5d: {  	_ =	shalt  }
0x5e: {  	_ =	shalt  }
0x5f: {  	_ =	shalt  }
0x60: {  	_ =	shalt  }
0x61: {  	_ =	shalt  }
0x62: {  	_ =	shalt  }
0x63: {  	_ =	shalt  }
0x64: {  	_ =	shalt  }
0x65: {  	_ =	shalt  }
0x66: {  	_ =	shalt  }
0x67: {  	_ =	shalt  }
0x68: {  	_ =	shalt  }
0x69: {  	_ =	shalt  }
0x6a: {  	_ =	shalt  }
0x6b: {  	_ =	shalt  }
0x6c: {  	_ =	shalt  }
0x6d: {  	_ =	shalt  }
0x6e: {  	_ =	shalt  }
0x6f: {  	_ =	shalt  }
0x70: {  	_ =	shalt  }
0x71: {  	_ =	shalt  }
0x72: {  	_ =	shalt  }
0x73: {  	_ =	shalt  }
0x74: {  	_ =	shalt  }
0x75: {  	_ =	shalt  }
0x76: {  	_ =	shalt  }
0x77: {  	_ =	shalt  }
0x78: {  	_ =	shalt  }
0x79: {  	_ =	shalt  }
0x7a: {  	_ =	shalt  }
0x7b: {  	_ =	shalt  }
0x7c: {  	_ =	shalt  }
0x7d: {  	_ =	shalt  }
0x7e: {  	_ =	shalt  }
0x7f: {  	_ =	shalt  }
0x80: {  	_ =	shalt  }
0x81: {  	_ =	shalt  }
0x82: {  	_ =	shalt  }
0x83: {  	_ =	shalt  }
0x84: {  	_ =	shalt  }
0x85: {  	_ =	shalt  }
0x86: {  	_ =	shalt  }
0x87: {  	_ =	shalt  }
.Lfunc_end0:
.L_simem_size_0:
called_computation_lowered:
.L_overlay_start_0:
0x88: {  	s2 =	sld [smem:$0x3FD9]  }
0x89: {  	s3 =	sld [smem:$0x3FFE];
	_ =	sdelay $0x1  }
0x8a: {  	s1 =	srdreg.scid  }
0x8b: {  	s0 =	sand.u32 $0x1, s1  }
0x8c: {  	s17 =	sshll.u32 s0, $0xA;
	s2 =	sadd.s32 s3, s2  }
0x8d: {  	s2 =	sadd.s32 s2, s17  }
0x8e: {  	[smem:$0x3FC1] =	sst s2  }
0x8f: {  	_ = 	snop  }
0x90: {  	s2 =	sld [smem:$0x3FD0];
	(tm) =	ssettm $0x1  }
0x91: {  	s18 =	sld [smem:$0x3FFB];
	_ =	sdelay $0x3  }
0x92: {  	_ =	strace s18  }
0x93: {  	s3 =	sld [smem:$0x3FFC];
	_ =	sdelay $0x3  }
0x94: {  	_ =	strace s3  }
0x95: {  	s3 =	sld [smem:$0x3FFD];
	_ =	sdelay $0x3  }
0x96: {  	_ =	strace s3  }
0x97: {  	_ =	strace $0x8FFFFFFF  }
0x98: {  	s19 =	sld [smem:$0x3FDB];
	_ =	sdelay $0x1  }
0x99: {  	s4 =	simm.s32 $_scs_section_size  }
0x9a: {  	s5 =	simm.s32 $_size__tile_overlayer_lowered;
	s6 =	simm.s32 $_tile_overlayer_lowered  }
0x9b: {  	s22 =	simm.s32 $0x1BFF;
	s21 =	sshll.u32 s6, $0x1;
	s3 =	sadd.s32 s4, s19  }
0x9c: {  	s7 =	simm.s32 $0x0;
	s20 =	sshll.u32 s5, $0x1;
	s5 =	sadd.s32 s21, s3  }
0x9d: {  	[timem:s7], [sflag:s22] =	dma.local [hbm:s5], s20  }
0x9e: {  	_ =	swait.ge [sflag:s22], s20  }
0x9f: {  	s4 =	ssub.s32 $0x0, s20;
	[sflag:s22] =	ssyncset.done $0x0  }
0xa0: {  	[sflag:s22] =	ssyncadd.s32 s4;
	_ =	sdelay $0x1  }
0xa1: {  	s23 =	simm.s32 $0x1B8B  }
0xa2: {  	_ =	swait.ge [sflag:s23], $0x1  }
0xa3: {  	[sflag:s23] =	ssyncset.done $0x0  }
0xa4: {  	s25 =	simm.s32 $0x1B8E;
	s24 =	sld [smem:$0x3FFE];
	[sflag:s23] =	ssyncadd.s32 $0xFFFFFFFF  }
0xa5: {  	s26 =	simm.s32 $execute0_lowered;
	[smem:$0x3FD2] =	sst s25  }
0xa6: {  	s5 =	sshll.u32 s26, $0x1;
	_ =	strace $0x80000046;
	[dreg:$0x1] =	wrdreg $0xFFFFFFFF  }
0xa7: {  	s28 =	simm.s32 $_size_execute0_lowered;
	s3 =	sadd.s32 s3, s5;
	[dreg:$0x0] =	wrdreg $0x0  }
0xa8: {  	s5 =	sshll.u32 s28, $0x1;
	[dreg:$0x2] =	wrdreg s3  }
0xa9: {  	[dreg:$0x3] =	wrdreg s5  }
0xaa: {  	[dreg:$0x4] =	wrdreg $0xC0  }
0xab: {  	_ =	task [dreg:s7], $0x5FFFF  }
0xac: {  	[dreg:$0x1] =	wrdreg $0xFFFFFFFF  }
0xad: {  	[dreg:$0x0] =	wrdreg $0x60  }
0xae: {  	[dreg:$0x2] =	wrdreg s24  }
0xaf: {  	[dreg:$0x3] =	wrdreg s2  }
0xb0: {  	[dreg:$0x4] =	wrdreg $0x9  }
0xb1: {  	_ =	task.clear_ibuf [dreg:s7], $0x5FFFF;
	_ =	strace $0x90000046  }
0xb2: {  	s29 =	simm.s32 $0x9;
	_ =	strace $0x80000048  }
0xb3: {  	_ =	swait.ge [sflag:s29], $0x1  }
0xb4: {  	[sflag:s29] =	ssyncadd.s32 $0xFFFFFFFF  }
0xb5: {  	_ =	strace $0x90000048  }
0xb6: {  	_ =	sfence  }
0xb7: {  	s30 =	sld [smem:$0x0];
	_ =	sdelay $0x2  }
0xb8: {  	s31 =	sshll.u32 s1, $0xD;
	s1 =	sshrl.u32 s1, $0x2  }
0xb9: {  	s3 =	sand.u32 $0x4000, s31;
	s1 =	sadd.s32 s1, s30  }
0xba: {  	s0 =	sor.u32 s3, s0;
	s1 =	sshll.u32 s1, $0x11  }
0xbb: {  	s0 =	sor.u32 s1, s0  }
0xbc: {  	s0 =	sadd.s32 $0x8F2B, s0  }
0xbd: {  	[sflag:s0] =	ssyncadd.remote.s32 $0x1  }
0xbe: {  	_ =	sfence.sel $0xFFFF  }
0xbf: {  	[dreg:$0x0] =	wrdreg $0xFFFFFFFF;
	(pc) =	sbr.abs _section_cstart, $3  }
0xc0: {  	[dreg:$0x1] =	wrdreg $0xFFFFFFFF  }
0xc1: {  	_ =	task.clear_ibuf [dreg:s7], $0x2FFFF;
	_ =	strace $0x9FFFFFFF  }
0xc2: {  	(tm) =	ssettm $0x7FFFFFFF  }
0xc3: {  	_ =	shalt  }
tec
execute0_lowered:
.L_overlay_start_1:
0x0: {  	(tag) =	ssettag $0x1  }
0x1: {  	s3 =	rddreg [dreg:$0x0]  }
0x2: {  	s6 =	rddreg [dreg:$0x1]  }
0x3: {  	s2 =	srdreg.scid;
	s0 =	stileid.u32  }
0x4: {  	s10 =	simm.s32 $0x3;
	s11 =	simm.s32 $0x0;
	s4 =	sand.u32 $0x1, s2  }
0x5: {  	s2 =	simm.s32 $0x0;
	s5 =	sshll.u32 s0, $0x7;
	s9 =	sshll.u32 s0, $0x11  }
0x6: {  	s7 =	sshll.u32 s4, $0x6;
	[smem:$0x7FF] =	sst s2;
	s29 =	ssub.s32 $0x2, s4  }
0x7: {  	s4 =	sshll.u32 s4, $0x10;
	s5 =	sor.u32 s7, s5;
	_ =	strace $0x80000047  }
0x8: {  	s8 =	sshrl.u32 s29, $0x1;
	s30 =	sor.u32 s4, s9;
	s9 =	simm.s32 $0x2  }
0x9: {  	s5 =	sadd.s32 s5, s3;
	s3 =	sadd.s32 $0x2000, s3;
	s7 =	ssub.s32 s29, s8  }
0xa: {  	s31 =	sshrl.u32 s30, $0x3;
	s8 =	simm.s32 $0x1;
	s4 =	sadd.s32 $0x1800, s5  }
0xb: {  	s5 =	smax.u32 s7, $0x1;
	s6 =	sadd.s32 s31, s6;
	s7 =	simm.s32 $0x200  }
.LBB2_1:
0xc: {  	[tilespmem:s2], [sflag:$0x1] =	stream.linear.gather [hbm4b:s4+s2], $0x200, $0x38;
	[tilespmem:$0x10A00] =	vst v63  }
0xd: {  	_ = 	snop  }
0xe: {  	[tilespmem:s7], [sflag:$0x2] =	stream.linear.gather [hbm4b:s3+s2], $0x800, $0x38;
	[tilespmem:$0x10A00] =	vst v63  }
0xf: {  	_ =	swait.ge [sflag:s8], $0x200  }
0x10: {  	[sflag:s8] =	ssyncset.done $0x0  }
0x11: {  	[sflag:s8] =	ssyncadd.s32 $0xFFFFFE00  }
0x12: {  	_ =	swait.ge [sflag:s9], $0x800  }
0x13: {  	[sflag:s9] =	ssyncset.done $0x0  }
0x14: {  	s12 =	simm.s32 $0x0;
	[sflag:s9] =	ssyncadd.s32 $0xFFFFF800  }
0x15: {  	v5 =	vld [tilespmem:s12+$0x0];
	_ =	sdelay $0x4  }
0x16: {  	(v2sf) =	vpush v5, $0x0;
	_ =	sdelay $0xe  }
0x17: {  	s15 =	spop (v2sf)  }
0x18: {  	s13 =	sand.u32 $0xFFFFFF80, s15  }
0x19: {  	v0 =	vld [tilespmem:s13+$0x200];
	_ =	sdelay $0x3  }
0x1a: {  	s18 =	simm.s32 $0xA00  }
0x1b: {  	[tilespmem:s18+$0x0] =	vst v0  }
0x1c: {  	v0 =	vld [tilespmem:s15+$0x210];
	_ =	sdelay $0x4  }
0x1d: {  	[tilespmem:s18+$0x10] =	vst v0  }
0x1e: {  	v0 =	vld [tilespmem:s15+$0x220];
	_ =	sdelay $0x4  }
0x1f: {  	[tilespmem:s18+$0x20] =	vst v0  }
0x20: {  	v0 =	vld [tilespmem:s15+$0x230];
	_ =	sdelay $0x4  }
0x21: {  	[tilespmem:s18+$0x30] =	vst v0  }
0x22: {  	v0 =	vld [tilespmem:s15+$0x240];
	_ =	sdelay $0x4  }
0x23: {  	[tilespmem:s18+$0x40] =	vst v0  }
0x24: {  	v0 =	vld [tilespmem:s15+$0x250]  }
0x25: {  	(v2sf) =	vpush v5, $0x1;
	_ =	sdelay $0x3  }
0x26: {  	[tilespmem:s18+$0x50] =	vst v0  }
0x27: {  	v0 =	vld [tilespmem:s15+$0x260];
	_ =	sdelay $0x4  }
0x28: {  	[tilespmem:s18+$0x60] =	vst v0  }
0x29: {  	v0 =	vld [tilespmem:s15+$0x270];
	_ =	sdelay $0x3  }
0x2a: {  	s16 =	spop (v2sf)  }
0x2b: {  	s17 =	sand.u32 $0xFFFFFF80, s16;
	[tilespmem:s18+$0x70] =	vst v0  }
0x2c: {  	v0 =	vld [tilespmem:s17+$0x200];
	_ =	sdelay $0x4  }
0x2d: {  	[tilespmem:s18+$0x80] =	vst v0  }
0x2e: {  	v0 =	vld [tilespmem:s16+$0x210];
	_ =	sdelay $0x4  }
0x2f: {  	[tilespmem:s18+$0x90] =	vst v0  }
0x30: {  	v0 =	vld [tilespmem:s16+$0x220];
	_ =	sdelay $0x4  }
0x31: {  	[tilespmem:s18+$0xA0] =	vst v0  }
0x32: {  	v0 =	vld [tilespmem:s16+$0x230];
	_ =	sdelay $0x4  }
0x33: {  	[tilespmem:s18+$0xB0] =	vst v0  }
0x34: {  	v0 =	vld [tilespmem:s16+$0x240];
	_ =	sdelay $0x4  }
0x35: {  	[tilespmem:s18+$0xC0] =	vst v0  }
0x36: {  	v0 =	vld [tilespmem:s16+$0x250]  }
0x37: {  	(v2sf) =	vpush v5, $0x2;
	_ =	sdelay $0x3  }
0x38: {  	[tilespmem:s18+$0xD0] =	vst v0  }
0x39: {  	v0 =	vld [tilespmem:s16+$0x260];
	_ =	sdelay $0x4  }
0x3a: {  	[tilespmem:s18+$0xE0] =	vst v0  }
0x3b: {  	v0 =	vld [tilespmem:s16+$0x270];
	_ =	sdelay $0x3  }
0x3c: {  	s19 =	spop (v2sf)  }
0x3d: {  	s20 =	sand.u32 $0xFFFFFF80, s19;
	[tilespmem:s18+$0xF0] =	vst v0  }
0x3e: {  	v0 =	vld [tilespmem:s20+$0x200];
	_ =	sdelay $0x3  }
0x3f: {  	s21 =	simm.s32 $0x10  }
0x40: {  	v6 =	vld [tilespmem:s21+$0x0];
	[tilespmem:s18+$0x100] =	vst v0  }
0x41: {  	v0 =	vld [tilespmem:s19+$0x210];
	_ =	sdelay $0x3  }
0x42: {  	(v2sf) =	vpush v6, $0x0  }
0x43: {  	[tilespmem:s18+$0x110] =	vst v0  }
0x44: {  	v0 =	vld [tilespmem:s19+$0x220];
	_ =	sdelay $0x4  }
0x45: {  	[tilespmem:s18+$0x120] =	vst v0  }
0x46: {  	v0 =	vld [tilespmem:s19+$0x230];
	_ =	sdelay $0x4  }
0x47: {  	[tilespmem:s18+$0x130] =	vst v0  }
0x48: {  	v0 =	vld [tilespmem:s19+$0x240]  }
0x49: {  	s22 =	spop (v2sf)  }
0x4a: {  	s14 =	sand.u32 $0xFFFFFF80, s22  }
0x4b: {  	v1 =	vld [tilespmem:s14+$0x200];
	_ =	sdelay $0x1  }
0x4c: {  	[tilespmem:s18+$0x140] =	vst v0  }
0x4d: {  	v0 =	vld [tilespmem:s19+$0x250]  }
0x4e: {  	(v2sf) =	vpush v5, $0x3;
	s17 =	simm.s32 $0x1200  }
0x4f: {  	[tilespmem:s17+$0x0] =	vst v1  }
0x50: {  	v1 =	vld [tilespmem:s22+$0x210];
	_ =	sdelay $0x1  }
0x51: {  	[tilespmem:s18+$0x150] =	vst v0  }
0x52: {  	v0 =	vld [tilespmem:s19+$0x260];
	_ =	sdelay $0x1  }
0x53: {  	[tilespmem:s17+$0x10] =	vst v1  }
0x54: {  	v1 =	vld [tilespmem:s22+$0x220];
	_ =	sdelay $0x1  }
0x55: {  	[tilespmem:s18+$0x160] =	vst v0  }
0x56: {  	v0 =	vld [tilespmem:s19+$0x270];
	_ =	sdelay $0x1  }
0x57: {  	[tilespmem:s17+$0x20] =	vst v1  }
0x58: {  	v1 =	vld [tilespmem:s22+$0x230]  }
0x59: {  	s23 =	spop (v2sf)  }
0x5a: {  	s24 =	sand.u32 $0xFFFFFF80, s23;
	[tilespmem:s18+$0x170] =	vst v0  }
0x5b: {  	v0 =	vld [tilespmem:s24+$0x200];
	_ =	sdelay $0x1  }
0x5c: {  	[tilespmem:s17+$0x30] =	vst v1  }
0x5d: {  	v1 =	vld [tilespmem:s22+$0x240];
	_ =	sdelay $0x1  }
0x5e: {  	[tilespmem:s18+$0x180] =	vst v0  }
0x5f: {  	v0 =	vld [tilespmem:s23+$0x210];
	_ =	sdelay $0x1  }
0x60: {  	[tilespmem:s17+$0x40] =	vst v1  }
0x61: {  	v1 =	vld [tilespmem:s22+$0x250]  }
0x62: {  	(v2sf) =	vpush v6, $0x1  }
0x63: {  	[tilespmem:s18+$0x190] =	vst v0  }
0x64: {  	v0 =	vld [tilespmem:s23+$0x220];
	_ =	sdelay $0x1  }
0x65: {  	[tilespmem:s17+$0x50] =	vst v1  }
0x66: {  	v1 =	vld [tilespmem:s22+$0x260];
	_ =	sdelay $0x1  }
0x67: {  	[tilespmem:s18+$0x1A0] =	vst v0  }
0x68: {  	v0 =	vld [tilespmem:s23+$0x230];
	_ =	sdelay $0x1  }
0x69: {  	[tilespmem:s17+$0x60] =	vst v1  }
0x6a: {  	v1 =	vld [tilespmem:s22+$0x270];
	_ =	sdelay $0x1  }
0x6b: {  	[tilespmem:s18+$0x1B0] =	vst v0  }
0x6c: {  	v0 =	vld [tilespmem:s23+$0x240]  }
0x6d: {  	s25 =	spop (v2sf)  }
0x6e: {  	s26 =	sand.u32 $0xFFFFFF80, s25;
	[tilespmem:s17+$0x70] =	vst v1  }
0x6f: {  	v1 =	vld [tilespmem:s26+$0x200];
	_ =	sdelay $0x1  }
0x70: {  	[tilespmem:s18+$0x1C0] =	vst v0  }
0x71: {  	v0 =	vld [tilespmem:s23+$0x250]  }
0x72: {  	(v2sf) =	vpush v5, $0x4  }
0x73: {  	[tilespmem:s17+$0x80] =	vst v1  }
0x74: {  	v1 =	vld [tilespmem:s25+$0x210];
	_ =	sdelay $0x1  }
0x75: {  	[tilespmem:s18+$0x1D0] =	vst v0  }
0x76: {  	v0 =	vld [tilespmem:s23+$0x260];
	_ =	sdelay $0x1  }
0x77: {  	[tilespmem:s17+$0x90] =	vst v1  }
0x78: {  	v1 =	vld [tilespmem:s25+$0x220];
	_ =	sdelay $0x1  }
0x79: {  	[tilespmem:s18+$0x1E0] =	vst v0  }
0x7a: {  	v0 =	vld [tilespmem:s23+$0x270];
	_ =	sdelay $0x1  }
0x7b: {  	[tilespmem:s17+$0xA0] =	vst v1  }
0x7c: {  	v1 =	vld [tilespmem:s25+$0x230]  }
0x7d: {  	s28 =	spop (v2sf)  }
0x7e: {  	s29 =	sand.u32 $0xFFFFFF80, s28;
	[tilespmem:s18+$0x1F0] =	vst v0  }
0x7f: {  	v0 =	vld [tilespmem:s29+$0x200];
	_ =	sdelay $0x1  }
0x80: {  	[tilespmem:s17+$0xB0] =	vst v1  }
0x81: {  	v1 =	vld [tilespmem:s25+$0x240];
	_ =	sdelay $0x1  }
0x82: {  	[tilespmem:s18+$0x200] =	vst v0  }
0x83: {  	v0 =	vld [tilespmem:s28+$0x210];
	_ =	sdelay $0x1  }
0x84: {  	[tilespmem:s17+$0xC0] =	vst v1  }
0x85: {  	v1 =	vld [tilespmem:s25+$0x250]  }
0x86: {  	(v2sf) =	vpush v6, $0x2  }
0x87: {  	[tilespmem:s18+$0x210] =	vst v0  }
0x88: {  	v0 =	vld [tilespmem:s28+$0x220];
	_ =	sdelay $0x1  }
0x89: {  	[tilespmem:s17+$0xD0] =	vst v1  }
0x8a: {  	v1 =	vld [tilespmem:s25+$0x260];
	_ =	sdelay $0x1  }
0x8b: {  	[tilespmem:s18+$0x220] =	vst v0  }
0x8c: {  	v0 =	vld [tilespmem:s28+$0x230];
	_ =	sdelay $0x1  }
0x8d: {  	[tilespmem:s17+$0xE0] =	vst v1  }
0x8e: {  	v1 =	vld [tilespmem:s25+$0x270];
	_ =	sdelay $0x1  }
0x8f: {  	[tilespmem:s18+$0x230] =	vst v0  }
0x90: {  	v0 =	vld [tilespmem:s28+$0x240]  }
0x91: {  	s30 =	spop (v2sf)  }
0x92: {  	s31 =	sand.u32 $0xFFFFFF80, s30;
	[tilespmem:s17+$0xF0] =	vst v1  }
0x93: {  	v1 =	vld [tilespmem:s31+$0x200];
	_ =	sdelay $0x1  }
0x94: {  	[tilespmem:s18+$0x240] =	vst v0  }
0x95: {  	v0 =	vld [tilespmem:s28+$0x250]  }
0x96: {  	(v2sf) =	vpush v5, $0x5  }
0x97: {  	[tilespmem:s17+$0x100] =	vst v1  }
0x98: {  	v1 =	vld [tilespmem:s30+$0x210];
	_ =	sdelay $0x1  }
0x99: {  	[tilespmem:s18+$0x250] =	vst v0  }
0x9a: {  	v0 =	vld [tilespmem:s28+$0x260]  }
0x9b: {  	s0 =	simm.s32 $0x20  }
0x9c: {  	v3 =	vld [tilespmem:s0+$0x0];
	[tilespmem:s17+$0x110] =	vst v1  }
0x9d: {  	v1 =	vld [tilespmem:s30+$0x220];
	_ =	sdelay $0x1  }
0x9e: {  	[tilespmem:s18+$0x260] =	vst v0  }
0x9f: {  	v0 =	vld [tilespmem:s28+$0x270];
	_ =	sdelay $0x1  }
0xa0: {  	(v2sf) =	vpush v3, $0x0;
	[tilespmem:s17+$0x120] =	vst v1  }
0xa1: {  	v1 =	vld [tilespmem:s30+$0x230]  }
0xa2: {  	s1 =	spop (v2sf)  }
0xa3: {  	s16 =	sand.u32 $0xFFFFFF80, s1;
	[tilespmem:s18+$0x270] =	vst v0  }
0xa4: {  	v0 =	vld [tilespmem:s16+$0x200];
	_ =	sdelay $0x1  }
0xa5: {  	[tilespmem:s17+$0x130] =	vst v1  }
0xa6: {  	v1 =	vld [tilespmem:s30+$0x240];
	_ =	sdelay $0x1  }
0xa7: {  	[tilespmem:s18+$0x280] =	vst v0  }
0xa8: {  	v0 =	vld [tilespmem:s1+$0x210];
	_ =	sdelay $0x1  }
0xa9: {  	[tilespmem:s17+$0x140] =	vst v1  }
0xaa: {  	v1 =	vld [tilespmem:s30+$0x250]  }
0xab: {  	(v2sf) =	vpush v6, $0x3  }
0xac: {  	s15 =	spop (v2sf);
	[tilespmem:s18+$0x290] =	vst v0  }
0xad: {  	s19 =	sand.u32 $0xFFFFFF80, s15;
	v0 =	vld [tilespmem:s1+$0x220]  }
0xae: {  	v2 =	vld [tilespmem:s19+$0x200]  }
0xaf: {  	[tilespmem:s17+$0x150] =	vst v1  }
0xb0: {  	v1 =	vld [tilespmem:s30+$0x260];
	_ =	sdelay $0x1  }
0xb1: {  	s14 =	simm.s32 $0x1A00;
	[tilespmem:s18+$0x2A0] =	vst v0  }
0xb2: {  	[tilespmem:s14+$0x0] =	vst v2;
	v0 =	vld [tilespmem:s1+$0x230]  }
0xb3: {  	v2 =	vld [tilespmem:s15+$0x210]  }
0xb4: {  	[tilespmem:s17+$0x160] =	vst v1  }
0xb5: {  	v1 =	vld [tilespmem:s30+$0x270];
	_ =	sdelay $0x1  }
0xb6: {  	[tilespmem:s18+$0x2B0] =	vst v0  }
0xb7: {  	[tilespmem:s14+$0x10] =	vst v2;
	v0 =	vld [tilespmem:s1+$0x240]  }
0xb8: {  	s20 =	spop (v2sf);
	v2 =	vld [tilespmem:s15+$0x220]  }
0xb9: {  	[tilespmem:s17+$0x170] =	vst v1;
	s16 =	sand.u32 $0xFFFFFF80, s20  }
0xba: {  	v1 =	vld [tilespmem:s16+$0x200];
	_ =	sdelay $0x1  }
0xbb: {  	[tilespmem:s18+$0x2C0] =	vst v0  }
0xbc: {  	[tilespmem:s14+$0x20] =	vst v2;
	v0 =	vld [tilespmem:s1+$0x250]  }
0xbd: {  	(v2sf) =	vpush v5, $0x6;
	v2 =	vld [tilespmem:s15+$0x230]  }
0xbe: {  	[tilespmem:s17+$0x180] =	vst v1  }
0xbf: {  	v1 =	vld [tilespmem:s20+$0x210];
	_ =	sdelay $0x1  }
0xc0: {  	[tilespmem:s18+$0x2D0] =	vst v0  }
0xc1: {  	[tilespmem:s14+$0x30] =	vst v2;
	v0 =	vld [tilespmem:s1+$0x260]  }
0xc2: {  	v2 =	vld [tilespmem:s15+$0x240]  }
0xc3: {  	[tilespmem:s17+$0x190] =	vst v1  }
0xc4: {  	v1 =	vld [tilespmem:s20+$0x220];
	_ =	sdelay $0x1  }
0xc5: {  	[tilespmem:s18+$0x2E0] =	vst v0  }
0xc6: {  	[tilespmem:s14+$0x40] =	vst v2;
	v0 =	vld [tilespmem:s1+$0x270]  }
0xc7: {  	v2 =	vld [tilespmem:s15+$0x250]  }
0xc8: {  	(v2sf) =	vpush v3, $0x1;
	[tilespmem:s17+$0x1A0] =	vst v1  }
0xc9: {  	v1 =	vld [tilespmem:s20+$0x230]  }
0xca: {  	s21 =	spop (v2sf)  }
0xcb: {  	s22 =	sand.u32 $0xFFFFFF80, s21;
	[tilespmem:s18+$0x2F0] =	vst v0  }
0xcc: {  	[tilespmem:s14+$0x50] =	vst v2;
	v0 =	vld [tilespmem:s22+$0x200]  }
0xcd: {  	v2 =	vld [tilespmem:s15+$0x260]  }
0xce: {  	[tilespmem:s17+$0x1B0] =	vst v1  }
0xcf: {  	v1 =	vld [tilespmem:s20+$0x240];
	_ =	sdelay $0x1  }
0xd0: {  	[tilespmem:s18+$0x300] =	vst v0  }
0xd1: {  	[tilespmem:s14+$0x60] =	vst v2;
	v0 =	vld [tilespmem:s21+$0x210]  }
0xd2: {  	v2 =	vld [tilespmem:s15+$0x270]  }
0xd3: {  	[tilespmem:s17+$0x1C0] =	vst v1  }
0xd4: {  	v1 =	vld [tilespmem:s20+$0x250]  }
0xd5: {  	(v2sf) =	vpush v6, $0x4  }
0xd6: {  	s23 =	spop (v2sf);
	[tilespmem:s18+$0x310] =	vst v0  }
0xd7: {  	[tilespmem:s14+$0x70] =	vst v2;
	s24 =	sand.u32 $0xFFFFFF80, s23;
	v0 =	vld [tilespmem:s21+$0x220]  }
0xd8: {  	v2 =	vld [tilespmem:s24+$0x200]  }
0xd9: {  	[tilespmem:s17+$0x1D0] =	vst v1  }
0xda: {  	v1 =	vld [tilespmem:s20+$0x260];
	_ =	sdelay $0x1  }
0xdb: {  	[tilespmem:s18+$0x320] =	vst v0  }
0xdc: {  	[tilespmem:s14+$0x80] =	vst v2;
	v0 =	vld [tilespmem:s21+$0x230]  }
0xdd: {  	v2 =	vld [tilespmem:s23+$0x210]  }
0xde: {  	[tilespmem:s17+$0x1E0] =	vst v1  }
0xdf: {  	v1 =	vld [tilespmem:s20+$0x270];
	_ =	sdelay $0x1  }
0xe0: {  	[tilespmem:s18+$0x330] =	vst v0  }
0xe1: {  	[tilespmem:s14+$0x90] =	vst v2;
	v0 =	vld [tilespmem:s21+$0x240]  }
0xe2: {  	s25 =	spop (v2sf);
	v2 =	vld [tilespmem:s23+$0x220]  }
0xe3: {  	s26 =	sand.u32 $0xFFFFFF80, s25;
	[tilespmem:s17+$0x1F0] =	vst v1  }
0xe4: {  	v1 =	vld [tilespmem:s26+$0x200];
	_ =	sdelay $0x1  }
0xe5: {  	[tilespmem:s18+$0x340] =	vst v0  }
0xe6: {  	[tilespmem:s14+$0xA0] =	vst v2;
	v0 =	vld [tilespmem:s21+$0x250]  }
0xe7: {  	(v2sf) =	vpush v5, $0x7;
	v2 =	vld [tilespmem:s23+$0x230]  }
0xe8: {  	[tilespmem:s17+$0x200] =	vst v1  }
0xe9: {  	v1 =	vld [tilespmem:s25+$0x210];
	_ =	sdelay $0x1  }
0xea: {  	[tilespmem:s18+$0x350] =	vst v0  }
0xeb: {  	[tilespmem:s14+$0xB0] =	vst v2;
	v0 =	vld [tilespmem:s21+$0x260]  }
0xec: {  	v2 =	vld [tilespmem:s23+$0x240]  }
0xed: {  	[tilespmem:s17+$0x210] =	vst v1  }
0xee: {  	v1 =	vld [tilespmem:s25+$0x220];
	_ =	sdelay $0x1  }
0xef: {  	[tilespmem:s18+$0x360] =	vst v0  }
0xf0: {  	[tilespmem:s14+$0xC0] =	vst v2;
	v0 =	vld [tilespmem:s21+$0x270]  }
0xf1: {  	v2 =	vld [tilespmem:s23+$0x250]  }
0xf2: {  	(v2sf) =	vpush v3, $0x2;
	[tilespmem:s17+$0x220] =	vst v1  }
0xf3: {  	v1 =	vld [tilespmem:s25+$0x230]  }
0xf4: {  	s28 =	spop (v2sf)  }
0xf5: {  	s29 =	sand.u32 $0xFFFFFF80, s28;
	[tilespmem:s18+$0x370] =	vst v0  }
0xf6: {  	[tilespmem:s14+$0xD0] =	vst v2;
	v0 =	vld [tilespmem:s29+$0x200]  }
0xf7: {  	v2 =	vld [tilespmem:s23+$0x260]  }
0xf8: {  	[tilespmem:s17+$0x230] =	vst v1  }
0xf9: {  	v1 =	vld [tilespmem:s25+$0x240];
	_ =	sdelay $0x1  }
0xfa: {  	[tilespmem:s18+$0x380] =	vst v0  }
0xfb: {  	[tilespmem:s14+$0xE0] =	vst v2;
	v0 =	vld [tilespmem:s28+$0x210]  }
0xfc: {  	v2 =	vld [tilespmem:s23+$0x270]  }
0xfd: {  	[tilespmem:s17+$0x240] =	vst v1  }
0xfe: {  	v1 =	vld [tilespmem:s25+$0x250]  }
0xff: {  	(v2sf) =	vpush v6, $0x5  }
0x100: {  	s30 =	spop (v2sf);
	[tilespmem:s18+$0x390] =	vst v0  }
0x101: {  	[tilespmem:s14+$0xF0] =	vst v2;
	s31 =	sand.u32 $0xFFFFFF80, s30;
	v0 =	vld [tilespmem:s28+$0x220]  }
0x102: {  	v2 =	vld [tilespmem:s31+$0x200]  }
0x103: {  	[tilespmem:s17+$0x250] =	vst v1  }
0x104: {  	v1 =	vld [tilespmem:s25+$0x260];
	_ =	sdelay $0x1  }
0x105: {  	[tilespmem:s18+$0x3A0] =	vst v0  }
0x106: {  	[tilespmem:s14+$0x100] =	vst v2;
	v0 =	vld [tilespmem:s28+$0x230]  }
0x107: {  	v2 =	vld [tilespmem:s30+$0x210]  }
0x108: {  	[tilespmem:s17+$0x260] =	vst v1  }
0x109: {  	v1 =	vld [tilespmem:s25+$0x270]  }
0x10a: {  	s0 =	simm.s32 $0x30  }
0x10b: {  	[tilespmem:s18+$0x3B0] =	vst v0;
	v0 =	vld [tilespmem:s0+$0x0]  }
0x10c: {  	[tilespmem:s14+$0x110] =	vst v2;
	v4 =	vld [tilespmem:s28+$0x240]  }
0x10d: {  	v2 =	vld [tilespmem:s30+$0x220];
	s1 =	spop (v2sf)  }
0x10e: {  	[tilespmem:s17+$0x270] =	vst v1;
	s21 =	sand.u32 $0xFFFFFF80, s1  }
0x10f: {  	v1 =	vld [tilespmem:s21+$0x200]  }
0x110: {  	(v2sf) =	vpush v5, $0x8  }
0x111: {  	(v2sf) =	vpush v0, $0x0;
	[tilespmem:s18+$0x3C0] =	vst v4  }
0x112: {  	v4 =	vld [tilespmem:s28+$0x250]  }
0x113: {  	[tilespmem:s14+$0x120] =	vst v2  }
0x114: {  	v2 =	vld [tilespmem:s30+$0x230];
	[tilespmem:s17+$0x280] =	vst v1  }
0x115: {  	v1 =	vld [tilespmem:s1+$0x210];
	_ =	sdelay $0x1  }
0x116: {  	[tilespmem:s18+$0x3D0] =	vst v4  }
0x117: {  	v4 =	vld [tilespmem:s28+$0x260]  }
0x118: {  	[tilespmem:s14+$0x130] =	vst v2  }
0x119: {  	v2 =	vld [tilespmem:s30+$0x240];
	[tilespmem:s17+$0x290] =	vst v1  }
0x11a: {  	v1 =	vld [tilespmem:s1+$0x220];
	_ =	sdelay $0x1  }
0x11b: {  	[tilespmem:s18+$0x3E0] =	vst v4  }
0x11c: {  	v4 =	vld [tilespmem:s28+$0x270]  }
0x11d: {  	s22 =	spop (v2sf);
	[tilespmem:s14+$0x140] =	vst v2  }
0x11e: {  	v2 =	vld [tilespmem:s30+$0x250];
	s19 =	spop (v2sf);
	[tilespmem:s17+$0x2A0] =	vst v1  }
0x11f: {  	(v2sf) =	vpush v3, $0x3;
	s24 =	sand.u32 $0xFFFFFF80, s19;
	v1 =	vld [tilespmem:s1+$0x230]  }
0x120: {  	v7 =	vld [tilespmem:s24+$0x200]  }
0x121: {  	s23 =	sand.u32 $0xFFFFFF80, s22;
	[tilespmem:s18+$0x3F0] =	vst v4  }
0x122: {  	v4 =	vld [tilespmem:s23+$0x200]  }
0x123: {  	[tilespmem:s14+$0x150] =	vst v2  }
0x124: {  	s12 =	simm.s32 $0x2200;
	v2 =	vld [tilespmem:s30+$0x260];
	[tilespmem:s17+$0x2B0] =	vst v1  }
0x125: {  	[tilespmem:s12+$0x0] =	vst v7;
	v1 =	vld [tilespmem:s1+$0x240]  }
0x126: {  	v7 =	vld [tilespmem:s19+$0x210]  }
0x127: {  	[tilespmem:s18+$0x400] =	vst v4  }
0x128: {  	v4 =	vld [tilespmem:s22+$0x210]  }
0x129: {  	[tilespmem:s14+$0x160] =	vst v2  }
0x12a: {  	v2 =	vld [tilespmem:s30+$0x270];
	[tilespmem:s17+$0x2C0] =	vst v1  }
0x12b: {  	[tilespmem:s12+$0x10] =	vst v7;
	v1 =	vld [tilespmem:s1+$0x250]  }
0x12c: {  	(v2sf) =	vpush v6, $0x6;
	v7 =	vld [tilespmem:s19+$0x220]  }
0x12d: {  	[tilespmem:s18+$0x410] =	vst v4  }
0x12e: {  	s25 =	spop (v2sf);
	v4 =	vld [tilespmem:s22+$0x220]  }
0x12f: {  	[tilespmem:s14+$0x170] =	vst v2;
	s20 =	sand.u32 $0xFFFFFF80, s25  }
0x130: {  	v2 =	vld [tilespmem:s20+$0x200];
	[tilespmem:s17+$0x2D0] =	vst v1  }
0x131: {  	[tilespmem:s12+$0x20] =	vst v7;
	v1 =	vld [tilespmem:s1+$0x260]  }
0x132: {  	v7 =	vld [tilespmem:s19+$0x230]  }
0x133: {  	[tilespmem:s18+$0x420] =	vst v4  }
0x134: {  	v4 =	vld [tilespmem:s22+$0x230]  }
0x135: {  	[tilespmem:s14+$0x180] =	vst v2  }
0x136: {  	v2 =	vld [tilespmem:s25+$0x210];
	[tilespmem:s17+$0x2E0] =	vst v1  }
0x137: {  	[tilespmem:s12+$0x30] =	vst v7;
	v1 =	vld [tilespmem:s1+$0x270]  }
0x138: {  	v7 =	vld [tilespmem:s19+$0x240]  }
0x139: {  	[tilespmem:s18+$0x430] =	vst v4  }
0x13a: {  	v4 =	vld [tilespmem:s22+$0x240]  }
0x13b: {  	s26 =	spop (v2sf);
	[tilespmem:s14+$0x190] =	vst v2  }
0x13c: {  	s28 =	sand.u32 $0xFFFFFF80, s26;
	v2 =	vld [tilespmem:s25+$0x220];
	[tilespmem:s17+$0x2F0] =	vst v1  }
0x13d: {  	[tilespmem:s12+$0x40] =	vst v7;
	v1 =	vld [tilespmem:s28+$0x200]  }
0x13e: {  	(v2sf) =	vpush v5, $0x9;
	v7 =	vld [tilespmem:s19+$0x250]  }
0x13f: {  	(v2sf) =	vpush v0, $0x1;
	[tilespmem:s18+$0x440] =	vst v4  }
0x140: {  	v4 =	vld [tilespmem:s22+$0x250]  }
0x141: {  	[tilespmem:s14+$0x1A0] =	vst v2  }
0x142: {  	v2 =	vld [tilespmem:s25+$0x230];
	[tilespmem:s17+$0x300] =	vst v1  }
0x143: {  	[tilespmem:s12+$0x50] =	vst v7;
	v1 =	vld [tilespmem:s26+$0x210]  }
0x144: {  	v7 =	vld [tilespmem:s19+$0x260]  }
0x145: {  	[tilespmem:s18+$0x450] =	vst v4  }
0x146: {  	v4 =	vld [tilespmem:s22+$0x260]  }
0x147: {  	[tilespmem:s14+$0x1B0] =	vst v2  }
0x148: {  	v2 =	vld [tilespmem:s25+$0x240];
	[tilespmem:s17+$0x310] =	vst v1  }
0x149: {  	[tilespmem:s12+$0x60] =	vst v7;
	v1 =	vld [tilespmem:s26+$0x220]  }
0x14a: {  	v7 =	vld [tilespmem:s19+$0x270]  }
0x14b: {  	[tilespmem:s18+$0x460] =	vst v4  }
0x14c: {  	v4 =	vld [tilespmem:s22+$0x270]  }
0x14d: {  	s29 =	spop (v2sf);
	[tilespmem:s14+$0x1C0] =	vst v2  }
0x14e: {  	s31 =	spop (v2sf);
	v2 =	vld [tilespmem:s25+$0x250];
	[tilespmem:s17+$0x320] =	vst v1  }
0x14f: {  	(v2sf) =	vpush v3, $0x4;
	s0 =	sand.u32 $0xFFFFFF80, s31;
	[tilespmem:s12+$0x70] =	vst v7;
	v1 =	vld [tilespmem:s26+$0x230]  }
0x150: {  	v7 =	vld [tilespmem:s0+$0x200]  }
0x151: {  	s30 =	sand.u32 $0xFFFFFF80, s29;
	[tilespmem:s18+$0x470] =	vst v4  }
0x152: {  	v4 =	vld [tilespmem:s30+$0x200]  }
0x153: {  	[tilespmem:s14+$0x1D0] =	vst v2  }
0x154: {  	v2 =	vld [tilespmem:s25+$0x260];
	[tilespmem:s17+$0x330] =	vst v1  }
0x155: {  	[tilespmem:s12+$0x80] =	vst v7;
	v1 =	vld [tilespmem:s26+$0x240]  }
0x156: {  	v7 =	vld [tilespmem:s31+$0x210]  }
0x157: {  	[tilespmem:s18+$0x480] =	vst v4  }
0x158: {  	v4 =	vld [tilespmem:s29+$0x210]  }
0x159: {  	[tilespmem:s14+$0x1E0] =	vst v2  }
0x15a: {  	v2 =	vld [tilespmem:s25+$0x270];
	[tilespmem:s17+$0x340] =	vst v1  }
0x15b: {  	[tilespmem:s12+$0x90] =	vst v7;
	v1 =	vld [tilespmem:s26+$0x250]  }
0x15c: {  	(v2sf) =	vpush v6, $0x7;
	v7 =	vld [tilespmem:s31+$0x220]  }
0x15d: {  	[tilespmem:s18+$0x490] =	vst v4  }
0x15e: {  	s1 =	spop (v2sf);
	v4 =	vld [tilespmem:s29+$0x220]  }
0x15f: {  	s21 =	sand.u32 $0xFFFFFF80, s1;
	[tilespmem:s14+$0x1F0] =	vst v2  }
0x160: {  	v2 =	vld [tilespmem:s21+$0x200];
	[tilespmem:s17+$0x350] =	vst v1  }
0x161: {  	[tilespmem:s12+$0xA0] =	vst v7;
	v1 =	vld [tilespmem:s26+$0x260]  }
0x162: {  	v7 =	vld [tilespmem:s31+$0x230]  }
0x163: {  	[tilespmem:s18+$0x4A0] =	vst v4  }
0x164: {  	v4 =	vld [tilespmem:s29+$0x230]  }
0x165: {  	[tilespmem:s14+$0x200] =	vst v2  }
0x166: {  	v2 =	vld [tilespmem:s1+$0x210];
	[tilespmem:s17+$0x360] =	vst v1  }
0x167: {  	[tilespmem:s12+$0xB0] =	vst v7;
	v1 =	vld [tilespmem:s26+$0x270]  }
0x168: {  	v7 =	vld [tilespmem:s31+$0x240]  }
0x169: {  	[tilespmem:s18+$0x4B0] =	vst v4  }
0x16a: {  	v4 =	vld [tilespmem:s29+$0x240]  }
0x16b: {  	s22 =	spop (v2sf);
	[tilespmem:s14+$0x210] =	vst v2  }
0x16c: {  	s23 =	sand.u32 $0xFFFFFF80, s22;
	v2 =	vld [tilespmem:s1+$0x220];
	[tilespmem:s17+$0x370] =	vst v1  }
0x16d: {  	[tilespmem:s12+$0xC0] =	vst v7;
	v1 =	vld [tilespmem:s23+$0x200]  }
0x16e: {  	(v2sf) =	vpush v5, $0xA;
	v7 =	vld [tilespmem:s31+$0x250]  }
0x16f: {  	(v2sf) =	vpush v0, $0x2;
	[tilespmem:s18+$0x4C0] =	vst v4  }
0x170: {  	v4 =	vld [tilespmem:s29+$0x250]  }
0x171: {  	[tilespmem:s14+$0x220] =	vst v2  }
0x172: {  	v2 =	vld [tilespmem:s1+$0x230];
	[tilespmem:s17+$0x380] =	vst v1  }
0x173: {  	[tilespmem:s12+$0xD0] =	vst v7;
	v1 =	vld [tilespmem:s22+$0x210]  }
0x174: {  	v7 =	vld [tilespmem:s31+$0x260]  }
0x175: {  	[tilespmem:s18+$0x4D0] =	vst v4  }
0x176: {  	v4 =	vld [tilespmem:s29+$0x260]  }
0x177: {  	[tilespmem:s14+$0x230] =	vst v2  }
0x178: {  	v2 =	vld [tilespmem:s1+$0x240];
	[tilespmem:s17+$0x390] =	vst v1  }
0x179: {  	[tilespmem:s12+$0xE0] =	vst v7;
	v1 =	vld [tilespmem:s22+$0x220]  }
0x17a: {  	v7 =	vld [tilespmem:s31+$0x270]  }
0x17b: {  	[tilespmem:s18+$0x4E0] =	vst v4  }
0x17c: {  	v4 =	vld [tilespmem:s29+$0x270]  }
0x17d: {  	s24 =	spop (v2sf);
	[tilespmem:s14+$0x240] =	vst v2  }
0x17e: {  	s21 =	spop (v2sf);
	v2 =	vld [tilespmem:s1+$0x250];
	[tilespmem:s17+$0x3A0] =	vst v1  }
0x17f: {  	(v2sf) =	vpush v3, $0x5;
	s26 =	sand.u32 $0xFFFFFF80, s21;
	[tilespmem:s12+$0xF0] =	vst v7;
	v1 =	vld [tilespmem:s22+$0x230]  }
0x180: {  	v7 =	vld [tilespmem:s26+$0x200]  }
0x181: {  	s25 =	sand.u32 $0xFFFFFF80, s24;
	[tilespmem:s18+$0x4F0] =	vst v4  }
0x182: {  	v4 =	vld [tilespmem:s25+$0x200]  }
0x183: {  	[tilespmem:s14+$0x250] =	vst v2  }
0x184: {  	v2 =	vld [tilespmem:s1+$0x260];
	[tilespmem:s17+$0x3B0] =	vst v1  }
0x185: {  	[tilespmem:s12+$0x100] =	vst v7;
	v8 =	vld [tilespmem:s22+$0x240]  }
0x186: {  	v7 =	vld [tilespmem:s21+$0x210]  }
0x187: {  	[tilespmem:s18+$0x500] =	vst v4  }
0x188: {  	s28 =	simm.s32 $0x40;
	v4 =	vld [tilespmem:s24+$0x210]  }
0x189: {  	v1 =	vld [tilespmem:s28+$0x0];
	[tilespmem:s14+$0x260] =	vst v2  }
0x18a: {  	v2 =	vld [tilespmem:s1+$0x270];
	[tilespmem:s17+$0x3C0] =	vst v8  }
0x18b: {  	[tilespmem:s12+$0x110] =	vst v7;
	v8 =	vld [tilespmem:s22+$0x250]  }
0x18c: {  	(v2sf) =	vpush v6, $0x8;
	v7 =	vld [tilespmem:s21+$0x220]  }
0x18d: {  	[tilespmem:s18+$0x510] =	vst v4  }
0x18e: {  	s29 =	spop (v2sf);
	v4 =	vld [tilespmem:s24+$0x220]  }
0x18f: {  	s30 =	sand.u32 $0xFFFFFF80, s29;
	[tilespmem:s14+$0x270] =	vst v2  }
0x190: {  	(v2sf) =	vpush v1, $0x0;
	v2 =	vld [tilespmem:s30+$0x200];
	[tilespmem:s17+$0x3D0] =	vst v8  }
0x191: {  	[tilespmem:s12+$0x120] =	vst v7;
	v8 =	vld [tilespmem:s22+$0x260]  }
0x192: {  	v7 =	vld [tilespmem:s21+$0x230]  }
0x193: {  	[tilespmem:s18+$0x520] =	vst v4  }
0x194: {  	v4 =	vld [tilespmem:s24+$0x230]  }
0x195: {  	[tilespmem:s14+$0x280] =	vst v2  }
0x196: {  	v2 =	vld [tilespmem:s29+$0x210];
	[tilespmem:s17+$0x3E0] =	vst v8  }
0x197: {  	[tilespmem:s12+$0x130] =	vst v7;
	v8 =	vld [tilespmem:s22+$0x270]  }
0x198: {  	v7 =	vld [tilespmem:s21+$0x240]  }
0x199: {  	[tilespmem:s18+$0x530] =	vst v4  }
0x19a: {  	v4 =	vld [tilespmem:s24+$0x240]  }
0x19b: {  	s31 =	spop (v2sf);
	[tilespmem:s14+$0x290] =	vst v2  }
0x19c: {  	s0 =	sand.u32 $0xFFFFFF80, s31;
	v2 =	vld [tilespmem:s29+$0x220];
	[tilespmem:s17+$0x3F0] =	vst v8  }
0x19d: {  	[tilespmem:s12+$0x140] =	vst v7;
	v8 =	vld [tilespmem:s0+$0x200]  }
0x19e: {  	(v2sf) =	vpush v5, $0xB;
	v7 =	vld [tilespmem:s21+$0x250]  }
0x19f: {  	s1 =	spop (v2sf);
	(v2sf) =	vpush v0, $0x3;
	[tilespmem:s18+$0x540] =	vst v4  }
0x1a0: {  	s22 =	sand.u32 $0xFFFFFF80, s1;
	v4 =	vld [tilespmem:s24+$0x250]  }
0x1a1: {  	v9 =	vld [tilespmem:s22+$0x200];
	[tilespmem:s14+$0x2A0] =	vst v2  }
0x1a2: {  	v2 =	vld [tilespmem:s29+$0x230];
	[tilespmem:s17+$0x400] =	vst v8  }
0x1a3: {  	[tilespmem:s12+$0x150] =	vst v7;
	v8 =	vld [tilespmem:s31+$0x210]  }
0x1a4: {  	v7 =	vld [tilespmem:s21+$0x260]  }
0x1a5: {  	s13 =	simm.s32 $0x2A00;
	[tilespmem:s18+$0x550] =	vst v4  }
0x1a6: {  	[tilespmem:s13+$0x0] =	vst v9;
	v4 =	vld [tilespmem:s24+$0x260]  }
0x1a7: {  	v9 =	vld [tilespmem:s1+$0x210];
	[tilespmem:s14+$0x2B0] =	vst v2  }
0x1a8: {  	v2 =	vld [tilespmem:s29+$0x240];
	[tilespmem:s17+$0x410] =	vst v8  }
0x1a9: {  	[tilespmem:s12+$0x160] =	vst v7;
	v8 =	vld [tilespmem:s31+$0x220]  }
0x1aa: {  	v7 =	vld [tilespmem:s21+$0x270]  }
0x1ab: {  	[tilespmem:s18+$0x560] =	vst v4  }
0x1ac: {  	[tilespmem:s13+$0x10] =	vst v9;
	v4 =	vld [tilespmem:s24+$0x270]  }
0x1ad: {  	s23 =	spop (v2sf);
	v9 =	vld [tilespmem:s1+$0x220];
	[tilespmem:s14+$0x2C0] =	vst v2  }
0x1ae: {  	v2 =	vld [tilespmem:s29+$0x250];
	s24 =	spop (v2sf);
	[tilespmem:s17+$0x420] =	vst v8  }
0x1af: {  	(v2sf) =	vpush v3, $0x6;
	s25 =	sand.u32 $0xFFFFFF80, s24;
	[tilespmem:s12+$0x170] =	vst v7;
	v8 =	vld [tilespmem:s31+$0x230]  }
0x1b0: {  	v7 =	vld [tilespmem:s25+$0x200]  }
0x1b1: {  	s22 =	sand.u32 $0xFFFFFF80, s23;
	[tilespmem:s18+$0x570] =	vst v4  }
0x1b2: {  	[tilespmem:s13+$0x20] =	vst v9;
	v4 =	vld [tilespmem:s22+$0x200]  }
0x1b3: {  	v9 =	vld [tilespmem:s1+$0x230];
	[tilespmem:s14+$0x2D0] =	vst v2  }
0x1b4: {  	v2 =	vld [tilespmem:s29+$0x260];
	[tilespmem:s17+$0x430] =	vst v8  }
0x1b5: {  	[tilespmem:s12+$0x180] =	vst v7;
	v8 =	vld [tilespmem:s31+$0x240]  }
0x1b6: {  	v7 =	vld [tilespmem:s24+$0x210]  }
0x1b7: {  	[tilespmem:s18+$0x580] =	vst v4  }
0x1b8: {  	[tilespmem:s13+$0x30] =	vst v9;
	v4 =	vld [tilespmem:s23+$0x210]  }
0x1b9: {  	v9 =	vld [tilespmem:s1+$0x240];
	[tilespmem:s14+$0x2E0] =	vst v2  }
0x1ba: {  	v2 =	vld [tilespmem:s29+$0x270];
	[tilespmem:s17+$0x440] =	vst v8  }
0x1bb: {  	[tilespmem:s12+$0x190] =	vst v7;
	v8 =	vld [tilespmem:s31+$0x250]  }
0x1bc: {  	(v2sf) =	vpush v6, $0x9;
	v7 =	vld [tilespmem:s24+$0x220]  }
0x1bd: {  	[tilespmem:s18+$0x590] =	vst v4  }
0x1be: {  	[tilespmem:s13+$0x40] =	vst v9;
	s26 =	spop (v2sf);
	v4 =	vld [tilespmem:s23+$0x220]  }
0x1bf: {  	v9 =	vld [tilespmem:s1+$0x250];
	s28 =	sand.u32 $0xFFFFFF80, s26;
	[tilespmem:s14+$0x2F0] =	vst v2  }
0x1c0: {  	(v2sf) =	vpush v1, $0x1;
	v2 =	vld [tilespmem:s28+$0x200];
	[tilespmem:s17+$0x450] =	vst v8  }
0x1c1: {  	[tilespmem:s12+$0x1A0] =	vst v7;
	v8 =	vld [tilespmem:s31+$0x260]  }
0x1c2: {  	v7 =	vld [tilespmem:s24+$0x230]  }
0x1c3: {  	[tilespmem:s18+$0x5A0] =	vst v4  }
0x1c4: {  	[tilespmem:s13+$0x50] =	vst v9;
	v4 =	vld [tilespmem:s23+$0x230]  }
0x1c5: {  	v9 =	vld [tilespmem:s1+$0x260];
	[tilespmem:s14+$0x300] =	vst v2  }
0x1c6: {  	v2 =	vld [tilespmem:s26+$0x210];
	[tilespmem:s17+$0x460] =	vst v8  }
0x1c7: {  	[tilespmem:s12+$0x1B0] =	vst v7;
	v8 =	vld [tilespmem:s31+$0x270]  }
0x1c8: {  	v7 =	vld [tilespmem:s24+$0x240]  }
0x1c9: {  	[tilespmem:s18+$0x5B0] =	vst v4  }
0x1ca: {  	[tilespmem:s13+$0x60] =	vst v9;
	v4 =	vld [tilespmem:s23+$0x240]  }
0x1cb: {  	s29 =	spop (v2sf);
	v9 =	vld [tilespmem:s1+$0x270];
	[tilespmem:s14+$0x310] =	vst v2  }
0x1cc: {  	s30 =	sand.u32 $0xFFFFFF80, s29;
	v2 =	vld [tilespmem:s26+$0x220];
	[tilespmem:s17+$0x470] =	vst v8  }
0x1cd: {  	[tilespmem:s12+$0x1C0] =	vst v7;
	v8 =	vld [tilespmem:s30+$0x200]  }
0x1ce: {  	(v2sf) =	vpush v5, $0xC;
	v7 =	vld [tilespmem:s24+$0x250]  }
0x1cf: {  	s31 =	spop (v2sf);
	(v2sf) =	vpush v0, $0x4;
	[tilespmem:s18+$0x5C0] =	vst v4  }
0x1d0: {  	[tilespmem:s13+$0x70] =	vst v9;
	s0 =	sand.u32 $0xFFFFFF80, s31;
	v4 =	vld [tilespmem:s23+$0x250]  }
0x1d1: {  	v9 =	vld [tilespmem:s0+$0x200];
	[tilespmem:s14+$0x320] =	vst v2  }
0x1d2: {  	v2 =	vld [tilespmem:s26+$0x230];
	[tilespmem:s17+$0x480] =	vst v8  }
0x1d3: {  	[tilespmem:s12+$0x1D0] =	vst v7;
	v8 =	vld [tilespmem:s29+$0x210]  }
0x1d4: {  	v7 =	vld [tilespmem:s24+$0x260]  }
0x1d5: {  	[tilespmem:s18+$0x5D0] =	vst v4  }
0x1d6: {  	[tilespmem:s13+$0x80] =	vst v9;
	v4 =	vld [tilespmem:s23+$0x260]  }
0x1d7: {  	v9 =	vld [tilespmem:s31+$0x210];
	[tilespmem:s14+$0x330] =	vst v2  }
0x1d8: {  	v2 =	vld [tilespmem:s26+$0x240];
	[tilespmem:s17+$0x490] =	vst v8  }
0x1d9: {  	[tilespmem:s12+$0x1E0] =	vst v7;
	v8 =	vld [tilespmem:s29+$0x220]  }
0x1da: {  	v7 =	vld [tilespmem:s24+$0x270]  }
0x1db: {  	[tilespmem:s18+$0x5E0] =	vst v4  }
0x1dc: {  	[tilespmem:s13+$0x90] =	vst v9;
	v4 =	vld [tilespmem:s23+$0x270]  }
0x1dd: {  	s1 =	spop (v2sf);
	v9 =	vld [tilespmem:s31+$0x220];
	[tilespmem:s14+$0x340] =	vst v2  }
0x1de: {  	v2 =	vld [tilespmem:s26+$0x250];
	s23 =	spop (v2sf);
	[tilespmem:s17+$0x4A0] =	vst v8  }
0x1df: {  	(v2sf) =	vpush v3, $0x7;
	s24 =	sand.u32 $0xFFFFFF80, s23;
	[tilespmem:s12+$0x1F0] =	vst v7;
	v8 =	vld [tilespmem:s29+$0x230]  }
0x1e0: {  	v7 =	vld [tilespmem:s24+$0x200]  }
0x1e1: {  	s21 =	sand.u32 $0xFFFFFF80, s1;
	[tilespmem:s18+$0x5F0] =	vst v4  }
0x1e2: {  	[tilespmem:s13+$0xA0] =	vst v9;
	v4 =	vld [tilespmem:s21+$0x200]  }
0x1e3: {  	v9 =	vld [tilespmem:s31+$0x230];
	[tilespmem:s14+$0x350] =	vst v2  }
0x1e4: {  	v2 =	vld [tilespmem:s26+$0x260];
	[tilespmem:s17+$0x4B0] =	vst v8  }
0x1e5: {  	[tilespmem:s12+$0x200] =	vst v7;
	v8 =	vld [tilespmem:s29+$0x240]  }
0x1e6: {  	v7 =	vld [tilespmem:s23+$0x210]  }
0x1e7: {  	[tilespmem:s18+$0x600] =	vst v4  }
0x1e8: {  	[tilespmem:s13+$0xB0] =	vst v9;
	v4 =	vld [tilespmem:s1+$0x210]  }
0x1e9: {  	v9 =	vld [tilespmem:s31+$0x240];
	[tilespmem:s14+$0x360] =	vst v2  }
0x1ea: {  	v2 =	vld [tilespmem:s26+$0x270];
	[tilespmem:s17+$0x4C0] =	vst v8  }
0x1eb: {  	[tilespmem:s12+$0x210] =	vst v7;
	v8 =	vld [tilespmem:s29+$0x250]  }
0x1ec: {  	(v2sf) =	vpush v6, $0xA;
	v7 =	vld [tilespmem:s23+$0x220]  }
0x1ed: {  	[tilespmem:s18+$0x610] =	vst v4  }
0x1ee: {  	[tilespmem:s13+$0xC0] =	vst v9;
	s25 =	spop (v2sf);
	v4 =	vld [tilespmem:s1+$0x220]  }
0x1ef: {  	v9 =	vld [tilespmem:s31+$0x250];
	s26 =	sand.u32 $0xFFFFFF80, s25;
	[tilespmem:s14+$0x370] =	vst v2  }
0x1f0: {  	(v2sf) =	vpush v1, $0x2;
	v2 =	vld [tilespmem:s26+$0x200];
	[tilespmem:s17+$0x4D0] =	vst v8  }
0x1f1: {  	[tilespmem:s12+$0x220] =	vst v7;
	v8 =	vld [tilespmem:s29+$0x260]  }
0x1f2: {  	v7 =	vld [tilespmem:s23+$0x230]  }
0x1f3: {  	[tilespmem:s18+$0x620] =	vst v4  }
0x1f4: {  	[tilespmem:s13+$0xD0] =	vst v9;
	v4 =	vld [tilespmem:s1+$0x230]  }
0x1f5: {  	v9 =	vld [tilespmem:s31+$0x260];
	[tilespmem:s14+$0x380] =	vst v2  }
0x1f6: {  	v2 =	vld [tilespmem:s25+$0x210];
	[tilespmem:s17+$0x4E0] =	vst v8  }
0x1f7: {  	[tilespmem:s12+$0x230] =	vst v7;
	v8 =	vld [tilespmem:s29+$0x270]  }
0x1f8: {  	v7 =	vld [tilespmem:s23+$0x240]  }
0x1f9: {  	[tilespmem:s18+$0x630] =	vst v4  }
0x1fa: {  	[tilespmem:s13+$0xE0] =	vst v9;
	v4 =	vld [tilespmem:s1+$0x240]  }
0x1fb: {  	s28 =	spop (v2sf);
	v9 =	vld [tilespmem:s31+$0x270];
	[tilespmem:s14+$0x390] =	vst v2  }
0x1fc: {  	s29 =	sand.u32 $0xFFFFFF80, s28;
	v2 =	vld [tilespmem:s25+$0x220];
	[tilespmem:s17+$0x4F0] =	vst v8  }
0x1fd: {  	[tilespmem:s12+$0x240] =	vst v7;
	v8 =	vld [tilespmem:s29+$0x200]  }
0x1fe: {  	(v2sf) =	vpush v5, $0xD;
	v7 =	vld [tilespmem:s23+$0x250]  }
0x1ff: {  	s30 =	spop (v2sf);
	(v2sf) =	vpush v0, $0x5;
	[tilespmem:s18+$0x640] =	vst v4  }
0x200: {  	[tilespmem:s13+$0xF0] =	vst v9;
	s31 =	sand.u32 $0xFFFFFF80, s30;
	v4 =	vld [tilespmem:s1+$0x250]  }
0x201: {  	v9 =	vld [tilespmem:s31+$0x200];
	[tilespmem:s14+$0x3A0] =	vst v2  }
0x202: {  	v2 =	vld [tilespmem:s25+$0x230];
	[tilespmem:s17+$0x500] =	vst v8  }
0x203: {  	[tilespmem:s12+$0x250] =	vst v7;
	v8 =	vld [tilespmem:s28+$0x210]  }
0x204: {  	v7 =	vld [tilespmem:s23+$0x260]  }
0x205: {  	[tilespmem:s18+$0x650] =	vst v4  }
0x206: {  	[tilespmem:s13+$0x100] =	vst v9;
	v4 =	vld [tilespmem:s1+$0x260]  }
0x207: {  	v9 =	vld [tilespmem:s30+$0x210];
	[tilespmem:s14+$0x3B0] =	vst v2  }
0x208: {  	v2 =	vld [tilespmem:s25+$0x240];
	[tilespmem:s17+$0x510] =	vst v8  }
0x209: {  	[tilespmem:s12+$0x260] =	vst v7;
	v8 =	vld [tilespmem:s28+$0x220]  }
0x20a: {  	s0 =	simm.s32 $0x50;
	v7 =	vld [tilespmem:s23+$0x270]  }
0x20b: {  	[tilespmem:s18+$0x660] =	vst v4;
	v4 =	vld [tilespmem:s0+$0x0]  }
0x20c: {  	[tilespmem:s13+$0x110] =	vst v9;
	v10 =	vld [tilespmem:s1+$0x270]  }
0x20d: {  	v9 =	vld [tilespmem:s30+$0x220];
	[tilespmem:s14+$0x3C0] =	vst v2;
	s1 =	spop (v2sf)  }
0x20e: {  	v2 =	vld [tilespmem:s25+$0x250];
	s23 =	spop (v2sf);
	[tilespmem:s17+$0x520] =	vst v8  }
0x20f: {  	(v2sf) =	vpush v3, $0x8;
	[tilespmem:s12+$0x270] =	vst v7;
	s24 =	sand.u32 $0xFFFFFF80, s23;
	v8 =	vld [tilespmem:s28+$0x230]  }
0x210: {  	v7 =	vld [tilespmem:s24+$0x200]  }
0x211: {  	s19 =	sand.u32 $0xFFFFFF80, s1;
	(v2sf) =	vpush v4, $0x0;
	[tilespmem:s18+$0x670] =	vst v10  }
0x212: {  	[tilespmem:s13+$0x120] =	vst v9;
	v10 =	vld [tilespmem:s19+$0x200]  }
0x213: {  	v9 =	vld [tilespmem:s30+$0x230];
	[tilespmem:s14+$0x3D0] =	vst v2  }
0x214: {  	v2 =	vld [tilespmem:s25+$0x260];
	[tilespmem:s17+$0x530] =	vst v8  }
0x215: {  	[tilespmem:s12+$0x280] =	vst v7;
	v8 =	vld [tilespmem:s28+$0x240]  }
0x216: {  	v7 =	vld [tilespmem:s23+$0x210]  }
0x217: {  	[tilespmem:s18+$0x680] =	vst v10  }
0x218: {  	[tilespmem:s13+$0x130] =	vst v9;
	v10 =	vld [tilespmem:s1+$0x210]  }
0x219: {  	v9 =	vld [tilespmem:s30+$0x240];
	[tilespmem:s14+$0x3E0] =	vst v2  }
0x21a: {  	v2 =	vld [tilespmem:s25+$0x270];
	[tilespmem:s17+$0x540] =	vst v8  }
0x21b: {  	[tilespmem:s12+$0x290] =	vst v7;
	v8 =	vld [tilespmem:s28+$0x250]  }
0x21c: {  	v7 =	vld [tilespmem:s23+$0x220]  }
0x21d: {  	[tilespmem:s18+$0x690] =	vst v10  }
0x21e: {  	s16 =	spop (v2sf);
	[tilespmem:s13+$0x140] =	vst v9;
	v10 =	vld [tilespmem:s1+$0x220]  }
0x21f: {  	(v2sf) =	vpush v6, $0xB;
	s25 =	sand.u32 $0xFFFFFF80, s16;
	v9 =	vld [tilespmem:s30+$0x250];
	[tilespmem:s14+$0x3F0] =	vst v2  }
0x220: {  	v2 =	vld [tilespmem:s25+$0x200];
	s19 =	spop (v2sf);
	(v2sf) =	vpush v1, $0x3;
	[tilespmem:s17+$0x550] =	vst v8  }
0x221: {  	[tilespmem:s12+$0x2A0] =	vst v7;
	v8 =	vld [tilespmem:s28+$0x260]  }
0x222: {  	s26 =	sand.u32 $0xFFFFFF80, s19;
	v7 =	vld [tilespmem:s23+$0x230]  }
0x223: {  	v11 =	vld [tilespmem:s26+$0x200];
	[tilespmem:s18+$0x6A0] =	vst v10  }
0x224: {  	[tilespmem:s13+$0x150] =	vst v9;
	v10 =	vld [tilespmem:s1+$0x230]  }
0x225: {  	v9 =	vld [tilespmem:s30+$0x260];
	[tilespmem:s14+$0x400] =	vst v2  }
0x226: {  	v2 =	vld [tilespmem:s16+$0x210];
	[tilespmem:s17+$0x560] =	vst v8  }
0x227: {  	s15 =	simm.s32 $0x3200;
	[tilespmem:s12+$0x2B0] =	vst v7;
	v8 =	vld [tilespmem:s28+$0x270]  }
0x228: {  	[tilespmem:s15+$0x0] =	vst v11;
	v7 =	vld [tilespmem:s23+$0x240]  }
0x229: {  	v11 =	vld [tilespmem:s19+$0x210];
	[tilespmem:s18+$0x6B0] =	vst v10  }
0x22a: {  	[tilespmem:s13+$0x160] =	vst v9;
	v10 =	vld [tilespmem:s1+$0x240]  }
0x22b: {  	[tilespmem:s14+$0x410] =	vst v2  }
0x22c: {  	s28 =	simm.s32 $0x60;
	v9 =	vld [tilespmem:s30+$0x270];
	[tilespmem:s17+$0x570] =	vst v8  }
0x22d: {  	v2 =	vld [tilespmem:s28+$0x0];
	[tilespmem:s12+$0x2C0] =	vst v7  }
0x22e: {  	s29 =	spop (v2sf);
	(v2sf) =	vpush v5, $0xE;
	[tilespmem:s15+$0x10] =	vst v11;
	v8 =	vld [tilespmem:s23+$0x250]  }
0x22f: {  	s30 =	spop (v2sf);
	(v2sf) =	vpush v0, $0x6;
	[tilespmem:s18+$0x6C0] =	vst v10;
	v10 =	vld [tilespmem:s16+$0x220]  }
0x230: {  	v7 =	vld [tilespmem:s19+$0x220]  }
0x231: {  	s24 =	sand.u32 $0xFFFFFF80, s29;
	[tilespmem:s13+$0x170] =	vst v9;
	v11 =	vld [tilespmem:s1+$0x250]  }
0x232: {  	s25 =	sand.u32 $0xFFFFFF80, s30;
	v9 =	vld [tilespmem:s24+$0x200]  }
0x233: {  	v12 =	vld [tilespmem:s25+$0x200];
	[tilespmem:s12+$0x2D0] =	vst v8  }
0x234: {  	v8 =	vld [tilespmem:s23+$0x260];
	[tilespmem:s14+$0x420] =	vst v10  }
0x235: {  	[tilespmem:s15+$0x20] =	vst v7;
	v10 =	vld [tilespmem:s16+$0x230]  }
0x236: {  	[tilespmem:s18+$0x6D0] =	vst v11;
	v11 =	vld [tilespmem:s19+$0x230]  }
0x237: {  	[tilespmem:s17+$0x580] =	vst v9;
	v7 =	vld [tilespmem:s1+$0x260]  }
0x238: {  	[tilespmem:s13+$0x180] =	vst v12;
	v9 =	vld [tilespmem:s29+$0x210]  }
0x239: {  	v12 =	vld [tilespmem:s30+$0x210];
	[tilespmem:s12+$0x2E0] =	vst v8  }
0x23a: {  	v8 =	vld [tilespmem:s23+$0x270];
	[tilespmem:s14+$0x430] =	vst v10  }
0x23b: {  	[tilespmem:s15+$0x30] =	vst v11;
	v10 =	vld [tilespmem:s16+$0x240]  }
0x23c: {  	[tilespmem:s18+$0x6E0] =	vst v7;
	v11 =	vld [tilespmem:s19+$0x240]  }
0x23d: {  	s31 =	spop (v2sf);
	[tilespmem:s17+$0x590] =	vst v9;
	v7 =	vld [tilespmem:s1+$0x270]  }
0x23e: {  	[tilespmem:s13+$0x190] =	vst v12;
	v9 =	vld [tilespmem:s29+$0x220];
	s24 =	spop (v2sf)  }
0x23f: {  	v12 =	vld [tilespmem:s30+$0x220];
	[tilespmem:s12+$0x2F0] =	vst v8;
	s1 =	sand.u32 $0xFFFFFF80, s24  }
0x240: {  	(v2sf) =	vpush v3, $0x9;
	v8 =	vld [tilespmem:s1+$0x200];
	[tilespmem:s14+$0x440] =	vst v10  }
0x241: {  	(v2sf) =	vpush v4, $0x1;
	[tilespmem:s15+$0x40] =	vst v11;
	v10 =	vld [tilespmem:s16+$0x250]  }
0x242: {  	s0 =	sand.u32 $0xFFFFFF80, s31;
	[tilespmem:s18+$0x6F0] =	vst v7;
	v11 =	vld [tilespmem:s19+$0x250]  }
0x243: {  	[tilespmem:s17+$0x5A0] =	vst v9;
	v7 =	vld [tilespmem:s0+$0x200]  }
0x244: {  	[tilespmem:s13+$0x1A0] =	vst v12;
	v9 =	vld [tilespmem:s29+$0x230]  }
0x245: {  	v12 =	vld [tilespmem:s30+$0x230];
	[tilespmem:s12+$0x300] =	vst v8  }
0x246: {  	v8 =	vld [tilespmem:s24+$0x210];
	[tilespmem:s14+$0x450] =	vst v10  }
0x247: {  	[tilespmem:s15+$0x50] =	vst v11;
	v10 =	vld [tilespmem:s16+$0x260]  }
0x248: {  	[tilespmem:s18+$0x700] =	vst v7;
	v11 =	vld [tilespmem:s19+$0x260]  }
0x249: {  	[tilespmem:s17+$0x5B0] =	vst v9;
	v7 =	vld [tilespmem:s31+$0x210]  }
0x24a: {  	[tilespmem:s13+$0x1B0] =	vst v12;
	v9 =	vld [tilespmem:s29+$0x240]  }
0x24b: {  	v12 =	vld [tilespmem:s30+$0x240];
	[tilespmem:s12+$0x310] =	vst v8  }
0x24c: {  	v8 =	vld [tilespmem:s24+$0x220];
	[tilespmem:s14+$0x460] =	vst v10  }
0x24d: {  	[tilespmem:s15+$0x60] =	vst v11;
	v10 =	vld [tilespmem:s16+$0x270]  }
0x24e: {  	[tilespmem:s18+$0x710] =	vst v7;
	v11 =	vld [tilespmem:s19+$0x270]  }
0x24f: {  	(v2sf) =	vpush v6, $0xC;
	[tilespmem:s17+$0x5C0] =	vst v9;
	s19 =	spop (v2sf);
	v7 =	vld [tilespmem:s31+$0x220]  }
0x250: {  	[tilespmem:s13+$0x1C0] =	vst v12;
	v9 =	vld [tilespmem:s29+$0x250];
	s1 =	spop (v2sf);
	(v2sf) =	vpush v1, $0x4  }
0x251: {  	v12 =	vld [tilespmem:s30+$0x250];
	[tilespmem:s12+$0x320] =	vst v8  }
0x252: {  	s0 =	sand.u32 $0xFFFFFF80, s19;
	v8 =	vld [tilespmem:s24+$0x230];
	[tilespmem:s14+$0x470] =	vst v10  }
0x253: {  	s25 =	sand.u32 $0xFFFFFF80, s1;
	[tilespmem:s15+$0x70] =	vst v11;
	v10 =	vld [tilespmem:s0+$0x200]  }
0x254: {  	[tilespmem:s18+$0x720] =	vst v7;
	v11 =	vld [tilespmem:s25+$0x200]  }
0x255: {  	[tilespmem:s17+$0x5D0] =	vst v9;
	v7 =	vld [tilespmem:s31+$0x230]  }
0x256: {  	[tilespmem:s13+$0x1D0] =	vst v12;
	v9 =	vld [tilespmem:s29+$0x260]  }
0x257: {  	v12 =	vld [tilespmem:s30+$0x260];
	[tilespmem:s12+$0x330] =	vst v8  }
0x258: {  	v8 =	vld [tilespmem:s24+$0x240];
	[tilespmem:s14+$0x480] =	vst v10  }
0x259: {  	[tilespmem:s15+$0x80] =	vst v11;
	v10 =	vld [tilespmem:s19+$0x210]  }
0x25a: {  	[tilespmem:s18+$0x730] =	vst v7;
	v11 =	vld [tilespmem:s1+$0x210]  }
0x25b: {  	[tilespmem:s17+$0x5E0] =	vst v9;
	v7 =	vld [tilespmem:s31+$0x240]  }
0x25c: {  	[tilespmem:s13+$0x1E0] =	vst v12;
	v9 =	vld [tilespmem:s29+$0x270]  }
0x25d: {  	v12 =	vld [tilespmem:s30+$0x270];
	[tilespmem:s12+$0x340] =	vst v8  }
0x25e: {  	s20 =	spop (v2sf);
	(v2sf) =	vpush v5, $0xF;
	v5 =	vld [tilespmem:s24+$0x250];
	[tilespmem:s14+$0x490] =	vst v10  }
0x25f: {  	s23 =	spop (v2sf);
	(v2sf) =	vpush v0, $0x7;
	[tilespmem:s15+$0x90] =	vst v11;
	v10 =	vld [tilespmem:s19+$0x220]  }
0x260: {  	[tilespmem:s18+$0x740] =	vst v7;
	v11 =	vld [tilespmem:s1+$0x220]  }
0x261: {  	s26 =	sand.u32 $0xFFFFFF80, s20;
	[tilespmem:s17+$0x5F0] =	vst v9;
	v7 =	vld [tilespmem:s31+$0x250]  }
0x262: {  	s28 =	sand.u32 $0xFFFFFF80, s23;
	[tilespmem:s13+$0x1F0] =	vst v12;
	v8 =	vld [tilespmem:s26+$0x200]  }
0x263: {  	v9 =	vld [tilespmem:s28+$0x200];
	[tilespmem:s12+$0x350] =	vst v5  }
0x264: {  	v5 =	vld [tilespmem:s24+$0x260];
	[tilespmem:s14+$0x4A0] =	vst v10  }
0x265: {  	[tilespmem:s15+$0xA0] =	vst v11;
	v10 =	vld [tilespmem:s19+$0x230]  }
0x266: {  	[tilespmem:s18+$0x750] =	vst v7;
	v11 =	vld [tilespmem:s1+$0x230]  }
0x267: {  	[tilespmem:s17+$0x600] =	vst v8;
	v7 =	vld [tilespmem:s31+$0x260]  }
0x268: {  	[tilespmem:s13+$0x200] =	vst v9;
	v8 =	vld [tilespmem:s20+$0x210]  }
0x269: {  	v9 =	vld [tilespmem:s23+$0x210];
	[tilespmem:s12+$0x360] =	vst v5  }
0x26a: {  	v5 =	vld [tilespmem:s24+$0x270];
	[tilespmem:s14+$0x4B0] =	vst v10  }
0x26b: {  	[tilespmem:s15+$0xB0] =	vst v11;
	v10 =	vld [tilespmem:s19+$0x240]  }
0x26c: {  	[tilespmem:s18+$0x760] =	vst v7;
	v11 =	vld [tilespmem:s1+$0x240]  }
0x26d: {  	s29 =	spop (v2sf);
	[tilespmem:s17+$0x610] =	vst v8;
	v7 =	vld [tilespmem:s31+$0x270]  }
0x26e: {  	[tilespmem:s13+$0x210] =	vst v9;
	v8 =	vld [tilespmem:s20+$0x220];
	s31 =	spop (v2sf)  }
0x26f: {  	v9 =	vld [tilespmem:s23+$0x220];
	s0 =	sand.u32 $0xFFFFFF80, s31;
	[tilespmem:s12+$0x370] =	vst v5  }
0x270: {  	v5 =	vld [tilespmem:s0+$0x200];
	[tilespmem:s14+$0x4C0] =	vst v10  }
0x271: {  	[tilespmem:s15+$0xC0] =	vst v11;
	v10 =	vld [tilespmem:s19+$0x250]  }
0x272: {  	(v2sf) =	vpush v3, $0xA;
	s30 =	sand.u32 $0xFFFFFF80, s29;
	[tilespmem:s18+$0x770] =	vst v7;
	v11 =	vld [tilespmem:s1+$0x250]  }
0x273: {  	(v2sf) =	vpush v4, $0x2;
	[tilespmem:s17+$0x620] =	vst v8;
	v7 =	vld [tilespmem:s30+$0x200]  }
0x274: {  	[tilespmem:s13+$0x220] =	vst v9;
	v8 =	vld [tilespmem:s20+$0x230]  }
0x275: {  	v9 =	vld [tilespmem:s23+$0x230];
	[tilespmem:s12+$0x380] =	vst v5  }
0x276: {  	v5 =	vld [tilespmem:s31+$0x210];
	[tilespmem:s14+$0x4D0] =	vst v10  }
0x277: {  	[tilespmem:s15+$0xD0] =	vst v11;
	v10 =	vld [tilespmem:s19+$0x260]  }
0x278: {  	[tilespmem:s18+$0x780] =	vst v7;
	v11 =	vld [tilespmem:s1+$0x260]  }
0x279: {  	[tilespmem:s17+$0x630] =	vst v8;
	v7 =	vld [tilespmem:s29+$0x210]  }
0x27a: {  	[tilespmem:s13+$0x230] =	vst v9;
	v8 =	vld [tilespmem:s20+$0x240]  }
0x27b: {  	v9 =	vld [tilespmem:s23+$0x240];
	[tilespmem:s12+$0x390] =	vst v5  }
0x27c: {  	v5 =	vld [tilespmem:s31+$0x220];
	[tilespmem:s14+$0x4E0] =	vst v10  }
0x27d: {  	[tilespmem:s15+$0xE0] =	vst v11;
	v10 =	vld [tilespmem:s19+$0x270]  }
0x27e: {  	[tilespmem:s18+$0x790] =	vst v7;
	v11 =	vld [tilespmem:s1+$0x270]  }
0x27f: {  	[tilespmem:s17+$0x640] =	vst v8;
	v7 =	vld [tilespmem:s29+$0x220]  }
0x280: {  	[tilespmem:s13+$0x240] =	vst v9;
	v8 =	vld [tilespmem:s20+$0x250]  }
0x281: {  	(v2sf) =	vpush v6, $0xD;
	s19 =	spop (v2sf);
	v9 =	vld [tilespmem:s23+$0x250];
	[tilespmem:s12+$0x3A0] =	vst v5  }
0x282: {  	s1 =	sand.u32 $0xFFFFFF80, s19;
	s24 =	spop (v2sf);
	(v2sf) =	vpush v1, $0x5;
	v5 =	vld [tilespmem:s31+$0x230];
	[tilespmem:s14+$0x4F0] =	vst v10  }
0x283: {  	s21 =	sand.u32 $0xFFFFFF80, s24;
	[tilespmem:s15+$0xF0] =	vst v11;
	v10 =	vld [tilespmem:s1+$0x200]  }
0x284: {  	[tilespmem:s18+$0x7A0] =	vst v7;
	v11 =	vld [tilespmem:s21+$0x200]  }
0x285: {  	[tilespmem:s17+$0x650] =	vst v8;
	v7 =	vld [tilespmem:s29+$0x230]  }
0x286: {  	[tilespmem:s13+$0x250] =	vst v9;
	v8 =	vld [tilespmem:s20+$0x260]  }
0x287: {  	v9 =	vld [tilespmem:s23+$0x260];
	[tilespmem:s12+$0x3B0] =	vst v5  }
0x288: {  	v5 =	vld [tilespmem:s31+$0x240];
	[tilespmem:s14+$0x500] =	vst v10  }
0x289: {  	[tilespmem:s15+$0x100] =	vst v11;
	v10 =	vld [tilespmem:s19+$0x210]  }
0x28a: {  	[tilespmem:s18+$0x7B0] =	vst v7;
	v11 =	vld [tilespmem:s24+$0x210]  }
0x28b: {  	[tilespmem:s17+$0x660] =	vst v8;
	v7 =	vld [tilespmem:s29+$0x240]  }
0x28c: {  	[tilespmem:s13+$0x260] =	vst v9;
	v8 =	vld [tilespmem:s20+$0x270]  }
0x28d: {  	v9 =	vld [tilespmem:s23+$0x270];
	[tilespmem:s12+$0x3C0] =	vst v5  }
0x28e: {  	v5 =	vld [tilespmem:s31+$0x250];
	[tilespmem:s14+$0x510] =	vst v10  }
0x28f: {  	[tilespmem:s15+$0x110] =	vst v11;
	v10 =	vld [tilespmem:s19+$0x220]  }
0x290: {  	s26 =	spop (v2sf);
	[tilespmem:s18+$0x7C0] =	vst v7;
	v11 =	vld [tilespmem:s24+$0x220]  }
0x291: {  	s0 =	sand.u32 $0xFFFFFF80, s26;
	s28 =	spop (v2sf);
	[tilespmem:s17+$0x670] =	vst v8;
	v7 =	vld [tilespmem:s29+$0x250]  }
0x292: {  	(v2sf) =	vpush v0, $0x8;
	s1 =	sand.u32 $0xFFFFFF80, s28;
	[tilespmem:s13+$0x270] =	vst v9;
	v8 =	vld [tilespmem:s0+$0x200]  }
0x293: {  	v9 =	vld [tilespmem:s1+$0x200];
	[tilespmem:s12+$0x3D0] =	vst v5  }
0x294: {  	(v2sf) =	vpush v2, $0x0;
	v5 =	vld [tilespmem:s31+$0x260];
	[tilespmem:s14+$0x520] =	vst v10  }
0x295: {  	[tilespmem:s15+$0x120] =	vst v11;
	v10 =	vld [tilespmem:s19+$0x230]  }
0x296: {  	[tilespmem:s18+$0x7D0] =	vst v7;
	v11 =	vld [tilespmem:s24+$0x230]  }
0x297: {  	[tilespmem:s17+$0x680] =	vst v8;
	v7 =	vld [tilespmem:s29+$0x260]  }
0x298: {  	[tilespmem:s13+$0x280] =	vst v9;
	v8 =	vld [tilespmem:s26+$0x210]  }
0x299: {  	s22 =	simm.s32 $0x70;
	v9 =	vld [tilespmem:s28+$0x210];
	[tilespmem:s12+$0x3E0] =	vst v5  }
0x29a: {  	v5 =	vld [tilespmem:s22+$0x0];
	[tilespmem:s14+$0x530] =	vst v10  }
0x29b: {  	[tilespmem:s15+$0x130] =	vst v11;
	v10 =	vld [tilespmem:s19+$0x240]  }
0x29c: {  	v11 =	vld [tilespmem:s24+$0x240]  }
0x29d: {  	v62 =	vld [tilespmem:s31+$0x270];
	[tilespmem:s17+$0x690] =	vst v8  }
0x29e: {  	[tilespmem:s18+$0x7E0] =	vst v7;
	v8 =	vld [tilespmem:s26+$0x220]  }
0x29f: {  	[tilespmem:s13+$0x290] =	vst v9;
	v7 =	vld [tilespmem:s29+$0x270]  }
0x2a0: {  	v9 =	vld [tilespmem:s28+$0x220];
	[tilespmem:s14+$0x540] =	vst v10  }
0x2a1: {  	s23 =	spop (v2sf);
	[tilespmem:s15+$0x140] =	vst v11;
	v10 =	vld [tilespmem:s19+$0x250]  }
0x2a2: {  	(v2sf) =	vpush v3, $0xB;
	s29 =	sand.u32 $0xFFFFFF80, s23;
	[tilespmem:s12+$0x3F0] =	vst v62;
	v11 =	vld [tilespmem:s24+$0x250]  }
0x2a3: {  	s30 =	spop (v2sf);
	(v2sf) =	vpush v4, $0x3;
	v12 =	vld [tilespmem:s29+$0x200];
	[tilespmem:s17+$0x6A0] =	vst v8  }
0x2a4: {  	s31 =	sand.u32 $0xFFFFFF80, s30;
	[tilespmem:s18+$0x7F0] =	vst v7;
	v7 =	vld [tilespmem:s26+$0x230]  }
0x2a5: {  	v8 =	vld [tilespmem:s31+$0x200];
	[tilespmem:s13+$0x2A0] =	vst v9  }
0x2a6: {  	v9 =	vld [tilespmem:s28+$0x230];
	[tilespmem:s14+$0x550] =	vst v10  }
0x2a7: {  	[tilespmem:s15+$0x150] =	vst v11;
	v10 =	vld [tilespmem:s19+$0x260]  }
0x2a8: {  	[tilespmem:s12+$0x400] =	vst v12;
	v11 =	vld [tilespmem:s24+$0x260]  }
0x2a9: {  	s16 =	simm.s32 $0x3A00;
	v12 =	vld [tilespmem:s23+$0x210];
	[tilespmem:s17+$0x6B0] =	vst v7  }
0x2aa: {  	[tilespmem:s16+$0x0] =	vst v8;
	v7 =	vld [tilespmem:s26+$0x240]  }
0x2ab: {  	v8 =	vld [tilespmem:s30+$0x210];
	[tilespmem:s13+$0x2B0] =	vst v9  }
0x2ac: {  	v9 =	vld [tilespmem:s28+$0x240];
	[tilespmem:s14+$0x560] =	vst v10  }
0x2ad: {  	[tilespmem:s15+$0x160] =	vst v11;
	v10 =	vld [tilespmem:s19+$0x270]  }
0x2ae: {  	[tilespmem:s12+$0x410] =	vst v12;
	v11 =	vld [tilespmem:s24+$0x270]  }
0x2af: {  	v12 =	vld [tilespmem:s23+$0x220];
	[tilespmem:s17+$0x6C0] =	vst v7  }
0x2b0: {  	[tilespmem:s16+$0x10] =	vst v8;
	v7 =	vld [tilespmem:s26+$0x250]  }
0x2b1: {  	v8 =	vld [tilespmem:s30+$0x220];
	[tilespmem:s13+$0x2C0] =	vst v9;
	s19 =	spop (v2sf);
	(v2sf) =	vpush v6, $0xE  }
0x2b2: {  	s24 =	spop (v2sf);
	v9 =	vld [tilespmem:s28+$0x250];
	s0 =	sand.u32 $0xFFFFFF80, s19;
	[tilespmem:s14+$0x570] =	vst v10  }
0x2b3: {  	(v2sf) =	vpush v1, $0x6;
	s1 =	sand.u32 $0xFFFFFF80, s24;
	[tilespmem:s15+$0x170] =	vst v11;
	v10 =	vld [tilespmem:s0+$0x200]  }
0x2b4: {  	[tilespmem:s12+$0x420] =	vst v12;
	v11 =	vld [tilespmem:s1+$0x200]  }
0x2b5: {  	v12 =	vld [tilespmem:s23+$0x230];
	[tilespmem:s17+$0x6D0] =	vst v7  }
0x2b6: {  	[tilespmem:s16+$0x20] =	vst v8;
	v7 =	vld [tilespmem:s26+$0x260]  }
0x2b7: {  	v8 =	vld [tilespmem:s30+$0x230];
	[tilespmem:s13+$0x2D0] =	vst v9  }
0x2b8: {  	v9 =	vld [tilespmem:s28+$0x260];
	[tilespmem:s14+$0x580] =	vst v10  }
0x2b9: {  	[tilespmem:s15+$0x180] =	vst v11;
	v10 =	vld [tilespmem:s19+$0x210]  }
0x2ba: {  	[tilespmem:s12+$0x430] =	vst v12;
	v11 =	vld [tilespmem:s24+$0x210]  }
0x2bb: {  	v12 =	vld [tilespmem:s23+$0x240];
	[tilespmem:s17+$0x6E0] =	vst v7  }
0x2bc: {  	[tilespmem:s16+$0x30] =	vst v8;
	v7 =	vld [tilespmem:s26+$0x270]  }
0x2bd: {  	v8 =	vld [tilespmem:s30+$0x240];
	[tilespmem:s13+$0x2E0] =	vst v9  }
0x2be: {  	v9 =	vld [tilespmem:s28+$0x270];
	[tilespmem:s14+$0x590] =	vst v10  }
0x2bf: {  	[tilespmem:s15+$0x190] =	vst v11;
	v10 =	vld [tilespmem:s19+$0x220]  }
0x2c0: {  	[tilespmem:s12+$0x440] =	vst v12;
	s25 =	spop (v2sf);
	v11 =	vld [tilespmem:s24+$0x220]  }
0x2c1: {  	v12 =	vld [tilespmem:s23+$0x250];
	s26 =	sand.u32 $0xFFFFFF80, s25;
	[tilespmem:s17+$0x6F0] =	vst v7  }
0x2c2: {  	(v2sf) =	vpush v0, $0x9;
	s28 =	spop (v2sf);
	[tilespmem:s16+$0x40] =	vst v8;
	v7 =	vld [tilespmem:s26+$0x200]  }
0x2c3: {  	s1 =	sand.u32 $0xFFFFFF80, s28;
	v8 =	vld [tilespmem:s30+$0x250];
	[tilespmem:s13+$0x2F0] =	vst v9  }
0x2c4: {  	(v2sf) =	vpush v2, $0x1;
	v9 =	vld [tilespmem:s1+$0x200];
	[tilespmem:s14+$0x5A0] =	vst v10  }
0x2c5: {  	[tilespmem:s15+$0x1A0] =	vst v11;
	v10 =	vld [tilespmem:s19+$0x230]  }
0x2c6: {  	[tilespmem:s12+$0x450] =	vst v12;
	v11 =	vld [tilespmem:s24+$0x230]  }
0x2c7: {  	v12 =	vld [tilespmem:s23+$0x260];
	[tilespmem:s17+$0x700] =	vst v7  }
0x2c8: {  	[tilespmem:s16+$0x50] =	vst v8;
	v7 =	vld [tilespmem:s25+$0x210]  }
0x2c9: {  	v8 =	vld [tilespmem:s30+$0x260];
	[tilespmem:s13+$0x300] =	vst v9  }
0x2ca: {  	v9 =	vld [tilespmem:s28+$0x210];
	[tilespmem:s14+$0x5B0] =	vst v10  }
0x2cb: {  	[tilespmem:s15+$0x1B0] =	vst v11;
	v10 =	vld [tilespmem:s19+$0x240]  }
0x2cc: {  	[tilespmem:s12+$0x460] =	vst v12;
	v11 =	vld [tilespmem:s24+$0x240]  }
0x2cd: {  	v12 =	vld [tilespmem:s23+$0x270];
	[tilespmem:s17+$0x710] =	vst v7  }
0x2ce: {  	[tilespmem:s16+$0x60] =	vst v8;
	v7 =	vld [tilespmem:s25+$0x220]  }
0x2cf: {  	v8 =	vld [tilespmem:s30+$0x270];
	[tilespmem:s13+$0x310] =	vst v9  }
0x2d0: {  	v9 =	vld [tilespmem:s28+$0x220];
	[tilespmem:s14+$0x5C0] =	vst v10  }
0x2d1: {  	s23 =	spop (v2sf);
	[tilespmem:s15+$0x1C0] =	vst v11;
	v10 =	vld [tilespmem:s19+$0x250]  }
0x2d2: {  	(v2sf) =	vpush v3, $0xC;
	s29 =	sand.u32 $0xFFFFFF80, s23;
	[tilespmem:s12+$0x470] =	vst v12;
	v11 =	vld [tilespmem:s24+$0x250]  }
0x2d3: {  	s30 =	spop (v2sf);
	(v2sf) =	vpush v4, $0x4;
	v12 =	vld [tilespmem:s29+$0x200];
	[tilespmem:s17+$0x720] =	vst v7  }
0x2d4: {  	s31 =	sand.u32 $0xFFFFFF80, s30;
	[tilespmem:s16+$0x70] =	vst v8;
	v7 =	vld [tilespmem:s25+$0x230]  }
0x2d5: {  	v8 =	vld [tilespmem:s31+$0x200];
	[tilespmem:s13+$0x320] =	vst v9  }
0x2d6: {  	v9 =	vld [tilespmem:s28+$0x230];
	[tilespmem:s14+$0x5D0] =	vst v10  }
0x2d7: {  	[tilespmem:s15+$0x1D0] =	vst v11;
	v10 =	vld [tilespmem:s19+$0x260]  }
0x2d8: {  	[tilespmem:s12+$0x480] =	vst v12;
	v11 =	vld [tilespmem:s24+$0x260]  }
0x2d9: {  	v12 =	vld [tilespmem:s23+$0x210];
	[tilespmem:s17+$0x730] =	vst v7  }
0x2da: {  	[tilespmem:s16+$0x80] =	vst v8;
	v7 =	vld [tilespmem:s25+$0x240]  }
0x2db: {  	v8 =	vld [tilespmem:s30+$0x210];
	[tilespmem:s13+$0x330] =	vst v9  }
0x2dc: {  	v9 =	vld [tilespmem:s28+$0x240];
	[tilespmem:s14+$0x5E0] =	vst v10  }
0x2dd: {  	[tilespmem:s15+$0x1E0] =	vst v11;
	v10 =	vld [tilespmem:s19+$0x270]  }
0x2de: {  	[tilespmem:s12+$0x490] =	vst v12;
	v11 =	vld [tilespmem:s24+$0x270]  }
0x2df: {  	v12 =	vld [tilespmem:s23+$0x220];
	[tilespmem:s17+$0x740] =	vst v7  }
0x2e0: {  	[tilespmem:s16+$0x90] =	vst v8;
	v7 =	vld [tilespmem:s25+$0x250]  }
0x2e1: {  	s0 =	spop (v2sf);
	(v2sf) =	vpush v6, $0xF;
	v8 =	vld [tilespmem:s30+$0x220];
	[tilespmem:s13+$0x340] =	vst v9  }
0x2e2: {  	s1 =	sand.u32 $0xFFFFFF80, s0;
	s26 =	spop (v2sf);
	v6 =	vld [tilespmem:s28+$0x250];
	[tilespmem:s14+$0x5F0] =	vst v10  }
0x2e3: {  	(v2sf) =	vpush v1, $0x7;
	s24 =	sand.u32 $0xFFFFFF80, s26;
	[tilespmem:s15+$0x1F0] =	vst v11;
	v9 =	vld [tilespmem:s1+$0x200]  }
0x2e4: {  	[tilespmem:s12+$0x4A0] =	vst v12;
	v10 =	vld [tilespmem:s24+$0x200]  }
0x2e5: {  	v11 =	vld [tilespmem:s23+$0x230];
	[tilespmem:s17+$0x750] =	vst v7  }
0x2e6: {  	[tilespmem:s16+$0xA0] =	vst v8;
	v7 =	vld [tilespmem:s25+$0x260]  }
0x2e7: {  	v8 =	vld [tilespmem:s30+$0x230];
	[tilespmem:s13+$0x350] =	vst v6  }
0x2e8: {  	v6 =	vld [tilespmem:s28+$0x260];
	[tilespmem:s14+$0x600] =	vst v9  }
0x2e9: {  	[tilespmem:s15+$0x200] =	vst v10;
	v9 =	vld [tilespmem:s0+$0x210]  }
0x2ea: {  	[tilespmem:s12+$0x4B0] =	vst v11;
	v10 =	vld [tilespmem:s26+$0x210]  }
0x2eb: {  	v11 =	vld [tilespmem:s23+$0x240];
	[tilespmem:s17+$0x760] =	vst v7  }
0x2ec: {  	[tilespmem:s16+$0xB0] =	vst v8;
	v7 =	vld [tilespmem:s25+$0x270]  }
0x2ed: {  	v8 =	vld [tilespmem:s30+$0x240];
	[tilespmem:s13+$0x360] =	vst v6  }
0x2ee: {  	v6 =	vld [tilespmem:s28+$0x270];
	[tilespmem:s14+$0x610] =	vst v9  }
0x2ef: {  	[tilespmem:s15+$0x210] =	vst v10;
	v9 =	vld [tilespmem:s0+$0x220]  }
0x2f0: {  	s22 =	spop (v2sf);
	[tilespmem:s12+$0x4C0] =	vst v11;
	v10 =	vld [tilespmem:s26+$0x220]  }
0x2f1: {  	s28 =	sand.u32 $0xFFFFFF80, s22;
	v11 =	vld [tilespmem:s23+$0x250];
	[tilespmem:s17+$0x770] =	vst v7  }
0x2f2: {  	s24 =	spop (v2sf);
	(v2sf) =	vpush v0, $0xA;
	[tilespmem:s16+$0xC0] =	vst v8;
	v7 =	vld [tilespmem:s28+$0x200]  }
0x2f3: {  	s29 =	sand.u32 $0xFFFFFF80, s24;
	v8 =	vld [tilespmem:s30+$0x250];
	[tilespmem:s13+$0x370] =	vst v6  }
0x2f4: {  	(v2sf) =	vpush v2, $0x2;
	v6 =	vld [tilespmem:s29+$0x200];
	[tilespmem:s14+$0x620] =	vst v9  }
0x2f5: {  	[tilespmem:s15+$0x220] =	vst v10;
	v9 =	vld [tilespmem:s0+$0x230]  }
0x2f6: {  	[tilespmem:s12+$0x4D0] =	vst v11;
	v10 =	vld [tilespmem:s26+$0x230]  }
0x2f7: {  	v11 =	vld [tilespmem:s23+$0x260];
	[tilespmem:s17+$0x780] =	vst v7  }
0x2f8: {  	[tilespmem:s16+$0xD0] =	vst v8;
	v7 =	vld [tilespmem:s22+$0x210]  }
0x2f9: {  	v8 =	vld [tilespmem:s30+$0x260];
	[tilespmem:s13+$0x380] =	vst v6  }
0x2fa: {  	v6 =	vld [tilespmem:s24+$0x210];
	[tilespmem:s14+$0x630] =	vst v9  }
0x2fb: {  	[tilespmem:s15+$0x230] =	vst v10;
	v9 =	vld [tilespmem:s0+$0x240]  }
0x2fc: {  	[tilespmem:s12+$0x4E0] =	vst v11;
	v10 =	vld [tilespmem:s26+$0x240]  }
0x2fd: {  	v11 =	vld [tilespmem:s23+$0x270];
	[tilespmem:s17+$0x790] =	vst v7  }
0x2fe: {  	[tilespmem:s16+$0xE0] =	vst v8;
	v7 =	vld [tilespmem:s22+$0x220]  }
0x2ff: {  	v8 =	vld [tilespmem:s30+$0x270];
	[tilespmem:s13+$0x390] =	vst v6  }
0x300: {  	v6 =	vld [tilespmem:s24+$0x220];
	[tilespmem:s14+$0x640] =	vst v9  }
0x301: {  	s21 =	spop (v2sf);
	[tilespmem:s15+$0x240] =	vst v10;
	v9 =	vld [tilespmem:s0+$0x250]  }
0x302: {  	(v2sf) =	vpush v3, $0xD;
	s30 =	sand.u32 $0xFFFFFF80, s21;
	[tilespmem:s12+$0x4F0] =	vst v11;
	v10 =	vld [tilespmem:s26+$0x250]  }
0x303: {  	s23 =	spop (v2sf);
	(v2sf) =	vpush v4, $0x5;
	v11 =	vld [tilespmem:s30+$0x200];
	[tilespmem:s17+$0x7A0] =	vst v7  }
0x304: {  	s31 =	sand.u32 $0xFFFFFF80, s23;
	[tilespmem:s16+$0xF0] =	vst v8;
	v7 =	vld [tilespmem:s22+$0x230]  }
0x305: {  	v8 =	vld [tilespmem:s31+$0x200];
	[tilespmem:s13+$0x3A0] =	vst v6  }
0x306: {  	v6 =	vld [tilespmem:s24+$0x230];
	[tilespmem:s14+$0x650] =	vst v9  }
0x307: {  	[tilespmem:s15+$0x250] =	vst v10;
	v9 =	vld [tilespmem:s0+$0x260]  }
0x308: {  	[tilespmem:s12+$0x500] =	vst v11;
	v10 =	vld [tilespmem:s26+$0x260]  }
0x309: {  	v11 =	vld [tilespmem:s21+$0x210];
	[tilespmem:s17+$0x7B0] =	vst v7  }
0x30a: {  	[tilespmem:s16+$0x100] =	vst v8;
	v63 =	vld [tilespmem:s22+$0x240]  }
0x30b: {  	v13 =	vld [tilespmem:s23+$0x210];
	[tilespmem:s13+$0x3B0] =	vst v6  }
0x30c: {  	v14 =	vld [tilespmem:s24+$0x240];
	[tilespmem:s14+$0x660] =	vst v9  }
0x30d: {  	[tilespmem:s15+$0x260] =	vst v10;
	v10 =	vld [tilespmem:s0+$0x270]  }
0x30e: {  	[tilespmem:s12+$0x510] =	vst v11;
	v8 =	vld [tilespmem:s26+$0x270]  }
0x30f: {  	v7 =	vld [tilespmem:s21+$0x220];
	[tilespmem:s17+$0x7C0] =	vst v63  }
0x310: {  	[hbm4b:s6+s2] =	stream.linear.scatter [tilespmem:s18], [sflag:$0x3], $0x800, $0x38;
	[tilespmem:s16+$0x110] =	vst v13;
	v6 =	vld [tilespmem:s22+$0x250]  }
0x311: {  	s18 =	smov.u32 s6;
	s19 =	simm.s32 $0x200;
	s20 =	spop (v2sf);
	v9 =	vld [tilespmem:s23+$0x220];
	[tilespmem:s13+$0x3C0] =	vst v14  }
.LBB2_2:
0x312: {  	p0 =	sne.s32 s19, $0x7C0;
	s25 =	spop (v2sf);
	v11 =	vld [tilespmem:s24+$0x250];
	[tilespmem:s14+$0x670] =	vst v10;
	s26 =	sand.u32 $0xFFFFFF80, s20  }
0x313: {  	[tilespmem:s15+$0x270] =	vst v8;
	s28 =	sand.u32 $0xFFFFFF80, s25;
	(v2sf) =	vpush v1, $0x8;
	v8 =	vld [tilespmem:s26+$0x200]  }
0x314: {  	v10 =	vld [tilespmem:s28+$0x200];
	[tilespmem:s12+$0x520] =	vst v7  }
0x315: {  	(v2sf) =	vpush v5, $0x0;
	v7 =	vld [tilespmem:s21+$0x230];
	[tilespmem:s17+$0x7D0] =	vst v6  }
0x316: {  	[tilespmem:s16+$0x120] =	vst v9;
	v6 =	vld [tilespmem:s22+$0x260]  }
0x317: {  	v9 =	vld [tilespmem:s23+$0x230];
	[tilespmem:s13+$0x3D0] =	vst v11  }
0x318: {  	v11 =	vld [tilespmem:s24+$0x260];
	[tilespmem:s14+$0x680] =	vst v8  }
0x319: {  	[tilespmem:s15+$0x280] =	vst v10;
	v8 =	vld [tilespmem:s20+$0x210]  }
0x31a: {  	v10 =	vld [tilespmem:s25+$0x210];
	[tilespmem:s12+$0x530] =	vst v7  }
0x31b: {  	v7 =	vld [tilespmem:s21+$0x240];
	[tilespmem:s17+$0x7E0] =	vst v6  }
0x31c: {  	[tilespmem:s16+$0x130] =	vst v9;
	v9 =	vld [tilespmem:s22+$0x270]  }
0x31d: {  	v12 =	vld [tilespmem:s23+$0x240];
	[tilespmem:s13+$0x3E0] =	vst v11  }
0x31e: {  	v11 =	vld [tilespmem:s24+$0x270];
	[tilespmem:s14+$0x690] =	vst v8  }
0x31f: {  	s22 =	sshra.s32 s19, $0x2;
	[tilespmem:s15+$0x290] =	vst v10;
	v8 =	vld [tilespmem:s20+$0x220]  }
0x320: {  	s18 =	sadd.s32 $0x100, s18;
	v6 =	vld [tilespmem:s22+$0x0];
	[tilespmem:s12+$0x540] =	vst v7  }
0x321: {  	v7 =	vld [tilespmem:s25+$0x220];
	[tilespmem:s17+$0x7F0] =	vst v9;
	[hbm4b:s18+s2] =	stream.linear.scatter [tilespmem:s17], [sflag:$0x3], $0x800, $0x38  }
0x322: {  	s17 =	smov.u32 s14;
	s14 =	smov.u32 s12;
	[tilespmem:s16+$0x140] =	vst v12;
	s22 =	spop (v2sf);
	v9 =	vld [tilespmem:s21+$0x250]  }
0x323: {  	s12 =	smov.u32 s13;
	v10 =	vld [tilespmem:s23+$0x250];
	[tilespmem:s13+$0x3F0] =	vst v11;
	s24 =	sand.u32 $0xFFFFFF80, s22;
	(v2sf) =	vpush v0, $0xB;
	s13 =	smov.u32 s15  }
0x324: {  	s15 =	smov.u32 s16;
	s28 =	spop (v2sf);
	(v2sf) =	vpush v2, $0x3;
	v11 =	vld [tilespmem:s24+$0x200];
	[tilespmem:s17+$0x6A0] =	vst v8  }
0x325: {  	s24 =	sand.u32 $0xFFFFFF80, s28;
	v8 =	vld [tilespmem:s20+$0x230]  }
0x326: {  	v12 =	vld [tilespmem:s24+$0x200];
	[tilespmem:s13+$0x2A0] =	vst v7  }
0x327: {  	v7 =	vld [tilespmem:s25+$0x230];
	[tilespmem:s14+$0x550] =	vst v9  }
0x328: {  	[tilespmem:s16+$0x150] =	vst v10;
	v9 =	vld [tilespmem:s21+$0x260]  }
0x329: {  	v10 =	vld [tilespmem:s23+$0x260];
	[tilespmem:s12+$0x400] =	vst v11  }
0x32a: {  	s16 =	sadd.s32 $0x800, s16;
	v11 =	vld [tilespmem:s22+$0x210];
	[tilespmem:s17+$0x6B0] =	vst v8  }
0x32b: {  	[tilespmem:s16+$0x0] =	vst v12;
	v8 =	vld [tilespmem:s20+$0x240]  }
0x32c: {  	v12 =	vld [tilespmem:s28+$0x210];
	[tilespmem:s13+$0x2B0] =	vst v7  }
0x32d: {  	v7 =	vld [tilespmem:s25+$0x240];
	[tilespmem:s14+$0x560] =	vst v9  }
0x32e: {  	[tilespmem:s15+$0x160] =	vst v10;
	v9 =	vld [tilespmem:s21+$0x270]  }
0x32f: {  	v10 =	vld [tilespmem:s23+$0x270];
	[tilespmem:s12+$0x410] =	vst v11  }
0x330: {  	v11 =	vld [tilespmem:s22+$0x220];
	[tilespmem:s17+$0x6C0] =	vst v8  }
0x331: {  	[tilespmem:s16+$0x10] =	vst v12;
	v8 =	vld [tilespmem:s20+$0x250]  }
0x332: {  	v12 =	vld [tilespmem:s28+$0x220];
	[tilespmem:s13+$0x2C0] =	vst v7;
	s26 =	spop (v2sf);
	(v2sf) =	vpush v3, $0xE  }
0x333: {  	s29 =	spop (v2sf);
	v7 =	vld [tilespmem:s25+$0x250];
	[tilespmem:s14+$0x570] =	vst v9;
	s21 =	sand.u32 $0xFFFFFF80, s26  }
0x334: {  	[tilespmem:s15+$0x170] =	vst v10;
	s23 =	sand.u32 $0xFFFFFF80, s29;
	(v2sf) =	vpush v4, $0x6;
	v9 =	vld [tilespmem:s21+$0x200]  }
0x335: {  	v10 =	vld [tilespmem:s23+$0x200];
	[tilespmem:s12+$0x420] =	vst v11  }
0x336: {  	v11 =	vld [tilespmem:s22+$0x230];
	[tilespmem:s17+$0x6D0] =	vst v8  }
0x337: {  	[tilespmem:s16+$0x20] =	vst v12;
	v8 =	vld [tilespmem:s20+$0x260]  }
0x338: {  	v12 =	vld [tilespmem:s28+$0x230];
	[tilespmem:s13+$0x2D0] =	vst v7  }
0x339: {  	v7 =	vld [tilespmem:s25+$0x260];
	[tilespmem:s14+$0x580] =	vst v9  }
0x33a: {  	[tilespmem:s15+$0x180] =	vst v10;
	v9 =	vld [tilespmem:s26+$0x210]  }
0x33b: {  	v10 =	vld [tilespmem:s29+$0x210];
	[tilespmem:s12+$0x430] =	vst v11  }
0x33c: {  	v11 =	vld [tilespmem:s22+$0x240];
	[tilespmem:s17+$0x6E0] =	vst v8  }
0x33d: {  	[tilespmem:s16+$0x30] =	vst v12;
	v8 =	vld [tilespmem:s20+$0x270]  }
0x33e: {  	v12 =	vld [tilespmem:s28+$0x240];
	[tilespmem:s13+$0x2E0] =	vst v7  }
0x33f: {  	v7 =	vld [tilespmem:s25+$0x270];
	[tilespmem:s14+$0x590] =	vst v9  }
0x340: {  	[tilespmem:s15+$0x190] =	vst v10;
	v9 =	vld [tilespmem:s26+$0x220]  }
0x341: {  	v10 =	vld [tilespmem:s29+$0x220];
	[tilespmem:s12+$0x440] =	vst v11;
	s21 =	spop (v2sf)  }
0x342: {  	v11 =	vld [tilespmem:s22+$0x250];
	[tilespmem:s17+$0x6F0] =	vst v8;
	s20 =	sand.u32 $0xFFFFFF80, s21  }
0x343: {  	[tilespmem:s16+$0x40] =	vst v12;
	s24 =	spop (v2sf);
	(v2sf) =	vpush v1, $0x9;
	v8 =	vld [tilespmem:s20+$0x200]  }
0x344: {  	v12 =	vld [tilespmem:s28+$0x250];
	[tilespmem:s13+$0x2F0] =	vst v7;
	s20 =	sand.u32 $0xFFFFFF80, s24  }
0x345: {  	(v2sf) =	vpush v5, $0x1;
	v7 =	vld [tilespmem:s20+$0x200];
	[tilespmem:s14+$0x5A0] =	vst v9  }
0x346: {  	[tilespmem:s15+$0x1A0] =	vst v10;
	v9 =	vld [tilespmem:s26+$0x230]  }
0x347: {  	v10 =	vld [tilespmem:s29+$0x230];
	[tilespmem:s12+$0x450] =	vst v11  }
0x348: {  	v11 =	vld [tilespmem:s22+$0x260];
	[tilespmem:s17+$0x700] =	vst v8  }
0x349: {  	[tilespmem:s16+$0x50] =	vst v12;
	v8 =	vld [tilespmem:s21+$0x210]  }
0x34a: {  	v12 =	vld [tilespmem:s28+$0x260];
	[tilespmem:s13+$0x300] =	vst v7  }
0x34b: {  	v7 =	vld [tilespmem:s24+$0x210];
	[tilespmem:s14+$0x5B0] =	vst v9  }
0x34c: {  	[tilespmem:s15+$0x1B0] =	vst v10;
	v9 =	vld [tilespmem:s26+$0x240]  }
0x34d: {  	v10 =	vld [tilespmem:s29+$0x240];
	[tilespmem:s12+$0x460] =	vst v11  }
0x34e: {  	v11 =	vld [tilespmem:s22+$0x270];
	[tilespmem:s17+$0x710] =	vst v8  }
0x34f: {  	[tilespmem:s16+$0x60] =	vst v12;
	v8 =	vld [tilespmem:s21+$0x220]  }
0x350: {  	v12 =	vld [tilespmem:s28+$0x270];
	[tilespmem:s13+$0x310] =	vst v7  }
0x351: {  	v7 =	vld [tilespmem:s24+$0x220];
	[tilespmem:s14+$0x5C0] =	vst v9  }
0x352: {  	[tilespmem:s15+$0x1C0] =	vst v10;
	s20 =	spop (v2sf);
	v9 =	vld [tilespmem:s26+$0x250]  }
0x353: {  	v10 =	vld [tilespmem:s29+$0x250];
	[tilespmem:s12+$0x470] =	vst v11;
	s22 =	sand.u32 $0xFFFFFF80, s20;
	(v2sf) =	vpush v0, $0xC  }
0x354: {  	s23 =	spop (v2sf);
	(v2sf) =	vpush v2, $0x4;
	v11 =	vld [tilespmem:s22+$0x200];
	[tilespmem:s17+$0x720] =	vst v8  }
0x355: {  	[tilespmem:s16+$0x70] =	vst v12;
	s22 =	sand.u32 $0xFFFFFF80, s23;
	v8 =	vld [tilespmem:s21+$0x230]  }
0x356: {  	v12 =	vld [tilespmem:s22+$0x200];
	[tilespmem:s13+$0x320] =	vst v7  }
0x357: {  	v7 =	vld [tilespmem:s24+$0x230];
	[tilespmem:s14+$0x5D0] =	vst v9  }
0x358: {  	[tilespmem:s15+$0x1D0] =	vst v10;
	v9 =	vld [tilespmem:s26+$0x260]  }
0x359: {  	v10 =	vld [tilespmem:s29+$0x260];
	[tilespmem:s12+$0x480] =	vst v11  }
0x35a: {  	v11 =	vld [tilespmem:s20+$0x210];
	[tilespmem:s17+$0x730] =	vst v8  }
0x35b: {  	[tilespmem:s16+$0x80] =	vst v12;
	v8 =	vld [tilespmem:s21+$0x240]  }
0x35c: {  	v12 =	vld [tilespmem:s23+$0x210];
	[tilespmem:s13+$0x330] =	vst v7  }
0x35d: {  	v7 =	vld [tilespmem:s24+$0x240];
	[tilespmem:s14+$0x5E0] =	vst v9  }
0x35e: {  	[tilespmem:s15+$0x1E0] =	vst v10;
	v9 =	vld [tilespmem:s26+$0x270]  }
0x35f: {  	v10 =	vld [tilespmem:s29+$0x270];
	[tilespmem:s12+$0x490] =	vst v11  }
0x360: {  	v11 =	vld [tilespmem:s20+$0x220];
	[tilespmem:s17+$0x740] =	vst v8  }
0x361: {  	[tilespmem:s16+$0x90] =	vst v12;
	v8 =	vld [tilespmem:s21+$0x250]  }
0x362: {  	v12 =	vld [tilespmem:s23+$0x220];
	[tilespmem:s13+$0x340] =	vst v7;
	s25 =	spop (v2sf);
	(v2sf) =	vpush v3, $0xF;
	v3 =	vmovc v0;
	v0 =	vmovc v1;
	v1 =	vmov v4;
	v4 =	vmov v2  }
0x363: {  	v2 =	vmov v5;
	v5 =	vmov v6;
	s26 =	spop (v2sf);
	v7 =	vld [tilespmem:s24+$0x250];
	[tilespmem:s14+$0x5F0] =	vst v9;
	s22 =	sand.u32 $0xFFFFFF80, s25  }
0x364: {  	[tilespmem:s15+$0x1F0] =	vst v10;
	s28 =	sand.u32 $0xFFFFFF80, s26;
	(v2sf) =	vpush v1, $0x7;
	v6 =	vld [tilespmem:s22+$0x200]  }
0x365: {  	v9 =	vld [tilespmem:s28+$0x200];
	[tilespmem:s12+$0x4A0] =	vst v11  }
0x366: {  	v10 =	vld [tilespmem:s20+$0x230];
	[tilespmem:s17+$0x750] =	vst v8  }
0x367: {  	[tilespmem:s16+$0xA0] =	vst v12;
	v8 =	vld [tilespmem:s21+$0x260]  }
0x368: {  	v11 =	vld [tilespmem:s23+$0x230];
	[tilespmem:s13+$0x350] =	vst v7  }
0x369: {  	v7 =	vld [tilespmem:s24+$0x260];
	[tilespmem:s14+$0x600] =	vst v6  }
0x36a: {  	[tilespmem:s15+$0x200] =	vst v9;
	v6 =	vld [tilespmem:s25+$0x210]  }
0x36b: {  	v9 =	vld [tilespmem:s26+$0x210];
	[tilespmem:s12+$0x4B0] =	vst v10  }
0x36c: {  	v10 =	vld [tilespmem:s20+$0x240];
	[tilespmem:s17+$0x760] =	vst v8  }
0x36d: {  	[tilespmem:s16+$0xB0] =	vst v11;
	v8 =	vld [tilespmem:s21+$0x270]  }
0x36e: {  	v11 =	vld [tilespmem:s23+$0x240];
	[tilespmem:s13+$0x360] =	vst v7  }
0x36f: {  	v7 =	vld [tilespmem:s24+$0x270];
	[tilespmem:s14+$0x610] =	vst v6  }
0x370: {  	[tilespmem:s15+$0x210] =	vst v9;
	v6 =	vld [tilespmem:s25+$0x220]  }
0x371: {  	v9 =	vld [tilespmem:s26+$0x220];
	[tilespmem:s12+$0x4C0] =	vst v10;
	s22 =	spop (v2sf)  }
0x372: {  	v10 =	vld [tilespmem:s20+$0x250];
	[tilespmem:s17+$0x770] =	vst v8;
	s21 =	sand.u32 $0xFFFFFF80, s22  }
0x373: {  	[tilespmem:s16+$0xC0] =	vst v11;
	s24 =	spop (v2sf);
	(v2sf) =	vpush v0, $0xA;
	v8 =	vld [tilespmem:s21+$0x200]  }
0x374: {  	v11 =	vld [tilespmem:s23+$0x250];
	[tilespmem:s13+$0x370] =	vst v7;
	s21 =	sand.u32 $0xFFFFFF80, s24  }
0x375: {  	(v2sf) =	vpush v2, $0x2;
	v7 =	vld [tilespmem:s21+$0x200];
	[tilespmem:s14+$0x620] =	vst v6  }
0x376: {  	[tilespmem:s15+$0x220] =	vst v9;
	v6 =	vld [tilespmem:s25+$0x230]  }
0x377: {  	v9 =	vld [tilespmem:s26+$0x230];
	[tilespmem:s12+$0x4D0] =	vst v10  }
0x378: {  	v10 =	vld [tilespmem:s20+$0x260];
	[tilespmem:s17+$0x780] =	vst v8  }
0x379: {  	[tilespmem:s16+$0xD0] =	vst v11;
	v8 =	vld [tilespmem:s22+$0x210]  }
0x37a: {  	v11 =	vld [tilespmem:s23+$0x260];
	[tilespmem:s13+$0x380] =	vst v7  }
0x37b: {  	v7 =	vld [tilespmem:s24+$0x210];
	[tilespmem:s14+$0x630] =	vst v6  }
0x37c: {  	[tilespmem:s15+$0x230] =	vst v9;
	v6 =	vld [tilespmem:s25+$0x240]  }
0x37d: {  	v9 =	vld [tilespmem:s26+$0x240];
	[tilespmem:s12+$0x4E0] =	vst v10  }
0x37e: {  	v10 =	vld [tilespmem:s20+$0x270];
	[tilespmem:s17+$0x790] =	vst v8  }
0x37f: {  	[tilespmem:s16+$0xE0] =	vst v11;
	v8 =	vld [tilespmem:s22+$0x220]  }
0x380: {  	v11 =	vld [tilespmem:s23+$0x270];
	[tilespmem:s13+$0x390] =	vst v7  }
0x381: {  	v7 =	vld [tilespmem:s24+$0x220];
	[tilespmem:s14+$0x640] =	vst v6  }
0x382: {  	[tilespmem:s15+$0x240] =	vst v9;
	s21 =	spop (v2sf);
	v6 =	vld [tilespmem:s25+$0x250]  }
0x383: {  	v9 =	vld [tilespmem:s26+$0x250];
	[tilespmem:s12+$0x4F0] =	vst v10;
	s20 =	sand.u32 $0xFFFFFF80, s21;
	(v2sf) =	vpush v3, $0xD  }
0x384: {  	s23 =	spop (v2sf);
	(v2sf) =	vpush v4, $0x5;
	v10 =	vld [tilespmem:s20+$0x200];
	[tilespmem:s17+$0x7A0] =	vst v8  }
0x385: {  	[tilespmem:s16+$0xF0] =	vst v11;
	s20 =	sand.u32 $0xFFFFFF80, s23;
	v8 =	vld [tilespmem:s22+$0x230]  }
0x386: {  	v11 =	vld [tilespmem:s20+$0x200];
	[tilespmem:s13+$0x3A0] =	vst v7  }
0x387: {  	v7 =	vld [tilespmem:s24+$0x230];
	[tilespmem:s14+$0x650] =	vst v6  }
0x388: {  	[tilespmem:s15+$0x250] =	vst v9;
	v6 =	vld [tilespmem:s25+$0x260]  }
0x389: {  	v9 =	vld [tilespmem:s26+$0x260];
	[tilespmem:s12+$0x500] =	vst v10  }
0x38a: {  	v12 =	vld [tilespmem:s21+$0x210];
	[tilespmem:s17+$0x7B0] =	vst v8  }
0x38b: {  	[tilespmem:s16+$0x100] =	vst v11;
	v11 =	vld [tilespmem:s22+$0x240]  }
0x38c: {  	v13 =	vld [tilespmem:s23+$0x210];
	[tilespmem:s13+$0x3B0] =	vst v7  }
0x38d: {  	v14 =	vld [tilespmem:s24+$0x240];
	[tilespmem:s14+$0x660] =	vst v6  }
.Ltmp0:
0x38e: {  	[tilespmem:s15+$0x260] =	vst v9;
	v10 =	vld [tilespmem:s25+$0x270];
	(pc) =	sbr.rel @p0 .LBB2_2-.Ltmp0, $4  }
0x38f: {  	v8 =	vld [tilespmem:s26+$0x270];
	[tilespmem:s12+$0x510] =	vst v12  }
0x390: {  	v7 =	vld [tilespmem:s21+$0x220];
	[tilespmem:s17+$0x7C0] =	vst v11  }
0x391: {  	[tilespmem:s16+$0x110] =	vst v13;
	v6 =	vld [tilespmem:s22+$0x250]  }
0x392: {  	s19 =	sadd.s32 $0x40, s19;
	v9 =	vld [tilespmem:s23+$0x220];
	[tilespmem:s13+$0x3C0] =	vst v14;
	s20 =	spop (v2sf)  }
0x393: {  	v11 =	vld [tilespmem:s24+$0x250]  }
0x394: {  	[tilespmem:s14+$0x670] =	vst v10;
	s19 =	sand.u32 $0xFFFFFF80, s20;
	s25 =	spop (v2sf);
	(v2sf) =	vpush v1, $0x8  }
0x395: {  	v10 =	vld [tilespmem:s19+$0x200];
	[tilespmem:s15+$0x270] =	vst v8;
	s1 =	sand.u32 $0xFFFFFF80, s25;
	(v2sf) =	vpush v5, $0x0  }
0x396: {  	v8 =	vld [tilespmem:s1+$0x200];
	[tilespmem:s12+$0x520] =	vst v7  }
0x397: {  	v7 =	vld [tilespmem:s21+$0x230];
	[tilespmem:s16+$0x120] =	vst v9  }
0x398: {  	v9 =	vld [tilespmem:s23+$0x230];
	[tilespmem:s13+$0x3D0] =	vst v11  }
0x399: {  	[tilespmem:s17+$0x7D0] =	vst v6;
	v11 =	vld [tilespmem:s24+$0x260]  }
0x39a: {  	v36 =	vld [tilespmem:s22+$0x260];
	[tilespmem:s14+$0x680] =	vst v10  }
0x39b: {  	v35 =	vld [tilespmem:s20+$0x210];
	[tilespmem:s15+$0x280] =	vst v8  }
0x39c: {  	v8 =	vld [tilespmem:s25+$0x210];
	[tilespmem:s12+$0x530] =	vst v7  }
0x39d: {  	v7 =	vld [tilespmem:s21+$0x240];
	[tilespmem:s16+$0x130] =	vst v9  }
0x39e: {  	v9 =	vld [tilespmem:s23+$0x240];
	[tilespmem:s13+$0x3E0] =	vst v11  }
0x39f: {  	[tilespmem:s17+$0x7E0] =	vst v36;
	v11 =	vld [tilespmem:s24+$0x270]  }
0x3a0: {  	v10 =	vld [tilespmem:s22+$0x270];
	[tilespmem:s14+$0x690] =	vst v35  }
0x3a1: {  	v6 =	vld [tilespmem:s20+$0x220];
	[tilespmem:s15+$0x290] =	vst v8  }
0x3a2: {  	[tilespmem:s12+$0x540] =	vst v7;
	v37 =	vld [tilespmem:s25+$0x220]  }
0x3a3: {  	s24 =	spop (v2sf);
	v38 =	vld [tilespmem:s21+$0x250];
	[tilespmem:s16+$0x140] =	vst v9  }
0x3a4: {  	(v2sf) =	vpush v0, $0xB;
	s28 =	sand.u32 $0xFFFFFF80, s24;
	s29 =	spop (v2sf);
	v9 =	vld [tilespmem:s23+$0x250];
	[tilespmem:s13+$0x3F0] =	vst v11  }
0x3a5: {  	[tilespmem:s17+$0x7F0] =	vst v10;
	(v2sf) =	vpush v2, $0x3;
	s26 =	sand.u32 $0xFFFFFF80, s29;
	v11 =	vld [tilespmem:s28+$0x200]  }
0x3a6: {  	[tilespmem:s14+$0x6A0] =	vst v6;
	v39 =	vld [tilespmem:s26+$0x200]  }
0x3a7: {  	s19 =	sadd.s32 $0x100, s18;
	v6 =	vld [tilespmem:s20+$0x230];
	[tilespmem:s15+$0x2A0] =	vst v37  }
0x3a8: {  	[hbm4b:s19+s2] =	stream.linear.scatter [tilespmem:s17], [sflag:$0x3], $0x800, $0x38;
	v7 =	vld [tilespmem:s25+$0x230];
	[tilespmem:s12+$0x550] =	vst v38  }
0x3a9: {  	v8 =	vld [tilespmem:s21+$0x260];
	[tilespmem:s16+$0x150] =	vst v9  }
0x3aa: {  	s17 =	sadd.s32 $0x800, s16;
	v9 =	vld [tilespmem:s23+$0x260];
	[tilespmem:s13+$0x400] =	vst v11  }
0x3ab: {  	[tilespmem:s17+$0x0] =	vst v39;
	v11 =	vld [tilespmem:s24+$0x210]  }
0x3ac: {  	v10 =	vld [tilespmem:s29+$0x210]  }
0x3ad: {  	[tilespmem:s15+$0x2B0] =	vst v7  }
0x3ae: {  	v7 =	vld [tilespmem:s25+$0x240];
	[tilespmem:s12+$0x560] =	vst v8  }
0x3af: {  	v8 =	vld [tilespmem:s21+$0x270];
	[tilespmem:s16+$0x160] =	vst v9  }
0x3b0: {  	v9 =	vld [tilespmem:s23+$0x270];
	[tilespmem:s13+$0x410] =	vst v11  }
0x3b1: {  	[tilespmem:s17+$0x10] =	vst v10;
	v11 =	vld [tilespmem:s24+$0x220]  }
0x3b2: {  	v10 =	vld [tilespmem:s29+$0x220]  }
0x3b3: {  	s23 =	spop (v2sf);
	[tilespmem:s15+$0x2C0] =	vst v7  }
0x3b4: {  	(v2sf) =	vpush v3, $0xE;
	s30 =	spop (v2sf);
	s0 =	sand.u32 $0xFFFFFF80, s23;
	v7 =	vld [tilespmem:s25+$0x250];
	[tilespmem:s12+$0x570] =	vst v8  }
0x3b5: {  	(v2sf) =	vpush v4, $0x6;
	s1 =	sand.u32 $0xFFFFFF80, s30;
	v8 =	vld [tilespmem:s0+$0x200];
	[tilespmem:s16+$0x170] =	vst v9  }
0x3b6: {  	v9 =	vld [tilespmem:s1+$0x200];
	[tilespmem:s13+$0x420] =	vst v11  }
0x3b7: {  	[tilespmem:s17+$0x20] =	vst v10;
	v11 =	vld [tilespmem:s24+$0x230]  }
0x3b8: {  	v10 =	vld [tilespmem:s29+$0x230]  }
0x3b9: {  	[tilespmem:s15+$0x2D0] =	vst v7  }
0x3ba: {  	v7 =	vld [tilespmem:s25+$0x260];
	[tilespmem:s12+$0x580] =	vst v8  }
0x3bb: {  	v8 =	vld [tilespmem:s23+$0x210];
	[tilespmem:s16+$0x180] =	vst v9  }
0x3bc: {  	v9 =	vld [tilespmem:s30+$0x210];
	[tilespmem:s13+$0x430] =	vst v11  }
0x3bd: {  	[tilespmem:s17+$0x30] =	vst v10;
	v11 =	vld [tilespmem:s24+$0x240]  }
0x3be: {  	v10 =	vld [tilespmem:s29+$0x240]  }
0x3bf: {  	[tilespmem:s15+$0x2E0] =	vst v7  }
0x3c0: {  	v7 =	vld [tilespmem:s25+$0x270];
	[tilespmem:s12+$0x590] =	vst v8  }
0x3c1: {  	v8 =	vld [tilespmem:s23+$0x220];
	[tilespmem:s16+$0x190] =	vst v9  }
0x3c2: {  	v9 =	vld [tilespmem:s30+$0x220];
	[tilespmem:s13+$0x440] =	vst v11  }
0x3c3: {  	s18 =	spop (v2sf);
	[tilespmem:s17+$0x40] =	vst v10;
	v11 =	vld [tilespmem:s24+$0x250]  }
0x3c4: {  	(v2sf) =	vpush v1, $0x9;
	s28 =	spop (v2sf);
	v10 =	vld [tilespmem:s29+$0x250]  }
0x3c5: {  	(v2sf) =	vpush v5, $0x1;
	s31 =	sand.u32 $0xFFFFFF80, s28;
	[tilespmem:s15+$0x2F0] =	vst v7  }
0x3c6: {  	v7 =	vld [tilespmem:s31+$0x200];
	[tilespmem:s12+$0x5A0] =	vst v8  }
0x3c7: {  	v8 =	vld [tilespmem:s23+$0x230];
	[tilespmem:s16+$0x1A0] =	vst v9  }
0x3c8: {  	v9 =	vld [tilespmem:s30+$0x230];
	[tilespmem:s13+$0x450] =	vst v11  }
0x3c9: {  	[tilespmem:s17+$0x50] =	vst v10;
	v11 =	vld [tilespmem:s24+$0x260]  }
0x3ca: {  	v10 =	vld [tilespmem:s29+$0x260]  }
0x3cb: {  	[tilespmem:s15+$0x300] =	vst v7  }
0x3cc: {  	v7 =	vld [tilespmem:s28+$0x210];
	[tilespmem:s12+$0x5B0] =	vst v8  }
0x3cd: {  	v8 =	vld [tilespmem:s23+$0x240];
	[tilespmem:s16+$0x1B0] =	vst v9  }
0x3ce: {  	v9 =	vld [tilespmem:s30+$0x240];
	[tilespmem:s13+$0x460] =	vst v11  }
0x3cf: {  	[tilespmem:s17+$0x60] =	vst v10;
	v11 =	vld [tilespmem:s24+$0x270]  }
0x3d0: {  	v10 =	vld [tilespmem:s29+$0x270]  }
0x3d1: {  	[tilespmem:s15+$0x310] =	vst v7  }
0x3d2: {  	v7 =	vld [tilespmem:s28+$0x220];
	[tilespmem:s12+$0x5C0] =	vst v8  }
0x3d3: {  	s22 =	spop (v2sf);
	v8 =	vld [tilespmem:s23+$0x250];
	[tilespmem:s16+$0x1C0] =	vst v9  }
0x3d4: {  	(v2sf) =	vpush v0, $0xC;
	s0 =	sand.u32 $0xFFFFFF80, s22;
	s29 =	spop (v2sf);
	v9 =	vld [tilespmem:s30+$0x250];
	[tilespmem:s13+$0x470] =	vst v11  }
0x3d5: {  	(v2sf) =	vpush v2, $0x4;
	s1 =	sand.u32 $0xFFFFFF80, s29;
	[tilespmem:s17+$0x70] =	vst v10;
	v11 =	vld [tilespmem:s0+$0x200]  }
0x3d6: {  	v10 =	vld [tilespmem:s1+$0x200]  }
0x3d7: {  	[tilespmem:s15+$0x320] =	vst v7  }
0x3d8: {  	v7 =	vld [tilespmem:s28+$0x230];
	[tilespmem:s12+$0x5D0] =	vst v8  }
0x3d9: {  	v8 =	vld [tilespmem:s23+$0x260];
	[tilespmem:s16+$0x1D0] =	vst v9  }
0x3da: {  	v9 =	vld [tilespmem:s30+$0x260];
	[tilespmem:s13+$0x480] =	vst v11  }
0x3db: {  	[tilespmem:s17+$0x80] =	vst v10;
	v11 =	vld [tilespmem:s22+$0x210]  }
0x3dc: {  	v10 =	vld [tilespmem:s29+$0x210]  }
0x3dd: {  	[tilespmem:s15+$0x330] =	vst v7  }
0x3de: {  	v7 =	vld [tilespmem:s28+$0x240];
	[tilespmem:s12+$0x5E0] =	vst v8  }
0x3df: {  	v8 =	vld [tilespmem:s23+$0x270];
	[tilespmem:s16+$0x1E0] =	vst v9  }
0x3e0: {  	v9 =	vld [tilespmem:s30+$0x270];
	[tilespmem:s13+$0x490] =	vst v11  }
0x3e1: {  	[tilespmem:s17+$0x90] =	vst v10;
	v11 =	vld [tilespmem:s22+$0x220]  }
0x3e2: {  	v10 =	vld [tilespmem:s29+$0x220]  }
0x3e3: {  	s25 =	spop (v2sf);
	[tilespmem:s15+$0x340] =	vst v7  }
0x3e4: {  	(v2sf) =	vpush v3, $0xF;
	s31 =	sand.u32 $0xFFFFFF80, s25;
	s30 =	spop (v2sf);
	v40 =	vld [tilespmem:s28+$0x250];
	[tilespmem:s12+$0x5F0] =	vst v8  }
0x3e5: {  	(v2sf) =	vpush v4, $0x7;
	s0 =	sand.u32 $0xFFFFFF80, s30;
	v41 =	vld [tilespmem:s31+$0x200];
	[tilespmem:s16+$0x1F0] =	vst v9  }
0x3e6: {  	v42 =	vld [tilespmem:s0+$0x200];
	[tilespmem:s13+$0x4A0] =	vst v11  }
0x3e7: {  	[tilespmem:s17+$0xA0] =	vst v10;
	v43 =	vld [tilespmem:s22+$0x230]  }
0x3e8: {  	v10 =	vld [tilespmem:s29+$0x230]  }
0x3e9: {  	[tilespmem:s15+$0x350] =	vst v40  }
0x3ea: {  	v3 =	vld [tilespmem:s28+$0x260];
	[tilespmem:s12+$0x600] =	vst v41  }
0x3eb: {  	v7 =	vld [tilespmem:s25+$0x210];
	[tilespmem:s16+$0x200] =	vst v42  }
0x3ec: {  	v8 =	vld [tilespmem:s30+$0x210];
	[tilespmem:s13+$0x4B0] =	vst v43  }
0x3ed: {  	[tilespmem:s17+$0xB0] =	vst v10;
	v9 =	vld [tilespmem:s22+$0x240]  }
0x3ee: {  	v10 =	vld [tilespmem:s29+$0x240]  }
0x3ef: {  	[tilespmem:s15+$0x360] =	vst v3  }
0x3f0: {  	v3 =	vld [tilespmem:s28+$0x270];
	[tilespmem:s12+$0x610] =	vst v7  }
0x3f1: {  	v7 =	vld [tilespmem:s25+$0x220];
	[tilespmem:s16+$0x210] =	vst v8  }
0x3f2: {  	v8 =	vld [tilespmem:s30+$0x220];
	[tilespmem:s13+$0x4C0] =	vst v9  }
0x3f3: {  	s21 =	spop (v2sf);
	[tilespmem:s17+$0xC0] =	vst v10;
	v9 =	vld [tilespmem:s22+$0x250]  }
0x3f4: {  	(v2sf) =	vpush v1, $0xA;
	s28 =	spop (v2sf);
	v10 =	vld [tilespmem:s29+$0x250]  }
0x3f5: {  	(v2sf) =	vpush v5, $0x2;
	s1 =	sand.u32 $0xFFFFFF80, s28;
	[tilespmem:s15+$0x370] =	vst v3  }
0x3f6: {  	v3 =	vld [tilespmem:s1+$0x200];
	[tilespmem:s12+$0x620] =	vst v7  }
0x3f7: {  	v7 =	vld [tilespmem:s25+$0x230];
	[tilespmem:s16+$0x220] =	vst v8  }
0x3f8: {  	v8 =	vld [tilespmem:s30+$0x230];
	[tilespmem:s13+$0x4D0] =	vst v9  }
0x3f9: {  	[tilespmem:s17+$0xD0] =	vst v10;
	v9 =	vld [tilespmem:s22+$0x260]  }
0x3fa: {  	v10 =	vld [tilespmem:s29+$0x260]  }
0x3fb: {  	[tilespmem:s15+$0x380] =	vst v3  }
0x3fc: {  	v3 =	vld [tilespmem:s28+$0x210];
	[tilespmem:s12+$0x630] =	vst v7  }
0x3fd: {  	v7 =	vld [tilespmem:s25+$0x240];
	[tilespmem:s16+$0x230] =	vst v8  }
0x3fe: {  	v8 =	vld [tilespmem:s30+$0x240];
	[tilespmem:s13+$0x4E0] =	vst v9  }
0x3ff: {  	[tilespmem:s17+$0xE0] =	vst v10;
	v9 =	vld [tilespmem:s22+$0x270]  }
0x400: {  	v10 =	vld [tilespmem:s29+$0x270]  }
0x401: {  	[tilespmem:s15+$0x390] =	vst v3  }
0x402: {  	v3 =	vld [tilespmem:s28+$0x220];
	[tilespmem:s12+$0x640] =	vst v7  }
0x403: {  	s26 =	spop (v2sf);
	v7 =	vld [tilespmem:s25+$0x250];
	[tilespmem:s16+$0x240] =	vst v8  }
0x404: {  	(v2sf) =	vpush v0, $0xD;
	s0 =	sand.u32 $0xFFFFFF80, s26;
	s1 =	spop (v2sf);
	v8 =	vld [tilespmem:s30+$0x250];
	[tilespmem:s13+$0x4F0] =	vst v9  }
0x405: {  	(v2sf) =	vpush v2, $0x5;
	s29 =	sand.u32 $0xFFFFFF80, s1;
	[tilespmem:s17+$0xF0] =	vst v10;
	v9 =	vld [tilespmem:s0+$0x200]  }
0x406: {  	v10 =	vld [tilespmem:s29+$0x200]  }
0x407: {  	[tilespmem:s15+$0x3A0] =	vst v3  }
0x408: {  	v3 =	vld [tilespmem:s28+$0x230];
	[tilespmem:s12+$0x650] =	vst v7  }
0x409: {  	v7 =	vld [tilespmem:s25+$0x260];
	[tilespmem:s16+$0x250] =	vst v8  }
0x40a: {  	v8 =	vld [tilespmem:s30+$0x260];
	[tilespmem:s13+$0x500] =	vst v9  }
0x40b: {  	[tilespmem:s17+$0x100] =	vst v10;
	v9 =	vld [tilespmem:s26+$0x210]  }
0x40c: {  	v10 =	vld [tilespmem:s1+$0x210]  }
0x40d: {  	[tilespmem:s15+$0x3B0] =	vst v3  }
0x40e: {  	v3 =	vld [tilespmem:s28+$0x240];
	[tilespmem:s12+$0x660] =	vst v7  }
0x40f: {  	v7 =	vld [tilespmem:s25+$0x270];
	[tilespmem:s16+$0x260] =	vst v8  }
0x410: {  	v8 =	vld [tilespmem:s30+$0x270];
	[tilespmem:s13+$0x510] =	vst v9  }
0x411: {  	[tilespmem:s17+$0x110] =	vst v10;
	v9 =	vld [tilespmem:s26+$0x220]  }
0x412: {  	v10 =	vld [tilespmem:s1+$0x220]  }
0x413: {  	s25 =	spop (v2sf);
	[tilespmem:s15+$0x3C0] =	vst v3  }
0x414: {  	s24 =	spop (v2sf);
	s30 =	sand.u32 $0xFFFFFF80, s25;
	v3 =	vld [tilespmem:s28+$0x250];
	[tilespmem:s12+$0x670] =	vst v7  }
0x415: {  	(v2sf) =	vpush v4, $0x8;
	s31 =	sand.u32 $0xFFFFFF80, s24;
	v7 =	vld [tilespmem:s30+$0x200];
	[tilespmem:s16+$0x270] =	vst v8  }
0x416: {  	v8 =	vld [tilespmem:s31+$0x200];
	[tilespmem:s13+$0x520] =	vst v9  }
0x417: {  	[tilespmem:s17+$0x120] =	vst v10;
	v9 =	vld [tilespmem:s26+$0x230]  }
0x418: {  	v10 =	vld [tilespmem:s1+$0x230]  }
0x419: {  	[tilespmem:s15+$0x3D0] =	vst v3  }
0x41a: {  	v3 =	vld [tilespmem:s28+$0x260];
	[tilespmem:s12+$0x680] =	vst v7  }
0x41b: {  	v7 =	vld [tilespmem:s25+$0x210];
	[tilespmem:s16+$0x280] =	vst v8  }
0x41c: {  	v8 =	vld [tilespmem:s24+$0x210];
	[tilespmem:s13+$0x530] =	vst v9  }
0x41d: {  	[tilespmem:s17+$0x130] =	vst v10;
	v9 =	vld [tilespmem:s26+$0x240]  }
0x41e: {  	[tilespmem:s14+$0x6B0] =	vst v6;
	v44 =	vld [tilespmem:s1+$0x240]  }
0x41f: {  	v45 =	vld [tilespmem:s20+$0x240];
	[tilespmem:s15+$0x3E0] =	vst v3  }
0x420: {  	v3 =	vld [tilespmem:s28+$0x270];
	[tilespmem:s12+$0x690] =	vst v7  }
0x421: {  	v7 =	vld [tilespmem:s25+$0x220];
	[tilespmem:s16+$0x290] =	vst v8  }
0x422: {  	[tilespmem:s13+$0x540] =	vst v9;
	v8 =	vld [tilespmem:s24+$0x220]  }
0x423: {  	[tilespmem:s17+$0x140] =	vst v44;
	v46 =	vld [tilespmem:s26+$0x250]  }
0x424: {  	[tilespmem:s14+$0x6C0] =	vst v45;
	(v2sf) =	vpush v1, $0xB;
	s22 =	spop (v2sf);
	v47 =	vld [tilespmem:s1+$0x250]  }
0x425: {  	(v2sf) =	vpush v5, $0x3;
	s0 =	sand.u32 $0xFFFFFF80, s22;
	v10 =	vld [tilespmem:s20+$0x250];
	[tilespmem:s15+$0x3F0] =	vst v3  }
0x426: {  	v3 =	vld [tilespmem:s0+$0x200];
	[tilespmem:s12+$0x6A0] =	vst v7  }
0x427: {  	v7 =	vld [tilespmem:s25+$0x230];
	[tilespmem:s16+$0x2A0] =	vst v8  }
0x428: {  	v8 =	vld [tilespmem:s24+$0x230];
	[tilespmem:s13+$0x550] =	vst v46  }
0x429: {  	[tilespmem:s17+$0x150] =	vst v47;
	v6 =	vld [tilespmem:s26+$0x260]  }
0x42a: {  	[tilespmem:s14+$0x6D0] =	vst v10;
	v9 =	vld [tilespmem:s1+$0x260]  }
0x42b: {  	v10 =	vld [tilespmem:s20+$0x260];
	[tilespmem:s15+$0x400] =	vst v3  }
0x42c: {  	v3 =	vld [tilespmem:s22+$0x210];
	[tilespmem:s12+$0x6B0] =	vst v7  }
0x42d: {  	v7 =	vld [tilespmem:s25+$0x240];
	[tilespmem:s16+$0x2B0] =	vst v8  }
0x42e: {  	v8 =	vld [tilespmem:s24+$0x240];
	[tilespmem:s13+$0x560] =	vst v6  }
0x42f: {  	[tilespmem:s17+$0x160] =	vst v9;
	v6 =	vld [tilespmem:s26+$0x270]  }
0x430: {  	[tilespmem:s14+$0x6E0] =	vst v10;
	v9 =	vld [tilespmem:s1+$0x270]  }
0x431: {  	v10 =	vld [tilespmem:s20+$0x270];
	[tilespmem:s15+$0x410] =	vst v3  }
0x432: {  	v3 =	vld [tilespmem:s22+$0x220];
	[tilespmem:s12+$0x6C0] =	vst v7  }
0x433: {  	s20 =	spop (v2sf);
	v7 =	vld [tilespmem:s25+$0x250];
	[tilespmem:s16+$0x2C0] =	vst v8  }
0x434: {  	(v2sf) =	vpush v0, $0xE;
	s23 =	spop (v2sf);
	s1 =	sand.u32 $0xFFFFFF80, s20;
	v8 =	vld [tilespmem:s24+$0x250];
	[tilespmem:s13+$0x570] =	vst v6  }
0x435: {  	(v2sf) =	vpush v2, $0x6;
	s29 =	sand.u32 $0xFFFFFF80, s23;
	[tilespmem:s17+$0x170] =	vst v9;
	v6 =	vld [tilespmem:s1+$0x200]  }
0x436: {  	s30 =	sand.u32 $0xFFFFFF80, s18;
	[tilespmem:s14+$0x6F0] =	vst v10;
	v9 =	vld [tilespmem:s29+$0x200]  }
0x437: {  	v10 =	vld [tilespmem:s30+$0x200];
	[tilespmem:s15+$0x420] =	vst v3  }
0x438: {  	v3 =	vld [tilespmem:s22+$0x230];
	[tilespmem:s12+$0x6D0] =	vst v7  }
0x439: {  	v7 =	vld [tilespmem:s25+$0x260];
	[tilespmem:s16+$0x2D0] =	vst v8  }
0x43a: {  	v8 =	vld [tilespmem:s24+$0x260];
	[tilespmem:s13+$0x580] =	vst v6  }
0x43b: {  	[tilespmem:s17+$0x180] =	vst v9;
	v6 =	vld [tilespmem:s20+$0x210]  }
0x43c: {  	[tilespmem:s14+$0x700] =	vst v10;
	v9 =	vld [tilespmem:s23+$0x210]  }
0x43d: {  	v10 =	vld [tilespmem:s18+$0x210];
	[tilespmem:s15+$0x430] =	vst v3  }
0x43e: {  	v3 =	vld [tilespmem:s22+$0x240];
	[tilespmem:s12+$0x6E0] =	vst v7  }
0x43f: {  	v7 =	vld [tilespmem:s25+$0x270];
	[tilespmem:s16+$0x2E0] =	vst v8  }
0x440: {  	v8 =	vld [tilespmem:s24+$0x270];
	[tilespmem:s13+$0x590] =	vst v6  }
0x441: {  	[tilespmem:s17+$0x190] =	vst v9;
	v6 =	vld [tilespmem:s20+$0x220]  }
0x442: {  	[tilespmem:s14+$0x710] =	vst v10;
	v9 =	vld [tilespmem:s23+$0x220]  }
0x443: {  	v10 =	vld [tilespmem:s18+$0x220];
	s25 =	spop (v2sf);
	[tilespmem:s15+$0x440] =	vst v3  }
0x444: {  	s31 =	sand.u32 $0xFFFFFF80, s25;
	s26 =	spop (v2sf);
	v3 =	vld [tilespmem:s22+$0x250];
	[tilespmem:s12+$0x6F0] =	vst v7  }
0x445: {  	(v2sf) =	vpush v4, $0x9;
	s0 =	sand.u32 $0xFFFFFF80, s26;
	v7 =	vld [tilespmem:s31+$0x200];
	[tilespmem:s16+$0x2F0] =	vst v8  }
0x446: {  	v8 =	vld [tilespmem:s0+$0x200];
	[tilespmem:s13+$0x5A0] =	vst v6  }
0x447: {  	[tilespmem:s17+$0x1A0] =	vst v9;
	v6 =	vld [tilespmem:s20+$0x230]  }
0x448: {  	[tilespmem:s14+$0x720] =	vst v10;
	v9 =	vld [tilespmem:s23+$0x230]  }
0x449: {  	v10 =	vld [tilespmem:s18+$0x230];
	[tilespmem:s15+$0x450] =	vst v3  }
0x44a: {  	v3 =	vld [tilespmem:s22+$0x260];
	[tilespmem:s12+$0x700] =	vst v7  }
0x44b: {  	v7 =	vld [tilespmem:s25+$0x210];
	[tilespmem:s16+$0x300] =	vst v8  }
0x44c: {  	v8 =	vld [tilespmem:s26+$0x210];
	[tilespmem:s13+$0x5B0] =	vst v6  }
0x44d: {  	[tilespmem:s17+$0x1B0] =	vst v9;
	v6 =	vld [tilespmem:s20+$0x240]  }
0x44e: {  	[tilespmem:s14+$0x730] =	vst v10;
	v9 =	vld [tilespmem:s23+$0x240]  }
0x44f: {  	v10 =	vld [tilespmem:s18+$0x240];
	[tilespmem:s15+$0x460] =	vst v3  }
0x450: {  	v3 =	vld [tilespmem:s22+$0x270];
	[tilespmem:s12+$0x710] =	vst v7  }
0x451: {  	v7 =	vld [tilespmem:s25+$0x220];
	[tilespmem:s16+$0x310] =	vst v8  }
0x452: {  	v8 =	vld [tilespmem:s26+$0x220];
	[tilespmem:s13+$0x5C0] =	vst v6  }
0x453: {  	[tilespmem:s17+$0x1C0] =	vst v9;
	v6 =	vld [tilespmem:s20+$0x250]  }
0x454: {  	(v2sf) =	vpush v1, $0xC;
	s24 =	spop (v2sf);
	[tilespmem:s14+$0x740] =	vst v10;
	v9 =	vld [tilespmem:s23+$0x250]  }
0x455: {  	(v2sf) =	vpush v5, $0x4;
	s1 =	sand.u32 $0xFFFFFF80, s24;
	v10 =	vld [tilespmem:s18+$0x250];
	[tilespmem:s15+$0x470] =	vst v3  }
0x456: {  	v3 =	vld [tilespmem:s1+$0x200];
	[tilespmem:s12+$0x720] =	vst v7  }
0x457: {  	v7 =	vld [tilespmem:s25+$0x230];
	[tilespmem:s16+$0x320] =	vst v8  }
0x458: {  	v8 =	vld [tilespmem:s26+$0x230];
	[tilespmem:s13+$0x5D0] =	vst v6  }
0x459: {  	[tilespmem:s17+$0x1D0] =	vst v9;
	v6 =	vld [tilespmem:s20+$0x260]  }
0x45a: {  	[tilespmem:s14+$0x750] =	vst v10;
	v9 =	vld [tilespmem:s23+$0x260]  }
0x45b: {  	v10 =	vld [tilespmem:s18+$0x260];
	[tilespmem:s15+$0x480] =	vst v3  }
0x45c: {  	v3 =	vld [tilespmem:s24+$0x210];
	[tilespmem:s12+$0x730] =	vst v7  }
0x45d: {  	v7 =	vld [tilespmem:s25+$0x240];
	[tilespmem:s16+$0x330] =	vst v8  }
0x45e: {  	v8 =	vld [tilespmem:s26+$0x240];
	[tilespmem:s13+$0x5E0] =	vst v6  }
0x45f: {  	[tilespmem:s17+$0x1E0] =	vst v9;
	v6 =	vld [tilespmem:s20+$0x270]  }
0x460: {  	[tilespmem:s14+$0x760] =	vst v10;
	v9 =	vld [tilespmem:s23+$0x270]  }
0x461: {  	v10 =	vld [tilespmem:s18+$0x270];
	[tilespmem:s15+$0x490] =	vst v3  }
0x462: {  	v3 =	vld [tilespmem:s24+$0x220];
	[tilespmem:s12+$0x740] =	vst v7  }
0x463: {  	s23 =	spop (v2sf);
	v7 =	vld [tilespmem:s25+$0x250];
	[tilespmem:s16+$0x340] =	vst v8  }
0x464: {  	(v2sf) =	vpush v0, $0xF;
	s28 =	spop (v2sf);
	s29 =	sand.u32 $0xFFFFFF80, s23;
	v48 =	vld [tilespmem:s26+$0x250];
	[tilespmem:s13+$0x5F0] =	vst v6  }
0x465: {  	(v2sf) =	vpush v2, $0x7;
	s30 =	sand.u32 $0xFFFFFF80, s28;
	[tilespmem:s17+$0x1F0] =	vst v9;
	v6 =	vld [tilespmem:s29+$0x200]  }
0x466: {  	s31 =	sand.u32 $0xFFFFFF80, s21;
	[tilespmem:s14+$0x770] =	vst v10;
	v49 =	vld [tilespmem:s30+$0x200]  }
0x467: {  	v50 =	vld [tilespmem:s31+$0x200];
	[tilespmem:s15+$0x4A0] =	vst v3  }
0x468: {  	v3 =	vld [tilespmem:s24+$0x230];
	[tilespmem:s12+$0x750] =	vst v7  }
0x469: {  	v7 =	vld [tilespmem:s25+$0x260];
	[tilespmem:s16+$0x350] =	vst v48  }
0x46a: {  	v0 =	vld [tilespmem:s26+$0x260];
	[tilespmem:s13+$0x600] =	vst v6  }
0x46b: {  	[tilespmem:s17+$0x200] =	vst v49;
	v6 =	vld [tilespmem:s23+$0x210]  }
0x46c: {  	[tilespmem:s14+$0x780] =	vst v50;
	v8 =	vld [tilespmem:s28+$0x210]  }
0x46d: {  	v9 =	vld [tilespmem:s21+$0x210];
	[tilespmem:s15+$0x4B0] =	vst v3  }
0x46e: {  	v3 =	vld [tilespmem:s24+$0x240];
	[tilespmem:s12+$0x760] =	vst v7  }
0x46f: {  	v7 =	vld [tilespmem:s25+$0x270];
	[tilespmem:s16+$0x360] =	vst v0  }
0x470: {  	v0 =	vld [tilespmem:s26+$0x270];
	[tilespmem:s13+$0x610] =	vst v6  }
0x471: {  	[tilespmem:s17+$0x210] =	vst v8;
	v6 =	vld [tilespmem:s23+$0x220]  }
0x472: {  	[tilespmem:s14+$0x790] =	vst v9;
	v8 =	vld [tilespmem:s28+$0x220]  }
0x473: {  	v9 =	vld [tilespmem:s21+$0x220];
	s18 =	spop (v2sf);
	[tilespmem:s15+$0x4C0] =	vst v3  }
0x474: {  	s0 =	sand.u32 $0xFFFFFF80, s18;
	s22 =	spop (v2sf);
	v3 =	vld [tilespmem:s24+$0x250];
	[tilespmem:s12+$0x770] =	vst v7  }
0x475: {  	(v2sf) =	vpush v4, $0xA;
	s1 =	sand.u32 $0xFFFFFF80, s22;
	v7 =	vld [tilespmem:s0+$0x200];
	[tilespmem:s16+$0x370] =	vst v0  }
0x476: {  	v0 =	vld [tilespmem:s1+$0x200];
	[tilespmem:s13+$0x620] =	vst v6  }
0x477: {  	[tilespmem:s17+$0x220] =	vst v8;
	v6 =	vld [tilespmem:s23+$0x230]  }
0x478: {  	[tilespmem:s14+$0x7A0] =	vst v9;
	v8 =	vld [tilespmem:s28+$0x230]  }
0x479: {  	v9 =	vld [tilespmem:s21+$0x230];
	[tilespmem:s15+$0x4D0] =	vst v3  }
0x47a: {  	v3 =	vld [tilespmem:s24+$0x260];
	[tilespmem:s12+$0x780] =	vst v7  }
0x47b: {  	v7 =	vld [tilespmem:s18+$0x210];
	[tilespmem:s16+$0x380] =	vst v0  }
0x47c: {  	v0 =	vld [tilespmem:s22+$0x210];
	[tilespmem:s13+$0x630] =	vst v6  }
0x47d: {  	[tilespmem:s17+$0x230] =	vst v8;
	v6 =	vld [tilespmem:s23+$0x240]  }
0x47e: {  	[tilespmem:s14+$0x7B0] =	vst v9;
	v8 =	vld [tilespmem:s28+$0x240]  }
0x47f: {  	v9 =	vld [tilespmem:s21+$0x240];
	[tilespmem:s15+$0x4E0] =	vst v3  }
0x480: {  	v3 =	vld [tilespmem:s24+$0x270];
	[tilespmem:s12+$0x790] =	vst v7  }
0x481: {  	v7 =	vld [tilespmem:s18+$0x220];
	[tilespmem:s16+$0x390] =	vst v0  }
0x482: {  	v0 =	vld [tilespmem:s22+$0x220];
	[tilespmem:s13+$0x640] =	vst v6  }
0x483: {  	[tilespmem:s17+$0x240] =	vst v8;
	v6 =	vld [tilespmem:s23+$0x250]  }
0x484: {  	(v2sf) =	vpush v1, $0xD;
	s26 =	spop (v2sf);
	[tilespmem:s14+$0x7C0] =	vst v9;
	v8 =	vld [tilespmem:s28+$0x250]  }
0x485: {  	(v2sf) =	vpush v5, $0x5;
	s25 =	sand.u32 $0xFFFFFF80, s26;
	v9 =	vld [tilespmem:s21+$0x250];
	[tilespmem:s15+$0x4F0] =	vst v3  }
0x486: {  	v3 =	vld [tilespmem:s25+$0x200];
	[tilespmem:s12+$0x7A0] =	vst v7  }
0x487: {  	v7 =	vld [tilespmem:s18+$0x230];
	[tilespmem:s16+$0x3A0] =	vst v0  }
0x488: {  	v0 =	vld [tilespmem:s22+$0x230];
	[tilespmem:s13+$0x650] =	vst v6  }
0x489: {  	[tilespmem:s17+$0x250] =	vst v8;
	v6 =	vld [tilespmem:s23+$0x260]  }
0x48a: {  	[tilespmem:s14+$0x7D0] =	vst v9;
	v8 =	vld [tilespmem:s28+$0x260]  }
0x48b: {  	v9 =	vld [tilespmem:s21+$0x260];
	[tilespmem:s15+$0x500] =	vst v3  }
0x48c: {  	v3 =	vld [tilespmem:s26+$0x210];
	[tilespmem:s12+$0x7B0] =	vst v7  }
0x48d: {  	v7 =	vld [tilespmem:s18+$0x240];
	[tilespmem:s16+$0x3B0] =	vst v0  }
0x48e: {  	v0 =	vld [tilespmem:s22+$0x240];
	[tilespmem:s13+$0x660] =	vst v6  }
0x48f: {  	[tilespmem:s17+$0x260] =	vst v8;
	v6 =	vld [tilespmem:s23+$0x270]  }
0x490: {  	[tilespmem:s14+$0x7E0] =	vst v9;
	v8 =	vld [tilespmem:s28+$0x270]  }
0x491: {  	v9 =	vld [tilespmem:s21+$0x270];
	[tilespmem:s15+$0x510] =	vst v3  }
0x492: {  	v3 =	vld [tilespmem:s26+$0x220];
	[tilespmem:s12+$0x7C0] =	vst v7  }
0x493: {  	s21 =	spop (v2sf);
	v7 =	vld [tilespmem:s18+$0x250];
	[tilespmem:s16+$0x3C0] =	vst v0  }
0x494: {  	s29 =	sand.u32 $0xFFFFFF80, s21;
	s28 =	spop (v2sf);
	v51 =	vld [tilespmem:s22+$0x250];
	[tilespmem:s13+$0x670] =	vst v6  }
0x495: {  	s30 =	sand.u32 $0xFFFFFF80, s28;
	[tilespmem:s17+$0x270] =	vst v8;
	v6 =	vld [tilespmem:s29+$0x200]  }
0x496: {  	[tilespmem:s14+$0x7F0] =	vst v9;
	v8 =	vld [tilespmem:s30+$0x200]  }
0x497: {  	[tilespmem:s15+$0x520] =	vst v3  }
0x498: {  	[tilespmem:s12+$0x7D0] =	vst v7  }
0x499: {  	v3 =	vld [tilespmem:s26+$0x230];
	[tilespmem:s16+$0x3D0] =	vst v51  }
0x49a: {  	s19 =	sadd.s32 $0x100, s19;
	v52 =	vld [tilespmem:s18+$0x260];
	[tilespmem:s13+$0x680] =	vst v6  }
0x49b: {  	(v2sf) =	vpush v2, $0x8;
	[hbm4b:s19+s2] =	stream.linear.scatter [tilespmem:s14], [sflag:$0x3], $0x800, $0x38;
	v53 =	vld [tilespmem:s22+$0x260];
	[tilespmem:s17+$0x280] =	vst v8  }
0x49c: {  	v54 =	vld [tilespmem:s28+$0x210];
	_ =	sdelay $0x4  }
0x49d: {  	[tilespmem:s17+$0x290] =	vst v54  }
0x49e: {  	v6 =	vld [tilespmem:s28+$0x220];
	_ =	sdelay $0x4  }
0x49f: {  	[tilespmem:s17+$0x2A0] =	vst v6  }
0x4a0: {  	v6 =	vld [tilespmem:s28+$0x230];
	_ =	sdelay $0x4  }
0x4a1: {  	[tilespmem:s17+$0x2B0] =	vst v6  }
0x4a2: {  	v6 =	vld [tilespmem:s28+$0x240];
	_ =	sdelay $0x4  }
0x4a3: {  	(v2sf) =	vpush v4, $0xB;
	[tilespmem:s17+$0x2C0] =	vst v6  }
0x4a4: {  	(v2sf) =	vpush v1, $0xE;
	v6 =	vld [tilespmem:s28+$0x250]  }
0x4a5: {  	(v2sf) =	vpush v5, $0x6;
	_ =	sdelay $0x3  }
0x4a6: {  	[tilespmem:s17+$0x2D0] =	vst v6  }
0x4a7: {  	v6 =	vld [tilespmem:s28+$0x260];
	_ =	sdelay $0x4  }
0x4a8: {  	[tilespmem:s17+$0x2E0] =	vst v6  }
0x4a9: {  	v6 =	vld [tilespmem:s28+$0x270]  }
0x4aa: {  	s23 =	spop (v2sf)  }
0x4ab: {  	s28 =	spop (v2sf)  }
0x4ac: {  	s20 =	spop (v2sf)  }
0x4ad: {  	s31 =	spop (v2sf)  }
0x4ae: {  	s0 =	sand.u32 $0xFFFFFF80, s31;
	[tilespmem:s17+$0x2F0] =	vst v6  }
0x4af: {  	v6 =	vld [tilespmem:s0+$0x200];
	_ =	sdelay $0x4  }
0x4b0: {  	[tilespmem:s17+$0x300] =	vst v6  }
0x4b1: {  	v6 =	vld [tilespmem:s31+$0x210];
	_ =	sdelay $0x4  }
0x4b2: {  	[tilespmem:s17+$0x310] =	vst v6  }
0x4b3: {  	v6 =	vld [tilespmem:s31+$0x220];
	_ =	sdelay $0x4  }
0x4b4: {  	[tilespmem:s17+$0x320] =	vst v6  }
0x4b5: {  	v6 =	vld [tilespmem:s31+$0x230];
	_ =	sdelay $0x4  }
0x4b6: {  	[tilespmem:s17+$0x330] =	vst v6  }
0x4b7: {  	v6 =	vld [tilespmem:s31+$0x240];
	_ =	sdelay $0x3  }
0x4b8: {  	(v2sf) =	vpush v2, $0x9  }
0x4b9: {  	(v2sf) =	vpush v4, $0xC;
	[tilespmem:s17+$0x340] =	vst v6  }
0x4ba: {  	(v2sf) =	vpush v1, $0xF;
	v55 =	vld [tilespmem:s31+$0x250]  }
0x4bb: {  	(v2sf) =	vpush v5, $0x7;
	_ =	sdelay $0x3  }
0x4bc: {  	[tilespmem:s17+$0x350] =	vst v55  }
0x4bd: {  	v1 =	vld [tilespmem:s31+$0x260];
	_ =	sdelay $0x4  }
0x4be: {  	[tilespmem:s17+$0x360] =	vst v1  }
0x4bf: {  	v1 =	vld [tilespmem:s31+$0x270]  }
0x4c0: {  	s30 =	spop (v2sf)  }
0x4c1: {  	s25 =	spop (v2sf)  }
0x4c2: {  	s14 =	spop (v2sf)  }
0x4c3: {  	s1 =	spop (v2sf)  }
0x4c4: {  	s31 =	sand.u32 $0xFFFFFF80, s1;
	[tilespmem:s17+$0x370] =	vst v1  }
0x4c5: {  	v1 =	vld [tilespmem:s31+$0x200];
	_ =	sdelay $0x4  }
0x4c6: {  	[tilespmem:s17+$0x380] =	vst v1  }
0x4c7: {  	v1 =	vld [tilespmem:s1+$0x210];
	_ =	sdelay $0x4  }
0x4c8: {  	[tilespmem:s17+$0x390] =	vst v1  }
0x4c9: {  	v1 =	vld [tilespmem:s1+$0x220];
	_ =	sdelay $0x4  }
0x4ca: {  	[tilespmem:s17+$0x3A0] =	vst v1  }
0x4cb: {  	v1 =	vld [tilespmem:s1+$0x230];
	_ =	sdelay $0x4  }
0x4cc: {  	[tilespmem:s17+$0x3B0] =	vst v1  }
0x4cd: {  	v1 =	vld [tilespmem:s1+$0x240];
	_ =	sdelay $0x4  }
0x4ce: {  	(v2sf) =	vpush v2, $0xA;
	[tilespmem:s17+$0x3C0] =	vst v1  }
0x4cf: {  	(v2sf) =	vpush v4, $0xD;
	v1 =	vld [tilespmem:s1+$0x250]  }
0x4d0: {  	(v2sf) =	vpush v5, $0x8;
	_ =	sdelay $0x3  }
0x4d1: {  	[tilespmem:s17+$0x3D0] =	vst v1  }
0x4d2: {  	v1 =	vld [tilespmem:s1+$0x260];
	_ =	sdelay $0x2  }
0x4d3: {  	[tilespmem:s16+$0x3E0] =	vst v53  }
0x4d4: {  	v56 =	vld [tilespmem:s22+$0x270]  }
0x4d5: {  	[tilespmem:s17+$0x3E0] =	vst v1  }
0x4d6: {  	v1 =	vld [tilespmem:s1+$0x270];
	_ =	sdelay $0x1  }
0x4d7: {  	s29 =	spop (v2sf)  }
0x4d8: {  	[tilespmem:s16+$0x3F0] =	vst v56;
	s0 =	sand.u32 $0xFFFFFF80, s23;
	s24 =	spop (v2sf)  }
0x4d9: {  	v6 =	vld [tilespmem:s0+$0x200];
	s1 =	spop (v2sf)  }
0x4da: {  	s31 =	sand.u32 $0xFFFFFF80, s1;
	[tilespmem:s17+$0x3F0] =	vst v1  }
0x4db: {  	v1 =	vld [tilespmem:s31+$0x200];
	_ =	sdelay $0x2  }
0x4dc: {  	[tilespmem:s16+$0x400] =	vst v6  }
0x4dd: {  	v6 =	vld [tilespmem:s23+$0x210]  }
0x4de: {  	[tilespmem:s17+$0x400] =	vst v1  }
0x4df: {  	v1 =	vld [tilespmem:s1+$0x210];
	_ =	sdelay $0x2  }
0x4e0: {  	[tilespmem:s16+$0x410] =	vst v6  }
0x4e1: {  	v6 =	vld [tilespmem:s23+$0x220]  }
0x4e2: {  	[tilespmem:s17+$0x410] =	vst v1  }
0x4e3: {  	v1 =	vld [tilespmem:s1+$0x220];
	_ =	sdelay $0x2  }
0x4e4: {  	[tilespmem:s16+$0x420] =	vst v6  }
0x4e5: {  	v6 =	vld [tilespmem:s23+$0x230]  }
0x4e6: {  	[tilespmem:s17+$0x420] =	vst v1  }
0x4e7: {  	v1 =	vld [tilespmem:s1+$0x230];
	_ =	sdelay $0x2  }
0x4e8: {  	[tilespmem:s16+$0x430] =	vst v6  }
0x4e9: {  	v6 =	vld [tilespmem:s23+$0x240]  }
0x4ea: {  	[tilespmem:s17+$0x430] =	vst v1  }
0x4eb: {  	v1 =	vld [tilespmem:s1+$0x240];
	_ =	sdelay $0x2  }
0x4ec: {  	[tilespmem:s16+$0x440] =	vst v6  }
0x4ed: {  	v6 =	vld [tilespmem:s23+$0x250]  }
0x4ee: {  	(v2sf) =	vpush v2, $0xB;
	[tilespmem:s17+$0x440] =	vst v1  }
0x4ef: {  	(v2sf) =	vpush v4, $0xE;
	v1 =	vld [tilespmem:s1+$0x250]  }
0x4f0: {  	(v2sf) =	vpush v5, $0x9;
	_ =	sdelay $0x1  }
0x4f1: {  	[tilespmem:s16+$0x450] =	vst v6  }
0x4f2: {  	v6 =	vld [tilespmem:s23+$0x260]  }
0x4f3: {  	[tilespmem:s17+$0x450] =	vst v1  }
0x4f4: {  	v1 =	vld [tilespmem:s1+$0x260];
	_ =	sdelay $0x2  }
0x4f5: {  	[tilespmem:s16+$0x460] =	vst v6  }
0x4f6: {  	v6 =	vld [tilespmem:s23+$0x270]  }
0x4f7: {  	[tilespmem:s17+$0x460] =	vst v1  }
0x4f8: {  	v1 =	vld [tilespmem:s1+$0x270];
	_ =	sdelay $0x1  }
0x4f9: {  	s31 =	spop (v2sf)  }
0x4fa: {  	s0 =	sand.u32 $0xFFFFFF80, s30;
	[tilespmem:s16+$0x470] =	vst v6;
	s23 =	spop (v2sf)  }
0x4fb: {  	v6 =	vld [tilespmem:s0+$0x200];
	s1 =	spop (v2sf)  }
0x4fc: {  	s0 =	sand.u32 $0xFFFFFF80, s1;
	[tilespmem:s17+$0x470] =	vst v1  }
0x4fd: {  	v1 =	vld [tilespmem:s0+$0x200];
	_ =	sdelay $0x2  }
0x4fe: {  	[tilespmem:s16+$0x480] =	vst v6  }
0x4ff: {  	v6 =	vld [tilespmem:s30+$0x210]  }
0x500: {  	[tilespmem:s17+$0x480] =	vst v1  }
0x501: {  	v1 =	vld [tilespmem:s1+$0x210];
	_ =	sdelay $0x2  }
0x502: {  	[tilespmem:s16+$0x490] =	vst v6  }
0x503: {  	v6 =	vld [tilespmem:s30+$0x220]  }
0x504: {  	[tilespmem:s17+$0x490] =	vst v1  }
0x505: {  	v1 =	vld [tilespmem:s1+$0x220];
	_ =	sdelay $0x2  }
0x506: {  	[tilespmem:s16+$0x4A0] =	vst v6  }
0x507: {  	v6 =	vld [tilespmem:s30+$0x230]  }
0x508: {  	[tilespmem:s17+$0x4A0] =	vst v1  }
0x509: {  	v1 =	vld [tilespmem:s1+$0x230];
	_ =	sdelay $0x2  }
0x50a: {  	[tilespmem:s16+$0x4B0] =	vst v6  }
0x50b: {  	v6 =	vld [tilespmem:s30+$0x240]  }
0x50c: {  	[tilespmem:s17+$0x4B0] =	vst v1  }
0x50d: {  	v1 =	vld [tilespmem:s1+$0x240];
	_ =	sdelay $0x2  }
0x50e: {  	[tilespmem:s16+$0x4C0] =	vst v6  }
0x50f: {  	v6 =	vld [tilespmem:s30+$0x250]  }
0x510: {  	(v2sf) =	vpush v2, $0xC;
	[tilespmem:s17+$0x4C0] =	vst v1  }
0x511: {  	(v2sf) =	vpush v4, $0xF;
	v1 =	vld [tilespmem:s1+$0x250]  }
0x512: {  	(v2sf) =	vpush v5, $0xA;
	_ =	sdelay $0x1  }
0x513: {  	[tilespmem:s16+$0x4D0] =	vst v6  }
0x514: {  	v57 =	vld [tilespmem:s30+$0x260]  }
0x515: {  	[tilespmem:s17+$0x4D0] =	vst v1  }
0x516: {  	v1 =	vld [tilespmem:s1+$0x260];
	_ =	sdelay $0x2  }
0x517: {  	[tilespmem:s16+$0x4E0] =	vst v57  }
0x518: {  	v4 =	vld [tilespmem:s30+$0x270]  }
0x519: {  	[tilespmem:s17+$0x4E0] =	vst v1  }
0x51a: {  	v1 =	vld [tilespmem:s1+$0x270];
	_ =	sdelay $0x1  }
0x51b: {  	s30 =	spop (v2sf)  }
0x51c: {  	[tilespmem:s16+$0x4F0] =	vst v4;
	s22 =	spop (v2sf);
	s1 =	sand.u32 $0xFFFFFF80, s29  }
0x51d: {  	s0 =	spop (v2sf);
	v4 =	vld [tilespmem:s1+$0x200]  }
0x51e: {  	s1 =	sand.u32 $0xFFFFFF80, s0;
	[tilespmem:s17+$0x4F0] =	vst v1  }
0x51f: {  	v1 =	vld [tilespmem:s1+$0x200];
	_ =	sdelay $0x2  }
0x520: {  	[tilespmem:s16+$0x500] =	vst v4  }
0x521: {  	v4 =	vld [tilespmem:s29+$0x210]  }
0x522: {  	[tilespmem:s17+$0x500] =	vst v1  }
0x523: {  	v1 =	vld [tilespmem:s0+$0x210];
	_ =	sdelay $0x2  }
0x524: {  	[tilespmem:s16+$0x510] =	vst v4  }
0x525: {  	v4 =	vld [tilespmem:s29+$0x220]  }
0x526: {  	[tilespmem:s17+$0x510] =	vst v1  }
0x527: {  	v1 =	vld [tilespmem:s0+$0x220];
	_ =	sdelay $0x2  }
0x528: {  	[tilespmem:s16+$0x520] =	vst v4  }
0x529: {  	v4 =	vld [tilespmem:s29+$0x230]  }
0x52a: {  	[tilespmem:s17+$0x520] =	vst v1  }
0x52b: {  	v1 =	vld [tilespmem:s0+$0x230]  }
0x52c: {  	[tilespmem:s15+$0x530] =	vst v3  }
0x52d: {  	v3 =	vld [tilespmem:s26+$0x240]  }
0x52e: {  	[tilespmem:s16+$0x530] =	vst v4  }
0x52f: {  	v4 =	vld [tilespmem:s29+$0x240]  }
0x530: {  	[tilespmem:s17+$0x530] =	vst v1  }
0x531: {  	v1 =	vld [tilespmem:s0+$0x240]  }
0x532: {  	[tilespmem:s15+$0x540] =	vst v3  }
0x533: {  	v3 =	vld [tilespmem:s26+$0x250]  }
0x534: {  	[tilespmem:s16+$0x540] =	vst v4  }
0x535: {  	v4 =	vld [tilespmem:s29+$0x250]  }
0x536: {  	[tilespmem:s17+$0x540] =	vst v1  }
0x537: {  	(v2sf) =	vpush v2, $0xD;
	v1 =	vld [tilespmem:s0+$0x250]  }
0x538: {  	[tilespmem:s15+$0x550] =	vst v3;
	(v2sf) =	vpush v5, $0xB  }
0x539: {  	v3 =	vld [tilespmem:s26+$0x260]  }
0x53a: {  	[tilespmem:s16+$0x550] =	vst v4  }
0x53b: {  	v4 =	vld [tilespmem:s29+$0x260]  }
0x53c: {  	[tilespmem:s17+$0x550] =	vst v1  }
0x53d: {  	v1 =	vld [tilespmem:s0+$0x260]  }
0x53e: {  	[tilespmem:s15+$0x560] =	vst v3  }
0x53f: {  	v3 =	vld [tilespmem:s26+$0x270]  }
0x540: {  	[tilespmem:s16+$0x560] =	vst v4  }
0x541: {  	v4 =	vld [tilespmem:s29+$0x270]  }
0x542: {  	[tilespmem:s17+$0x560] =	vst v1  }
0x543: {  	v1 =	vld [tilespmem:s0+$0x270]  }
0x544: {  	[tilespmem:s15+$0x570] =	vst v3;
	s29 =	sand.u32 $0xFFFFFF80, s28  }
0x545: {  	v3 =	vld [tilespmem:s29+$0x200]  }
0x546: {  	s1 =	sand.u32 $0xFFFFFF80, s31;
	s29 =	spop (v2sf);
	[tilespmem:s16+$0x570] =	vst v4  }
0x547: {  	s0 =	spop (v2sf);
	v4 =	vld [tilespmem:s1+$0x200]  }
0x548: {  	s26 =	sand.u32 $0xFFFFFF80, s0;
	[tilespmem:s17+$0x570] =	vst v1  }
0x549: {  	v1 =	vld [tilespmem:s26+$0x200]  }
0x54a: {  	[tilespmem:s15+$0x580] =	vst v3  }
0x54b: {  	v3 =	vld [tilespmem:s28+$0x210]  }
0x54c: {  	[tilespmem:s16+$0x580] =	vst v4  }
0x54d: {  	v4 =	vld [tilespmem:s31+$0x210]  }
0x54e: {  	[tilespmem:s17+$0x580] =	vst v1  }
0x54f: {  	v1 =	vld [tilespmem:s0+$0x210]  }
0x550: {  	[tilespmem:s15+$0x590] =	vst v3  }
0x551: {  	v3 =	vld [tilespmem:s28+$0x220]  }
0x552: {  	[tilespmem:s16+$0x590] =	vst v4  }
0x553: {  	v4 =	vld [tilespmem:s31+$0x220]  }
0x554: {  	[tilespmem:s17+$0x590] =	vst v1  }
0x555: {  	v1 =	vld [tilespmem:s0+$0x220]  }
0x556: {  	[tilespmem:s15+$0x5A0] =	vst v3  }
0x557: {  	v3 =	vld [tilespmem:s28+$0x230]  }
0x558: {  	[tilespmem:s16+$0x5A0] =	vst v4  }
0x559: {  	v4 =	vld [tilespmem:s31+$0x230]  }
0x55a: {  	[tilespmem:s17+$0x5A0] =	vst v1  }
0x55b: {  	v1 =	vld [tilespmem:s0+$0x230]  }
0x55c: {  	[tilespmem:s15+$0x5B0] =	vst v3  }
0x55d: {  	v3 =	vld [tilespmem:s28+$0x240]  }
0x55e: {  	[tilespmem:s16+$0x5B0] =	vst v4  }
0x55f: {  	v4 =	vld [tilespmem:s31+$0x240]  }
0x560: {  	[tilespmem:s17+$0x5B0] =	vst v1  }
0x561: {  	v1 =	vld [tilespmem:s0+$0x240]  }
0x562: {  	[tilespmem:s15+$0x5C0] =	vst v3  }
0x563: {  	v3 =	vld [tilespmem:s28+$0x250]  }
0x564: {  	[tilespmem:s16+$0x5C0] =	vst v4  }
0x565: {  	v4 =	vld [tilespmem:s31+$0x250]  }
0x566: {  	[tilespmem:s17+$0x5C0] =	vst v1  }
0x567: {  	(v2sf) =	vpush v2, $0xE;
	v1 =	vld [tilespmem:s0+$0x250]  }
0x568: {  	(v2sf) =	vpush v5, $0xC;
	[tilespmem:s15+$0x5D0] =	vst v3  }
0x569: {  	v3 =	vld [tilespmem:s28+$0x260]  }
0x56a: {  	[tilespmem:s16+$0x5D0] =	vst v4  }
0x56b: {  	v4 =	vld [tilespmem:s31+$0x260]  }
0x56c: {  	[tilespmem:s17+$0x5D0] =	vst v1  }
0x56d: {  	v1 =	vld [tilespmem:s0+$0x260]  }
0x56e: {  	[tilespmem:s15+$0x5E0] =	vst v3  }
0x56f: {  	v3 =	vld [tilespmem:s28+$0x270]  }
0x570: {  	[tilespmem:s16+$0x5E0] =	vst v4  }
0x571: {  	v4 =	vld [tilespmem:s31+$0x270]  }
0x572: {  	[tilespmem:s17+$0x5E0] =	vst v1  }
0x573: {  	v1 =	vld [tilespmem:s0+$0x270]  }
0x574: {  	[tilespmem:s15+$0x5F0] =	vst v3;
	s31 =	sand.u32 $0xFFFFFF80, s25  }
0x575: {  	v3 =	vld [tilespmem:s31+$0x200]  }
0x576: {  	s1 =	sand.u32 $0xFFFFFF80, s30;
	s26 =	spop (v2sf);
	[tilespmem:s16+$0x5F0] =	vst v4  }
0x577: {  	s28 =	spop (v2sf);
	v4 =	vld [tilespmem:s1+$0x200]  }
0x578: {  	s31 =	sand.u32 $0xFFFFFF80, s28;
	[tilespmem:s17+$0x5F0] =	vst v1  }
0x579: {  	v1 =	vld [tilespmem:s31+$0x200]  }
0x57a: {  	[tilespmem:s15+$0x600] =	vst v3  }
0x57b: {  	v3 =	vld [tilespmem:s25+$0x210]  }
0x57c: {  	[tilespmem:s16+$0x600] =	vst v4  }
0x57d: {  	v4 =	vld [tilespmem:s30+$0x210]  }
0x57e: {  	[tilespmem:s17+$0x600] =	vst v1  }
0x57f: {  	v1 =	vld [tilespmem:s28+$0x210]  }
0x580: {  	[tilespmem:s15+$0x610] =	vst v3  }
0x581: {  	v3 =	vld [tilespmem:s25+$0x220]  }
0x582: {  	[tilespmem:s16+$0x610] =	vst v4  }
0x583: {  	v4 =	vld [tilespmem:s30+$0x220]  }
0x584: {  	[tilespmem:s17+$0x610] =	vst v1  }
0x585: {  	v1 =	vld [tilespmem:s28+$0x220]  }
0x586: {  	[tilespmem:s15+$0x620] =	vst v3  }
0x587: {  	v3 =	vld [tilespmem:s25+$0x230]  }
0x588: {  	[tilespmem:s16+$0x620] =	vst v4  }
0x589: {  	v4 =	vld [tilespmem:s30+$0x230]  }
0x58a: {  	[tilespmem:s17+$0x620] =	vst v1  }
0x58b: {  	v1 =	vld [tilespmem:s28+$0x230]  }
0x58c: {  	[tilespmem:s15+$0x630] =	vst v3  }
0x58d: {  	v3 =	vld [tilespmem:s25+$0x240]  }
0x58e: {  	[tilespmem:s16+$0x630] =	vst v4  }
0x58f: {  	v4 =	vld [tilespmem:s30+$0x240]  }
0x590: {  	[tilespmem:s17+$0x630] =	vst v1  }
0x591: {  	v1 =	vld [tilespmem:s28+$0x240]  }
0x592: {  	[tilespmem:s15+$0x640] =	vst v3  }
0x593: {  	v3 =	vld [tilespmem:s25+$0x250]  }
0x594: {  	[tilespmem:s16+$0x640] =	vst v4  }
0x595: {  	v4 =	vld [tilespmem:s30+$0x250]  }
0x596: {  	[tilespmem:s17+$0x640] =	vst v1  }
0x597: {  	(v2sf) =	vpush v2, $0xF;
	v1 =	vld [tilespmem:s28+$0x250]  }
0x598: {  	(v2sf) =	vpush v5, $0xD;
	[tilespmem:s15+$0x650] =	vst v3  }
0x599: {  	v58 =	vld [tilespmem:s25+$0x260]  }
0x59a: {  	[tilespmem:s16+$0x650] =	vst v4  }
0x59b: {  	v59 =	vld [tilespmem:s30+$0x260]  }
0x59c: {  	[tilespmem:s17+$0x650] =	vst v1  }
0x59d: {  	v1 =	vld [tilespmem:s28+$0x260]  }
0x59e: {  	[tilespmem:s15+$0x660] =	vst v58  }
0x59f: {  	v2 =	vld [tilespmem:s25+$0x270]  }
0x5a0: {  	[tilespmem:s16+$0x660] =	vst v59  }
0x5a1: {  	v3 =	vld [tilespmem:s30+$0x270]  }
0x5a2: {  	[tilespmem:s17+$0x660] =	vst v1  }
0x5a3: {  	v1 =	vld [tilespmem:s28+$0x270]  }
0x5a4: {  	s25 =	sand.u32 $0xFFFFFF80, s24;
	[tilespmem:s15+$0x670] =	vst v2  }
0x5a5: {  	v2 =	vld [tilespmem:s25+$0x200]  }
0x5a6: {  	s25 =	spop (v2sf);
	[tilespmem:s16+$0x670] =	vst v3;
	s28 =	sand.u32 $0xFFFFFF80, s29  }
0x5a7: {  	s30 =	spop (v2sf);
	v3 =	vld [tilespmem:s28+$0x200]  }
0x5a8: {  	v60 =	vld [tilespmem:s21+$0x210];
	s31 =	sand.u32 $0xFFFFFF80, s30;
	[tilespmem:s17+$0x670] =	vst v1  }
0x5a9: {  	v1 =	vld [tilespmem:s31+$0x200]  }
0x5aa: {  	[tilespmem:s15+$0x680] =	vst v2  }
0x5ab: {  	v2 =	vld [tilespmem:s24+$0x210]  }
0x5ac: {  	[tilespmem:s16+$0x680] =	vst v3  }
0x5ad: {  	[tilespmem:s13+$0x690] =	vst v60;
	v3 =	vld [tilespmem:s29+$0x210]  }
0x5ae: {  	v4 =	vld [tilespmem:s21+$0x220];
	[tilespmem:s17+$0x680] =	vst v1  }
0x5af: {  	v1 =	vld [tilespmem:s30+$0x210]  }
0x5b0: {  	[tilespmem:s15+$0x690] =	vst v2  }
0x5b1: {  	v2 =	vld [tilespmem:s24+$0x220]  }
0x5b2: {  	[tilespmem:s16+$0x690] =	vst v3  }
0x5b3: {  	[tilespmem:s13+$0x6A0] =	vst v4;
	v3 =	vld [tilespmem:s29+$0x220]  }
0x5b4: {  	v4 =	vld [tilespmem:s21+$0x230];
	[tilespmem:s17+$0x690] =	vst v1  }
0x5b5: {  	v1 =	vld [tilespmem:s30+$0x220]  }
0x5b6: {  	[tilespmem:s15+$0x6A0] =	vst v2  }
0x5b7: {  	v2 =	vld [tilespmem:s24+$0x230]  }
0x5b8: {  	[tilespmem:s16+$0x6A0] =	vst v3  }
0x5b9: {  	[tilespmem:s13+$0x6B0] =	vst v4;
	v3 =	vld [tilespmem:s29+$0x230]  }
0x5ba: {  	v4 =	vld [tilespmem:s21+$0x240];
	[tilespmem:s17+$0x6A0] =	vst v1  }
0x5bb: {  	v1 =	vld [tilespmem:s30+$0x230]  }
0x5bc: {  	[tilespmem:s15+$0x6B0] =	vst v2  }
0x5bd: {  	v2 =	vld [tilespmem:s24+$0x240]  }
0x5be: {  	[tilespmem:s16+$0x6B0] =	vst v3  }
0x5bf: {  	[tilespmem:s13+$0x6C0] =	vst v4;
	v3 =	vld [tilespmem:s29+$0x240]  }
0x5c0: {  	v4 =	vld [tilespmem:s21+$0x250];
	[tilespmem:s17+$0x6B0] =	vst v1  }
0x5c1: {  	v1 =	vld [tilespmem:s30+$0x240]  }
0x5c2: {  	[tilespmem:s15+$0x6C0] =	vst v2  }
0x5c3: {  	v2 =	vld [tilespmem:s24+$0x250]  }
0x5c4: {  	[tilespmem:s16+$0x6C0] =	vst v3  }
0x5c5: {  	[tilespmem:s13+$0x6D0] =	vst v4;
	v3 =	vld [tilespmem:s29+$0x250]  }
0x5c6: {  	v4 =	vld [tilespmem:s21+$0x260];
	[tilespmem:s17+$0x6C0] =	vst v1  }
0x5c7: {  	v1 =	vld [tilespmem:s30+$0x250]  }
0x5c8: {  	(v2sf) =	vpush v5, $0xE;
	[tilespmem:s15+$0x6D0] =	vst v2  }
0x5c9: {  	v2 =	vld [tilespmem:s24+$0x260]  }
0x5ca: {  	[tilespmem:s16+$0x6D0] =	vst v3  }
0x5cb: {  	[tilespmem:s13+$0x6E0] =	vst v4;
	v3 =	vld [tilespmem:s29+$0x260]  }
0x5cc: {  	v4 =	vld [tilespmem:s21+$0x270];
	[tilespmem:s17+$0x6D0] =	vst v1  }
0x5cd: {  	v1 =	vld [tilespmem:s30+$0x260]  }
0x5ce: {  	[tilespmem:s15+$0x6E0] =	vst v2  }
0x5cf: {  	v2 =	vld [tilespmem:s24+$0x270]  }
0x5d0: {  	[tilespmem:s16+$0x6E0] =	vst v3  }
0x5d1: {  	s28 =	sand.u32 $0xFFFFFF80, s20;
	[tilespmem:s13+$0x6F0] =	vst v4;
	v3 =	vld [tilespmem:s29+$0x270]  }
0x5d2: {  	v4 =	vld [tilespmem:s28+$0x200];
	[tilespmem:s17+$0x6E0] =	vst v1  }
0x5d3: {  	v1 =	vld [tilespmem:s30+$0x270]  }
0x5d4: {  	[tilespmem:s15+$0x6F0] =	vst v2;
	s29 =	sand.u32 $0xFFFFFF80, s23  }
0x5d5: {  	v2 =	vld [tilespmem:s29+$0x200]  }
0x5d6: {  	[tilespmem:s16+$0x6F0] =	vst v3;
	s30 =	sand.u32 $0xFFFFFF80, s26  }
0x5d7: {  	s31 =	spop (v2sf);
	[tilespmem:s13+$0x700] =	vst v4;
	v3 =	vld [tilespmem:s30+$0x200]  }
0x5d8: {  	s21 =	sand.u32 $0xFFFFFF80, s31;
	v4 =	vld [tilespmem:s20+$0x210];
	[tilespmem:s17+$0x6F0] =	vst v1  }
0x5d9: {  	v1 =	vld [tilespmem:s21+$0x200]  }
0x5da: {  	[tilespmem:s15+$0x700] =	vst v2  }
0x5db: {  	v2 =	vld [tilespmem:s23+$0x210]  }
0x5dc: {  	[tilespmem:s16+$0x700] =	vst v3  }
0x5dd: {  	[tilespmem:s13+$0x710] =	vst v4;
	v3 =	vld [tilespmem:s26+$0x210]  }
0x5de: {  	v4 =	vld [tilespmem:s20+$0x220];
	[tilespmem:s17+$0x700] =	vst v1  }
0x5df: {  	v1 =	vld [tilespmem:s31+$0x210]  }
0x5e0: {  	[tilespmem:s15+$0x710] =	vst v2  }
0x5e1: {  	v2 =	vld [tilespmem:s23+$0x220]  }
0x5e2: {  	[tilespmem:s16+$0x710] =	vst v3  }
0x5e3: {  	[tilespmem:s13+$0x720] =	vst v4;
	v3 =	vld [tilespmem:s26+$0x220]  }
0x5e4: {  	v4 =	vld [tilespmem:s20+$0x230];
	[tilespmem:s17+$0x710] =	vst v1  }
0x5e5: {  	v1 =	vld [tilespmem:s31+$0x220]  }
0x5e6: {  	[tilespmem:s15+$0x720] =	vst v2  }
0x5e7: {  	v2 =	vld [tilespmem:s23+$0x230]  }
0x5e8: {  	[tilespmem:s16+$0x720] =	vst v3  }
0x5e9: {  	[tilespmem:s13+$0x730] =	vst v4;
	v3 =	vld [tilespmem:s26+$0x230]  }
0x5ea: {  	v4 =	vld [tilespmem:s20+$0x240];
	[tilespmem:s17+$0x720] =	vst v1  }
0x5eb: {  	v1 =	vld [tilespmem:s31+$0x230]  }
0x5ec: {  	[tilespmem:s15+$0x730] =	vst v2  }
0x5ed: {  	v2 =	vld [tilespmem:s23+$0x240]  }
0x5ee: {  	[tilespmem:s16+$0x730] =	vst v3  }
0x5ef: {  	[tilespmem:s13+$0x740] =	vst v4;
	v3 =	vld [tilespmem:s26+$0x240]  }
0x5f0: {  	v4 =	vld [tilespmem:s20+$0x250];
	[tilespmem:s17+$0x730] =	vst v1  }
0x5f1: {  	v1 =	vld [tilespmem:s31+$0x240]  }
0x5f2: {  	[tilespmem:s15+$0x740] =	vst v2  }
0x5f3: {  	v2 =	vld [tilespmem:s23+$0x250]  }
0x5f4: {  	[tilespmem:s16+$0x740] =	vst v3  }
0x5f5: {  	[tilespmem:s13+$0x750] =	vst v4;
	v3 =	vld [tilespmem:s26+$0x250]  }
0x5f6: {  	v4 =	vld [tilespmem:s20+$0x260];
	[tilespmem:s17+$0x740] =	vst v1  }
0x5f7: {  	v1 =	vld [tilespmem:s31+$0x250]  }
0x5f8: {  	(v2sf) =	vpush v5, $0xF;
	[tilespmem:s15+$0x750] =	vst v2  }
0x5f9: {  	v2 =	vld [tilespmem:s23+$0x260]  }
0x5fa: {  	[tilespmem:s16+$0x750] =	vst v3  }
0x5fb: {  	[tilespmem:s13+$0x760] =	vst v4;
	v3 =	vld [tilespmem:s26+$0x260]  }
0x5fc: {  	v4 =	vld [tilespmem:s20+$0x270];
	[tilespmem:s17+$0x750] =	vst v1  }
0x5fd: {  	v1 =	vld [tilespmem:s31+$0x260]  }
0x5fe: {  	[tilespmem:s15+$0x760] =	vst v2  }
0x5ff: {  	v2 =	vld [tilespmem:s23+$0x270]  }
0x600: {  	[tilespmem:s16+$0x760] =	vst v3  }
0x601: {  	s24 =	sand.u32 $0xFFFFFF80, s14;
	[tilespmem:s13+$0x770] =	vst v4;
	v3 =	vld [tilespmem:s26+$0x270]  }
0x602: {  	v4 =	vld [tilespmem:s24+$0x200];
	[tilespmem:s17+$0x760] =	vst v1  }
0x603: {  	v1 =	vld [tilespmem:s31+$0x270]  }
0x604: {  	[tilespmem:s15+$0x770] =	vst v2;
	s26 =	sand.u32 $0xFFFFFF80, s22  }
0x605: {  	v2 =	vld [tilespmem:s26+$0x200]  }
0x606: {  	s28 =	sand.u32 $0xFFFFFF80, s25;
	[tilespmem:s16+$0x770] =	vst v3  }
0x607: {  	s29 =	spop (v2sf);
	[tilespmem:s13+$0x780] =	vst v4;
	v3 =	vld [tilespmem:s28+$0x200]  }
0x608: {  	s30 =	sand.u32 $0xFFFFFF80, s29;
	v4 =	vld [tilespmem:s14+$0x210];
	[tilespmem:s17+$0x770] =	vst v1  }
0x609: {  	v1 =	vld [tilespmem:s30+$0x200]  }
0x60a: {  	[tilespmem:s15+$0x780] =	vst v2  }
0x60b: {  	v2 =	vld [tilespmem:s22+$0x210]  }
0x60c: {  	[tilespmem:s16+$0x780] =	vst v3  }
0x60d: {  	[tilespmem:s13+$0x790] =	vst v4;
	v3 =	vld [tilespmem:s25+$0x210]  }
0x60e: {  	v4 =	vld [tilespmem:s14+$0x220];
	[tilespmem:s17+$0x780] =	vst v1  }
0x60f: {  	v1 =	vld [tilespmem:s29+$0x210]  }
0x610: {  	[tilespmem:s15+$0x790] =	vst v2  }
0x611: {  	v2 =	vld [tilespmem:s22+$0x220]  }
0x612: {  	[tilespmem:s16+$0x790] =	vst v3  }
0x613: {  	[tilespmem:s13+$0x7A0] =	vst v4;
	v3 =	vld [tilespmem:s25+$0x220]  }
0x614: {  	v4 =	vld [tilespmem:s14+$0x230];
	[tilespmem:s17+$0x790] =	vst v1  }
0x615: {  	v1 =	vld [tilespmem:s29+$0x220]  }
0x616: {  	[tilespmem:s15+$0x7A0] =	vst v2  }
0x617: {  	v2 =	vld [tilespmem:s22+$0x230]  }
0x618: {  	[tilespmem:s16+$0x7A0] =	vst v3  }
0x619: {  	[tilespmem:s13+$0x7B0] =	vst v4;
	v3 =	vld [tilespmem:s25+$0x230]  }
0x61a: {  	v4 =	vld [tilespmem:s14+$0x240];
	[tilespmem:s17+$0x7A0] =	vst v1  }
0x61b: {  	v1 =	vld [tilespmem:s29+$0x230]  }
0x61c: {  	[tilespmem:s15+$0x7B0] =	vst v2  }
0x61d: {  	v2 =	vld [tilespmem:s22+$0x240]  }
0x61e: {  	[tilespmem:s16+$0x7B0] =	vst v3  }
0x61f: {  	[tilespmem:s13+$0x7C0] =	vst v4;
	v3 =	vld [tilespmem:s25+$0x240]  }
0x620: {  	v4 =	vld [tilespmem:s14+$0x250];
	[tilespmem:s17+$0x7B0] =	vst v1  }
0x621: {  	v1 =	vld [tilespmem:s29+$0x240]  }
0x622: {  	[tilespmem:s15+$0x7C0] =	vst v2  }
0x623: {  	v2 =	vld [tilespmem:s22+$0x250]  }
0x624: {  	[tilespmem:s16+$0x7C0] =	vst v3  }
0x625: {  	[tilespmem:s13+$0x7D0] =	vst v4;
	v3 =	vld [tilespmem:s25+$0x250]  }
0x626: {  	v4 =	vld [tilespmem:s14+$0x260];
	[tilespmem:s17+$0x7C0] =	vst v1  }
0x627: {  	v1 =	vld [tilespmem:s29+$0x250]  }
0x628: {  	[tilespmem:s15+$0x7D0] =	vst v2  }
0x629: {  	[tilespmem:s12+$0x7E0] =	vst v52;
	v61 =	vld [tilespmem:s22+$0x260]  }
0x62a: {  	v62 =	vld [tilespmem:s18+$0x270];
	[tilespmem:s16+$0x7D0] =	vst v3  }
0x62b: {  	[tilespmem:s13+$0x7E0] =	vst v4;
	v3 =	vld [tilespmem:s25+$0x260]  }
0x62c: {  	v4 =	vld [tilespmem:s14+$0x270];
	[tilespmem:s17+$0x7D0] =	vst v1  }
0x62d: {  	v1 =	vld [tilespmem:s29+$0x260]  }
0x62e: {  	[tilespmem:s15+$0x7E0] =	vst v61  }
0x62f: {  	[tilespmem:s12+$0x7F0] =	vst v62;
	v0 =	vld [tilespmem:s22+$0x270]  }
0x630: {  	s31 =	sadd.s32 $0x100, s19;
	[tilespmem:s16+$0x7E0] =	vst v3  }
0x631: {  	[hbm4b:s31+s2] =	stream.linear.scatter [tilespmem:s12], [sflag:$0x3], $0x800, $0x38;
	[tilespmem:s13+$0x7F0] =	vst v4;
	v63 =	vld [tilespmem:s25+$0x270]  }
0x632: {  	s0 =	sadd.s32 $0x100, s31;
	[tilespmem:s17+$0x7E0] =	vst v1  }
0x633: {  	[hbm4b:s0+s2] =	stream.linear.scatter [tilespmem:s13], [sflag:$0x3], $0x800, $0x38;
	v1 =	vld [tilespmem:s29+$0x270]  }
0x634: {  	s11 =	sadd.s32 $0x1, s11;
	s0 =	sadd.s32 $0x100, s0;
	[tilespmem:s15+$0x7F0] =	vst v0  }
0x635: {  	[hbm4b:s0+s2] =	stream.linear.scatter [tilespmem:s15], [sflag:$0x3], $0x800, $0x38;
	[tilespmem:$0x10A00] =	vst v63  }
0x636: {  	p0 =	sne.s32 s11, s5;
	s0 =	sadd.s32 $0x100, s0;
	[tilespmem:s16+$0x7F0] =	vst v63  }
0x637: {  	[hbm4b:s0+s2] =	stream.linear.scatter [tilespmem:s16], [sflag:$0x3], $0x800, $0x38;
	[tilespmem:$0x10A00] =	vst v63  }
.Ltmp1:
0x638: {  	s0 =	sadd.s32 $0x100, s0;
	[tilespmem:s17+$0x7F0] =	vst v1;
	(pc) =	sbr.rel @p0 .LBB2_1-.Ltmp1, $4  }
0x639: {  	[hbm4b:s0+s2] =	stream.linear.scatter [tilespmem:s17], [sflag:$0x3], $0x800, $0x38;
	[tilespmem:$0x10A00] =	vst v63  }
0x63a: {  	_ =	swait.ge [sflag:s10], $0x10000  }
0x63b: {  	[sflag:s10] =	ssyncset.done $0x0  }
0x63c: {  	[sflag:s10] =	ssyncadd.s32 $0xFFFF0000  }
0x63d: {  	_ =	sfence.sel $0x180000  }
0x63e: {  	[bflag:$0x0] =	sbarrier.arrive $0xFFFF  }
0x63f: {  	_ =	strace $0x90000047  }
0x640: {  	s0 =	stileid.u32;
	[bflag:$0x2] =	sbarrier.arrive $0xFFFF  }
0x641: {  	p0 =	sne.s32 s0, $0x0;
	s0 =	rddreg [dreg:$0x2]  }
0x642: {  	s0 =	sadd.s32 @!p0 $0x100000, s0  }
0x643: {  	[sflag:s0] =	ssyncadd.tile.s32 @!p0 $0x1;
	_ =	shalt  }
.Lfunc_end2:
_tile_overlayer_lowered:
.L_overlay_start_2:
0x644: {  	(tag) =	ssettag $0x2  }
0x645: {  	s0 =	rddreg [dreg:$0x0];
	s2 =	stileid.u32  }
0x646: {  	s1 =	rddreg [dreg:$0x1];
	p0 =	sne.s32 s2, $0x0  }
0x647: {  	s3 =	rddreg [dreg:$0x2];
	[bflag:$0x3] =	sbarrier.arrive $0xFFFF;
	s2 =	simm.s32 @!p0 $0x1C04  }
0x648: {  	[timem:s3], [sflag:s2] =	dma.local @!p0 [hbm:s0], s1  }
0x649: {  	s0 =	simm.s32 @!p0 $0x4  }
0x64a: {  	_ =	swait.ge @!p0 [sflag:s0], s1  }
0x64b: {  	s1 =	ssub.s32 @!p0 $0x0, s1;
	[sflag:s0] =	ssyncset.done @!p0 $0x0  }
0x64c: {  	[sflag:s0] =	ssyncadd.s32 @!p0 s1  }
0x64d: {  	[bflag:$0x3] =	sbarrier.arrive $0xFFFF  }
0x64e: {  	_ =	shalt  }

</sc_bundles>
